<compile_context>
chip_gen: v7x
topology: tpu7x:2x2x1
jax: 0.10.2.dev20260603
libtpu: 0.0.44.dev20260713+nightly
codegen_flags: <defaults>
</compile_context>

<pallas_src>
import functools

import jax
import jax.numpy as jnp
from jax import lax
from jax.experimental import pallas as pl
from jax.experimental.pallas import tpu as pltpu
from jax.experimental.pallas import tpu_sc as plsc

N = 10000
K = 16
F = 256

BQ = 200
NPAD = 10112
NLPT = 4
NCHAIN = 4
_IMAX = 0x7FFFFFFF


def _knn_body(posq_ref, post_ref, out_ref):
    q = posq_ref[...]
    pt = post_ref[...]
    sq = jnp.sum(pt * pt, axis=0, keepdims=True)
    qq = jnp.sum(q * q, axis=1, keepdims=True)
    d2 = qq - 2.0 * lax.dot_general(q, pt, (((1,), (0,)), ((), ())),
                                    preferred_element_type=jnp.float32) + sq
    iota = lax.broadcasted_iota(jnp.int32, (BQ, NPAD), 1)
    bits = lax.bitcast_convert_type(jnp.maximum(d2, 0.0), jnp.int32)
    key = (bits & jnp.int32(-16384)) | iota

    tops = [[jnp.full((BQ, 128), jnp.int32(_IMAX), jnp.int32)
             for _ in range(NLPT)] for _ in range(NCHAIN)]
    for c in range(NPAD // 128):
        x = key[:, c * 128:(c + 1) * 128]
        tset = tops[c % NCHAIN]
        for i in range(NLPT):
            ti = tset[i]
            lo = jnp.minimum(ti, x)
            x = jnp.maximum(ti, x)
            tset[i] = lo

    cand = jnp.concatenate(sum(tops, []), axis=1)
    cols = []
    for _ in range(K):
        m = jnp.min(cand, axis=1, keepdims=True)
        cols.append(m & jnp.int32(16383))
        cand = jnp.where(cand == m, jnp.int32(_IMAX), cand)
    out_ref[...] = jnp.concatenate(cols, axis=1)

    v = m
    tlast = tops[0][NLPT - 1]
    for tset in tops[1:]:
        tlast = jnp.minimum(tlast, tset[NLPT - 1])
    flag = jnp.any(jnp.min(tlast, axis=1, keepdims=True) < v)

    @pl.when(flag)
    def _slow():
        kk = key
        cols2 = []
        for _ in range(K):
            mm = jnp.min(kk, axis=1, keepdims=True)
            cols2.append(mm & jnp.int32(16383))
            kk = jnp.where(kk == mm, jnp.int32(_IMAX), kk)
        out_ref[...] = jnp.concatenate(cols2, axis=1)


def _knn(pos, post):
    return pl.pallas_call(
        _knn_body,
        grid=(N // BQ,),
        in_specs=[
            pl.BlockSpec((BQ, 3), lambda i: (i, 0)),
            pl.BlockSpec((3, NPAD), lambda i: (0, 0)),
        ],
        out_specs=pl.BlockSpec((BQ, K), lambda i: (i, 0)),
        out_shape=jax.ShapeDtypeStruct((N, K), jnp.int32),
    )(pos, post)


def _pack_bf16(g):
    ge = g[:, :128].astype(jnp.bfloat16).astype(jnp.float32)
    go = g[:, 128:].astype(jnp.bfloat16).astype(jnp.float32)
    eb = lax.bitcast_convert_type(ge, jnp.int32)
    ob = lax.bitcast_convert_type(go, jnp.int32)
    return lax.shift_right_logical(eb, 16) | (ob & jnp.int32(-65536))


def _unpack_bf16(w):
    even = lax.bitcast_convert_type(lax.shift_left(w, 16), jnp.float32)
    odd = lax.bitcast_convert_type(w & jnp.int32(-65536), jnp.float32)
    return jnp.concatenate([even, odd], axis=1)


BT = 400


def _tables_body(pos_ref, w1_ref, w2p_ref, w3p_ref, ba1_ref, ba2_ref, ba3_ref,
                 g1_ref, c1_ref, b2_ref, c2_ref, b3_ref, c3_ref):
    p = pos_ref[...]

    def mm(w):
        return lax.dot_general(p, w, (((1,), (0,)), ((), ())),
                               preferred_element_type=jnp.float32)

    w1 = w1_ref[...]
    b1 = mm(w1[3:6, :])
    g1_ref[...] = _pack_bf16(mm(w1[0:3, :]) + b1)
    c1_ref[...] = b1 - ba1_ref[...]
    b2 = mm(w2p_ref[...])
    b2_ref[...] = b2
    c2_ref[...] = b2 - ba2_ref[...]
    b3 = mm(w3p_ref[...])
    b3_ref[...] = b3
    c3_ref[...] = b3 - ba3_ref[...]


def _tables(pos, w1a, w2p, w3p, ba1, ba2, ba3):
    outf = jax.ShapeDtypeStruct((N, F), jnp.float32)
    outb = jax.ShapeDtypeStruct((N, F // 2), jnp.int32)
    return pl.pallas_call(
        _tables_body,
        grid=(N // BT,),
        in_specs=[
            pl.BlockSpec((BT, 3), lambda i: (i, 0)),
            pl.BlockSpec((6, F), lambda i: (0, 0)),
            pl.BlockSpec((3, F), lambda i: (0, 0)),
            pl.BlockSpec((3, F), lambda i: (0, 0)),
            pl.BlockSpec((1, F), lambda i: (0, 0)),
            pl.BlockSpec((1, F), lambda i: (0, 0)),
            pl.BlockSpec((1, F), lambda i: (0, 0)),
        ],
        out_specs=[pl.BlockSpec((BT, F // 2), lambda i: (i, 0))]
        + [pl.BlockSpec((BT, F), lambda i: (i, 0))] * 5,
        out_shape=[outb, outf, outf, outf, outf, outf],
    )(pos, w1a, w2p, w3p, ba1, ba2, ba3)


_NC = 2
_NS = 16
_NW = _NC * _NS
_EDGES = N * K
_PER_W = _EDGES // _NW
_CH = 200
_NCH = _PER_W // _CH


def _sc_gather(table, idx):
    mesh = plsc.VectorSubcoreMesh(core_axis_name="c", subcore_axis_name="s")

    @functools.partial(
        pl.kernel,
        mesh=mesh,
        out_type=jax.ShapeDtypeStruct((_EDGES, F // 2), jnp.int32),
        scratch_types=[
            pltpu.VMEM((_CH,), jnp.int32),
            pltpu.VMEM((_CH, F // 2), jnp.int32),
            pltpu.SemaphoreType.DMA,
        ],
    )
    def gk(idx_hbm, table_hbm, out_hbm, idx_v, rows_v, sem):
        wid = lax.axis_index("s") * _NC + lax.axis_index("c")
        base = wid * _PER_W

        def body(c, carry):
            off = base + c * _CH
            pltpu.sync_copy(idx_hbm.at[pl.ds(off, _CH)], idx_v)
            pltpu.async_copy(table_hbm.at[idx_v], rows_v, sem).wait()
            pltpu.sync_copy(rows_v, out_hbm.at[pl.ds(off, _CH)])
            return carry

        lax.fori_loop(0, _NCH, body, 0)

    return gk(idx, table)


BN = 400


def _mmf(a, w):
    return lax.dot_general(a, w, (((1,), (0,)), ((), ())),
                           preferred_element_type=jnp.float32)


def _conv_core(x_ref, cdst_ref, wb_ref, bb_ref):
    cdst = cdst_ref[...]
    wb = wb_ref[...]
    acc = jnp.full((BN, F), -jnp.inf, jnp.float32)
    for j in range(K):
        z = _unpack_bf16(x_ref[j]) - cdst
        zb = jnp.maximum(z, 0.0).astype(jnp.bfloat16)
        acc = jnp.maximum(acc, _mmf(zb, wb))
    return jnp.maximum(acc + bb_ref[...], 0.0)


def _conv_g_body(x_ref, cdst_ref, wb_ref, bb_ref,
                 wnext_ref, bnext_ref, g_ref):
    h = _conv_core(x_ref, cdst_ref, wb_ref, bb_ref)
    g = _mmf(h.astype(jnp.bfloat16), wnext_ref[...]) + bnext_ref[...]
    g_ref[...] = _pack_bf16(g)


def _conv_g(x, cdst, wb, bb, wnext, bnext):
    return pl.pallas_call(
        _conv_g_body,
        grid=(N // BN,),
        in_specs=[
            pl.BlockSpec((K, BN, F // 2), lambda i: (0, i, 0)),
            pl.BlockSpec((BN, F), lambda i: (i, 0)),
            pl.BlockSpec((F, F), lambda i: (0, 0)),
            pl.BlockSpec((1, F), lambda i: (0, 0)),
            pl.BlockSpec((F, F), lambda i: (0, 0)),
            pl.BlockSpec((BN, F), lambda i: (i, 0)),
        ],
        out_specs=pl.BlockSpec((BN, F // 2), lambda i: (i, 0)),
        out_shape=jax.ShapeDtypeStruct((N, F // 2), jnp.int32),
    )(x, cdst, wb, bb, wnext, bnext)


def _conv_head_body(x_ref, cdst_ref, wb_ref, bb_ref,
                    wh1_ref, bh1_ref, wh2_ref, bh2_ref, wh3_ref, bh3_ref,
                    out_ref):
    h = _conv_core(x_ref, cdst_ref, wb_ref, bb_ref)
    t = jnp.maximum(_mmf(h, wh1_ref[...]) + bh1_ref[...], 0.0)
    t = jnp.maximum(_mmf(t, wh2_ref[...]) + bh2_ref[...], 0.0)
    o = _mmf(t, wh3_ref[...]) + bh3_ref[...]
    out_ref[...] = 1.0 / (1.0 + jnp.exp(-o))


def _conv_head(x, cdst, wb, bb, wh1, bh1, wh2, bh2, wh3, bh3):
    return pl.pallas_call(
        _conv_head_body,
        grid=(N // BN,),
        in_specs=[
            pl.BlockSpec((K, BN, F // 2), lambda i: (0, i, 0)),
            pl.BlockSpec((BN, F), lambda i: (i, 0)),
            pl.BlockSpec((F, F), lambda i: (0, 0)),
            pl.BlockSpec((1, F), lambda i: (0, 0)),
            pl.BlockSpec((F, 128), lambda i: (0, 0)),
            pl.BlockSpec((1, 128), lambda i: (0, 0)),
            pl.BlockSpec((128, 128), lambda i: (0, 0)),
            pl.BlockSpec((1, 128), lambda i: (0, 0)),
            pl.BlockSpec((128, 1), lambda i: (0, 0)),
            pl.BlockSpec((1, 1), lambda i: (0, 0)),
        ],
        out_specs=pl.BlockSpec((BN, 1), lambda i: (i, 0)),
        out_shape=jax.ShapeDtypeStruct((N, 1), jnp.float32),
    )(x, cdst, wb, bb, wh1, bh1, wh2, bh2, wh3, bh3)


def kernel(pos, W1a, b1a, W1b, b1b, W2a, b2a, W2b, b2b, W3a, b3a, W3b, b3b,
           Wh1, bh1, Wh2, bh2, Wh3, bh3):
    post = jnp.pad(pos.T, ((0, 0), (0, NPAD - N)),
                   constant_values=1e15)
    nbr = _knn(pos, post)
    idx = nbr.T.reshape(-1)

    r = lambda b: b.reshape(1, -1)
    bf = lambda w: w.astype(jnp.bfloat16)
    g1, c1, b2t, c2, b3t, c3 = _tables(pos, W1a, W2a[256:, :], W3a[256:, :],
                                       r(b1a), r(b2a), r(b3a))
    x = _sc_gather(g1, idx).reshape(K, N, F // 2)
    g2 = _conv_g(x, c1, bf(W1b), r(b1b), bf(W2a[:256, :]), b2t)
    x = _sc_gather(g2, idx).reshape(K, N, F // 2)
    g3 = _conv_g(x, c2, bf(W2b), r(b2b), bf(W3a[:256, :]), b3t)
    x = _sc_gather(g3, idx).reshape(K, N, F // 2)
    return _conv_head(x, c3, bf(W3b), r(b3b),
                      Wh1, r(bh1), Wh2, r(bh2), Wh3, r(bh3))

# --- scband reference (transcript-rebuilt; emitter-appended) ---
"""Pipeline reference for scband-point-net-75290776699481 (READ-ONLY COPY).

The authoritative reference and input builder live on the scoring server;
editing this copy changes nothing except your own understanding.
"""

import jax, jax.numpy as jnp
import numpy as np

K = 16
N_NODES = 10000


def _knn_edges(pos, k=K, chunk=1000):
    N = pos.shape[0]
    sq = jnp.sum(pos * pos, axis=-1)
    idx_list = []
    for s in range(0, N, chunk):
        q = pos[s:s + chunk]
        d2 = jnp.sum(q * q, axis=-1, keepdims=True) - 2.0 * (q @ pos.T) + sq[None, :]
        _, idx = jax.lax.top_k(-d2, k)
        idx_list.append(idx)
    nbr = jnp.concatenate(idx_list, axis=0)  # [N, k], includes self (loop=True)
    src = nbr.reshape(-1)
    dst = jnp.repeat(jnp.arange(N), k)
    return src, dst


def _mlp2(x, W1, b1, W2, b2):
    return jax.nn.relu(x @ W1 + b1) @ W2 + b2


def _pointnet_conv(h, pos, src, dst, W1, b1, W2, b2):
    x_j = h[src]
    rel = pos[src] - pos[dst]
    msg = _mlp2(jnp.concatenate([x_j, rel], axis=-1), W1, b1, W2, b2)
    return jax.ops.segment_max(msg, dst, num_segments=pos.shape[0])


def _linear_init(key, fan_in, fan_out):
    k1, k2 = jax.random.split(key)
    bound = 1.0 / np.sqrt(fan_in)
    W = jax.random.uniform(k1, (fan_in, fan_out), minval=-bound, maxval=bound, dtype=jnp.float32)
    b = jax.random.uniform(k2, (fan_out,), minval=-bound, maxval=bound, dtype=jnp.float32)
    return W, b


def setup_inputs(seed: int = 0) -> dict:
    key = jax.random.key(seed)
    keys = jax.random.split(key, 16)
    pos = jax.random.normal(keys[0], (N_NODES, 3), dtype=jnp.float32)
    # conv1: Linear(3+3, 256), Linear(256, 256)
    W1a, b1a = _linear_init(keys[1], 6, 256)
    W1b, b1b = _linear_init(keys[2], 256, 256)
    # conv2: Linear(256+3, 256), Linear(256, 256)
    W2a, b2a = _linear_init(keys[3], 259, 256)
    W2b, b2b = _linear_init(keys[4], 256, 256)
    # conv3: Linear(256+3, 256), Linear(256, 256)
    W3a, b3a = _linear_init(keys[5], 259, 256)
    W3b, b3b = _linear_init(keys[6], 256, 256)
    # classifier head: Linear(256,128), Linear(128,128), Linear(128,1)
    Wh1, bh1 = _linear_init(keys[7], 256, 128)
    Wh2, bh2 = _linear_init(keys[8], 128, 128)
    Wh3, bh3 = _linear_init(keys[9], 128, 1)
    return {
        'pos': pos,
        'W1a': W1a, 'b1a': b1a, 'W1b': W1b, 'b1b': b1b,
        'W2a': W2a, 'b2a': b2a, 'W2b': W2b, 'b2b': b2b,
        'W3a': W3a, 'b3a': b3a, 'W3b': W3b, 'b3b': b3b,
        'Wh1': Wh1, 'bh1': bh1, 'Wh2': Wh2, 'bh2': bh2, 'Wh3': Wh3, 'bh3': bh3,
    }


def reference(pos, W1a, b1a, W1b, b1b, W2a, b2a, W2b, b2b, W3a, b3a, W3b, b3b, Wh1, bh1, Wh2, bh2, Wh3, bh3):
    src, dst = _knn_edges(pos)
    h = _pointnet_conv(pos, pos, src, dst, W1a, b1a, W1b, b1b)
    h = jax.nn.relu(h)
    h = _pointnet_conv(h, pos, src, dst, W2a, b2a, W2b, b2b)
    h = jax.nn.relu(h)
    h = _pointnet_conv(h, pos, src, dst, W3a, b3a, W3b, b3b)
    h = jax.nn.relu(h)
    h = jax.nn.relu(h @ Wh1 + bh1)
    h = jax.nn.relu(h @ Wh2 + bh2)
    h = h @ Wh3 + bh3
    return jax.nn.sigmoid(h)

if __name__ == "__main__":
    import jax
    _d = setup_inputs()
    print(jax.jit(kernel)(*tuple(_d.values())))

</pallas_src>

<mosaic_0001>
#map = affine_map<(d0, d1) -> (0)>
#map1 = affine_map<(d0, d1) -> (0, 0)>
module attributes {stable_mosaic.version = 14 : i64} {
  func.func @gk(%arg0: i32, %arg1: i32, %arg2: memref<160000xi32, #tpu.memory_space<hbm>>, %arg3: memref<10000x128xi32, #tpu.memory_space<hbm>>, %arg4: memref<160000x128xi32, #tpu.memory_space<hbm>>, %arg5: memref<200xi32, #tpu.memory_space<vmem>>, %arg6: memref<200x128xi32, #tpu.memory_space<vmem>>, %arg7: memref<!tpu.dma_semaphore, #tpu.memory_space<semaphore_mem>>) attributes {dimension_semantics = [#tpu.dimension_semantics<core_parallel>, #tpu.dimension_semantics<subcore_parallel>], iteration_bounds = array<i64: 2, 16>, scalar_prefetch = 0 : i64, scratch_operands = 3 : i64, tpu.core_type = #tpu.core_type<sc_vector_subcore>, window_params = [{transform_indices = #map}, {transform_indices = #map1}, {transform_indices = #map1}]} {
    %mul3A = arith.constant 2 : i32
    %mul3A_0 = arith.muli %arg1, %mul3A : i32
    %add3A = arith.addi %mul3A_0, %arg0 : i32
    %mul3A_1 = arith.constant 5000 : i32
    %mul3A_2 = arith.muli %add3A, %mul3A_1 : i32
    %scan3A = arith.constant 0 : i32
    %scan3A_3 = arith.constant 0 : i32
    %scan3A_4 = arith.constant 25 : i32
    %scan3A_5 = arith.addi %scan3A_3, %scan3A_4 : i32
    %scan3A_6 = arith.constant 1 : i32
    scf.for %scan3A_8 = %scan3A_3 to %scan3A_5 step %scan3A_6  : i32 {
      %mul3A_9 = arith.constant 200 : i32
      %mul3A_10 = arith.muli %scan3A_8, %mul3A_9 : i32
      %add3A_11 = arith.addi %mul3A_2, %mul3A_10 : i32
      "tpu.region"() ({
        %run_scoped3A = tpu.sem_alloc : memref<!tpu.dma_semaphore, #tpu.memory_space<semaphore_mem>>
        %dma_start3A_16 = tpu.memref_slice %arg2[%add3A_11] : memref<160000xi32, #tpu.memory_space<hbm>> -> memref<200xi32, #tpu.memory_space<hbm>>
        %dma_start3A_17 = tpu.memref_slice %arg2[%add3A_11] : memref<160000xi32, #tpu.memory_space<hbm>> -> memref<200xi32, #tpu.memory_space<hbm>>
        tpu.enqueue_dma source(%dma_start3A_17 : memref<200xi32, #tpu.memory_space<hbm>>) target(%arg5 : memref<200xi32, #tpu.memory_space<vmem>>) target_semaphore(%run_scoped3A : memref<!tpu.dma_semaphore, #tpu.memory_space<semaphore_mem>>)
        %dma_wait3A_18 = tpu.memref_slice %arg2[%add3A_11] : memref<160000xi32, #tpu.memory_space<hbm>> -> memref<200xi32, #tpu.memory_space<hbm>>
        %dma_wait3A_19 = tpu.memref_slice %arg2[%add3A_11] : memref<160000xi32, #tpu.memory_space<hbm>> -> memref<200xi32, #tpu.memory_space<hbm>>
        tpu.wait_dma2 semaphore(%run_scoped3A : memref<!tpu.dma_semaphore, #tpu.memory_space<semaphore_mem>>) src(%dma_wait3A_19 : memref<200xi32, #tpu.memory_space<hbm>>) dst(%arg5 : memref<200xi32, #tpu.memory_space<vmem>>)
        tpu.yield
      }) : () -> ()
      %dma_start3A = arith.constant 0 : i32
      %dma_start3A_12 = arith.constant 0 : i32
      %dma_start3A_13 = tpu.memref_slice %arg3[%dma_start3A, %dma_start3A_12] : memref<10000x128xi32, #tpu.memory_space<hbm>> -> memref<10000x128xi32, #tpu.memory_space<hbm>>
      tpu.enqueue_indirect_dma source(%dma_start3A_13 : memref<10000x128xi32, #tpu.memory_space<hbm>>) target(%arg6 : memref<200x128xi32, #tpu.memory_space<vmem>>) offsets(%arg5 : memref<200xi32, #tpu.memory_space<vmem>>) semaphore(%arg7 : memref<!tpu.dma_semaphore, #tpu.memory_space<semaphore_mem>>)
      %dma_wait3A = arith.constant 0 : i32
      %dma_wait3A_14 = arith.constant 0 : i32
      %dma_wait3A_15 = tpu.memref_slice %arg3[%dma_wait3A, %dma_wait3A_14] : memref<10000x128xi32, #tpu.memory_space<hbm>> -> memref<10000x128xi32, #tpu.memory_space<hbm>>
      tpu.wait_indirect_dma semaphore(%arg7 : memref<!tpu.dma_semaphore, #tpu.memory_space<semaphore_mem>>) src(%dma_wait3A_15 : memref<10000x128xi32, #tpu.memory_space<hbm>>) dst(%arg6 : memref<200x128xi32, #tpu.memory_space<vmem>>)
      "tpu.region"() ({
        %run_scoped3A = tpu.sem_alloc : memref<!tpu.dma_semaphore, #tpu.memory_space<semaphore_mem>>
        %dma_start3A_16 = arith.constant 0 : i32
        %dma_start3A_17 = tpu.memref_slice %arg4[%add3A_11, %dma_start3A_16] : memref<160000x128xi32, #tpu.memory_space<hbm>> -> memref<200x128xi32, #tpu.memory_space<hbm>>
        %dma_start3A_18 = arith.constant 0 : i32
        %dma_start3A_19 = tpu.memref_slice %arg4[%add3A_11, %dma_start3A_18] : memref<160000x128xi32, #tpu.memory_space<hbm>> -> memref<200x128xi32, #tpu.memory_space<hbm>>
        tpu.enqueue_dma source(%arg6 : memref<200x128xi32, #tpu.memory_space<vmem>>) target(%dma_start3A_19 : memref<200x128xi32, #tpu.memory_space<hbm>>) target_semaphore(%run_scoped3A : memref<!tpu.dma_semaphore, #tpu.memory_space<semaphore_mem>>)
        %dma_wait3A_20 = arith.constant 0 : i32
        %dma_wait3A_21 = tpu.memref_slice %arg4[%add3A_11, %dma_wait3A_20] : memref<160000x128xi32, #tpu.memory_space<hbm>> -> memref<200x128xi32, #tpu.memory_space<hbm>>
        %dma_wait3A_22 = arith.constant 0 : i32
        %dma_wait3A_23 = tpu.memref_slice %arg4[%add3A_11, %dma_wait3A_22] : memref<160000x128xi32, #tpu.memory_space<hbm>> -> memref<200x128xi32, #tpu.memory_space<hbm>>
        tpu.wait_dma2 semaphore(%run_scoped3A : memref<!tpu.dma_semaphore, #tpu.memory_space<semaphore_mem>>) src(%arg6 : memref<200x128xi32, #tpu.memory_space<vmem>>) dst(%dma_wait3A_23 : memref<200x128xi32, #tpu.memory_space<hbm>>)
        tpu.yield
      }) : () -> ()
    }
    %scan3A_7 = arith.constant 25 : i32
    return
  }
}

#map = affine_map<(d0, d1) -> (0)>
#map1 = affine_map<(d0, d1) -> (0, 0)>
module attributes {stable_mosaic.version = 14 : i64} {
  func.func @gk(%arg0: i32, %arg1: i32, %arg2: memref<160000xi32, #tpu.memory_space<hbm>>, %arg3: memref<10000x128xi32, #tpu.memory_space<hbm>>, %arg4: memref<160000x128xi32, #tpu.memory_space<hbm>>, %arg5: memref<200xi32, #tpu.memory_space<vmem>>, %arg6: memref<200x128xi32, #tpu.memory_space<vmem>>, %arg7: memref<!tpu.dma_semaphore, #tpu.memory_space<semaphore_mem>>) attributes {dimension_semantics = [#tpu.dimension_semantics<core_parallel>, #tpu.dimension_semantics<subcore_parallel>], iteration_bounds = array<i64: 2, 16>, scalar_prefetch = 0 : i64, scratch_operands = 3 : i64, tpu.core_type = #tpu.core_type<sc_vector_subcore>, window_params = [{transform_indices = #map}, {transform_indices = #map1}, {transform_indices = #map1}]} {
    %mul3A = arith.constant 2 : i32
    %mul3A_0 = arith.muli %arg1, %mul3A : i32
    %add3A = arith.addi %mul3A_0, %arg0 : i32
    %mul3A_1 = arith.constant 5000 : i32
    %mul3A_2 = arith.muli %add3A, %mul3A_1 : i32
    %scan3A = arith.constant 0 : i32
    %scan3A_3 = arith.constant 0 : i32
    %scan3A_4 = arith.constant 25 : i32
    %scan3A_5 = arith.addi %scan3A_3, %scan3A_4 : i32
    %scan3A_6 = arith.constant 1 : i32
    scf.for %scan3A_8 = %scan3A_3 to %scan3A_5 step %scan3A_6  : i32 {
      %mul3A_9 = arith.constant 200 : i32
      %mul3A_10 = arith.muli %scan3A_8, %mul3A_9 : i32
      %add3A_11 = arith.addi %mul3A_2, %mul3A_10 : i32
      "tpu.region"() ({
        %run_scoped3A = tpu.sem_alloc : memref<!tpu.dma_semaphore, #tpu.memory_space<semaphore_mem>>
        %dma_start3A_16 = tpu.memref_slice %arg2[%add3A_11] : memref<160000xi32, #tpu.memory_space<hbm>> -> memref<200xi32, #tpu.memory_space<hbm>>
        %dma_start3A_17 = tpu.memref_slice %arg2[%add3A_11] : memref<160000xi32, #tpu.memory_space<hbm>> -> memref<200xi32, #tpu.memory_space<hbm>>
        tpu.enqueue_dma source(%dma_start3A_17 : memref<200xi32, #tpu.memory_space<hbm>>) target(%arg5 : memref<200xi32, #tpu.memory_space<vmem>>) target_semaphore(%run_scoped3A : memref<!tpu.dma_semaphore, #tpu.memory_space<semaphore_mem>>)
        %dma_wait3A_18 = tpu.memref_slice %arg2[%add3A_11] : memref<160000xi32, #tpu.memory_space<hbm>> -> memref<200xi32, #tpu.memory_space<hbm>>
        %dma_wait3A_19 = tpu.memref_slice %arg2[%add3A_11] : memref<160000xi32, #tpu.memory_space<hbm>> -> memref<200xi32, #tpu.memory_space<hbm>>
        tpu.wait_dma2 semaphore(%run_scoped3A : memref<!tpu.dma_semaphore, #tpu.memory_space<semaphore_mem>>) src(%dma_wait3A_19 : memref<200xi32, #tpu.memory_space<hbm>>) dst(%arg5 : memref<200xi32, #tpu.memory_space<vmem>>)
        tpu.yield
      }) : () -> ()
      %dma_start3A = arith.constant 0 : i32
      %dma_start3A_12 = arith.constant 0 : i32
      %dma_start3A_13 = tpu.memref_slice %arg3[%dma_start3A, %dma_start3A_12] : memref<10000x128xi32, #tpu.memory_space<hbm>> -> memref<10000x128xi32, #tpu.memory_space<hbm>>
      tpu.enqueue_indirect_dma source(%dma_start3A_13 : memref<10000x128xi32, #tpu.memory_space<hbm>>) target(%arg6 : memref<200x128xi32, #tpu.memory_space<vmem>>) offsets(%arg5 : memref<200xi32, #tpu.memory_space<vmem>>) semaphore(%arg7 : memref<!tpu.dma_semaphore, #tpu.memory_space<semaphore_mem>>)
      %dma_wait3A = arith.constant 0 : i32
      %dma_wait3A_14 = arith.constant 0 : i32
      %dma_wait3A_15 = tpu.memref_slice %arg3[%dma_wait3A, %dma_wait3A_14] : memref<10000x128xi32, #tpu.memory_space<hbm>> -> memref<10000x128xi32, #tpu.memory_space<hbm>>
      tpu.wait_indirect_dma semaphore(%arg7 : memref<!tpu.dma_semaphore, #tpu.memory_space<semaphore_mem>>) src(%dma_wait3A_15 : memref<10000x128xi32, #tpu.memory_space<hbm>>) dst(%arg6 : memref<200x128xi32, #tpu.memory_space<vmem>>)
      "tpu.region"() ({
        %run_scoped3A = tpu.sem_alloc : memref<!tpu.dma_semaphore, #tpu.memory_space<semaphore_mem>>
        %dma_start3A_16 = arith.constant 0 : i32
        %dma_start3A_17 = tpu.memref_slice %arg4[%add3A_11, %dma_start3A_16] : memref<160000x128xi32, #tpu.memory_space<hbm>> -> memref<200x128xi32, #tpu.memory_space<hbm>>
        %dma_start3A_18 = arith.constant 0 : i32
        %dma_start3A_19 = tpu.memref_slice %arg4[%add3A_11, %dma_start3A_18] : memref<160000x128xi32, #tpu.memory_space<hbm>> -> memref<200x128xi32, #tpu.memory_space<hbm>>
        tpu.enqueue_dma source(%arg6 : memref<200x128xi32, #tpu.memory_space<vmem>>) target(%dma_start3A_19 : memref<200x128xi32, #tpu.memory_space<hbm>>) target_semaphore(%run_scoped3A : memref<!tpu.dma_semaphore, #tpu.memory_space<semaphore_mem>>)
        %dma_wait3A_20 = arith.constant 0 : i32
        %dma_wait3A_21 = tpu.memref_slice %arg4[%add3A_11, %dma_wait3A_20] : memref<160000x128xi32, #tpu.memory_space<hbm>> -> memref<200x128xi32, #tpu.memory_space<hbm>>
        %dma_wait3A_22 = arith.constant 0 : i32
        %dma_wait3A_23 = tpu.memref_slice %arg4[%add3A_11, %dma_wait3A_22] : memref<160000x128xi32, #tpu.memory_space<hbm>> -> memref<200x128xi32, #tpu.memory_space<hbm>>
        tpu.wait_dma2 semaphore(%run_scoped3A : memref<!tpu.dma_semaphore, #tpu.memory_space<semaphore_mem>>) src(%arg6 : memref<200x128xi32, #tpu.memory_space<vmem>>) dst(%dma_wait3A_23 : memref<200x128xi32, #tpu.memory_space<hbm>>)
        tpu.yield
      }) : () -> ()
    }
    %scan3A_7 = arith.constant 25 : i32
    return
  }
}

#map = affine_map<(d0, d1) -> (0)>
#map1 = affine_map<(d0, d1) -> (0, 0)>
module attributes {stable_mosaic.version = 14 : i64} {
  func.func @gk(%arg0: i32, %arg1: i32, %arg2: memref<160000xi32, #tpu.memory_space<hbm>>, %arg3: memref<10000x128xi32, #tpu.memory_space<hbm>>, %arg4: memref<160000x128xi32, #tpu.memory_space<hbm>>, %arg5: memref<200xi32, #tpu.memory_space<vmem>>, %arg6: memref<200x128xi32, #tpu.memory_space<vmem>>, %arg7: memref<!tpu.dma_semaphore, #tpu.memory_space<semaphore_mem>>) attributes {dimension_semantics = [#tpu.dimension_semantics<core_parallel>, #tpu.dimension_semantics<subcore_parallel>], iteration_bounds = array<i64: 2, 16>, scalar_prefetch = 0 : i64, scratch_operands = 3 : i64, tpu.core_type = #tpu.core_type<sc_vector_subcore>, window_params = [{transform_indices = #map}, {transform_indices = #map1}, {transform_indices = #map1}]} {
    %mul3A = arith.constant 2 : i32
    %mul3A_0 = arith.muli %arg1, %mul3A : i32
    %add3A = arith.addi %mul3A_0, %arg0 : i32
    %mul3A_1 = arith.constant 5000 : i32
    %mul3A_2 = arith.muli %add3A, %mul3A_1 : i32
    %scan3A = arith.constant 0 : i32
    %scan3A_3 = arith.constant 0 : i32
    %scan3A_4 = arith.constant 25 : i32
    %scan3A_5 = arith.addi %scan3A_3, %scan3A_4 : i32
    %scan3A_6 = arith.constant 1 : i32
    scf.for %scan3A_8 = %scan3A_3 to %scan3A_5 step %scan3A_6  : i32 {
      %mul3A_9 = arith.constant 200 : i32
      %mul3A_10 = arith.muli %scan3A_8, %mul3A_9 : i32
      %add3A_11 = arith.addi %mul3A_2, %mul3A_10 : i32
      "tpu.region"() ({
        %run_scoped3A = tpu.sem_alloc : memref<!tpu.dma_semaphore, #tpu.memory_space<semaphore_mem>>
        %dma_start3A_16 = tpu.memref_slice %arg2[%add3A_11] : memref<160000xi32, #tpu.memory_space<hbm>> -> memref<200xi32, #tpu.memory_space<hbm>>
        %dma_start3A_17 = tpu.memref_slice %arg2[%add3A_11] : memref<160000xi32, #tpu.memory_space<hbm>> -> memref<200xi32, #tpu.memory_space<hbm>>
        tpu.enqueue_dma source(%dma_start3A_17 : memref<200xi32, #tpu.memory_space<hbm>>) target(%arg5 : memref<200xi32, #tpu.memory_space<vmem>>) target_semaphore(%run_scoped3A : memref<!tpu.dma_semaphore, #tpu.memory_space<semaphore_mem>>)
        %dma_wait3A_18 = tpu.memref_slice %arg2[%add3A_11] : memref<160000xi32, #tpu.memory_space<hbm>> -> memref<200xi32, #tpu.memory_space<hbm>>
        %dma_wait3A_19 = tpu.memref_slice %arg2[%add3A_11] : memref<160000xi32, #tpu.memory_space<hbm>> -> memref<200xi32, #tpu.memory_space<hbm>>
        tpu.wait_dma2 semaphore(%run_scoped3A : memref<!tpu.dma_semaphore, #tpu.memory_space<semaphore_mem>>) src(%dma_wait3A_19 : memref<200xi32, #tpu.memory_space<hbm>>) dst(%arg5 : memref<200xi32, #tpu.memory_space<vmem>>)
        tpu.yield
      }) : () -> ()
      %dma_start3A = arith.constant 0 : i32
      %dma_start3A_12 = arith.constant 0 : i32
      %dma_start3A_13 = tpu.memref_slice %arg3[%dma_start3A, %dma_start3A_12] : memref<10000x128xi32, #tpu.memory_space<hbm>> -> memref<10000x128xi32, #tpu.memory_space<hbm>>
      tpu.enqueue_indirect_dma source(%dma_start3A_13 : memref<10000x128xi32, #tpu.memory_space<hbm>>) target(%arg6 : memref<200x128xi32, #tpu.memory_space<vmem>>) offsets(%arg5 : memref<200xi32, #tpu.memory_space<vmem>>) semaphore(%arg7 : memref<!tpu.dma_semaphore, #tpu.memory_space<semaphore_mem>>)
      %dma_wait3A = arith.constant 0 : i32
      %dma_wait3A_14 = arith.constant 0 : i32
      %dma_wait3A_15 = tpu.memref_slice %arg3[%dma_wait3A, %dma_wait3A_14] : memref<10000x128xi32, #tpu.memory_space<hbm>> -> memref<10000x128xi32, #tpu.memory_space<hbm>>
      tpu.wait_indirect_dma semaphore(%arg7 : memref<!tpu.dma_semaphore, #tpu.memory_space<semaphore_mem>>) src(%dma_wait3A_15 : memref<10000x128xi32, #tpu.memory_space<hbm>>) dst(%arg6 : memref<200x128xi32, #tpu.memory_space<vmem>>)
      "tpu.region"() ({
        %run_scoped3A = tpu.sem_alloc : memref<!tpu.dma_semaphore, #tpu.memory_space<semaphore_mem>>
        %dma_start3A_16 = arith.constant 0 : i32
        %dma_start3A_17 = tpu.memref_slice %arg4[%add3A_11, %dma_start3A_16] : memref<160000x128xi32, #tpu.memory_space<hbm>> -> memref<200x128xi32, #tpu.memory_space<hbm>>
        %dma_start3A_18 = arith.constant 0 : i32
        %dma_start3A_19 = tpu.memref_slice %arg4[%add3A_11, %dma_start3A_18] : memref<160000x128xi32, #tpu.memory_space<hbm>> -> memref<200x128xi32, #tpu.memory_space<hbm>>
        tpu.enqueue_dma source(%arg6 : memref<200x128xi32, #tpu.memory_space<vmem>>) target(%dma_start3A_19 : memref<200x128xi32, #tpu.memory_space<hbm>>) target_semaphore(%run_scoped3A : memref<!tpu.dma_semaphore, #tpu.memory_space<semaphore_mem>>)
        %dma_wait3A_20 = arith.constant 0 : i32
        %dma_wait3A_21 = tpu.memref_slice %arg4[%add3A_11, %dma_wait3A_20] : memref<160000x128xi32, #tpu.memory_space<hbm>> -> memref<200x128xi32, #tpu.memory_space<hbm>>
        %dma_wait3A_22 = arith.constant 0 : i32
        %dma_wait3A_23 = tpu.memref_slice %arg4[%add3A_11, %dma_wait3A_22] : memref<160000x128xi32, #tpu.memory_space<hbm>> -> memref<200x128xi32, #tpu.memory_space<hbm>>
        tpu.wait_dma2 semaphore(%run_scoped3A : memref<!tpu.dma_semaphore, #tpu.memory_space<semaphore_mem>>) src(%arg6 : memref<200x128xi32, #tpu.memory_space<vmem>>) dst(%dma_wait3A_23 : memref<200x128xi32, #tpu.memory_space<hbm>>)
        tpu.yield
      }) : () -> ()
    }
    %scan3A_7 = arith.constant 25 : i32
    return
  }
}

module attributes {stable_mosaic.version = 14 : i64} {
  func.func @_knn_body(%arg0: i32, %arg1: memref<200x3xf32, #tpu.memory_space<vmem>>, %arg2: memref<3x10112xf32, #tpu.memory_space<vmem>>, %arg3: memref<200x16xi32, #tpu.memory_space<vmem>>) attributes {dimension_semantics = [#tpu.dimension_semantics<arbitrary>], iteration_bounds = array<i64: 50>, scalar_prefetch = 0 : i64, scratch_operands = 0 : i64, tpu.core_type = #tpu.core_type<tc>, window_params = [{transform_indices = @transform_0, window_bounds = array<i64: 200, 3>}, {pipeline_mode = #tpu.pipeline_mode<synchronous>, transform_indices = @transform_1, window_bounds = array<i64: 3, 10112>}, {transform_indices = @transform_2, window_bounds = array<i64: 200, 16>}]} {
    %get3A = arith.constant 0 : index
    %get3A_0 = arith.constant 0 : index
    %get3A_1 = vector.load %arg1[%get3A, %get3A_0] : memref<200x3xf32, #tpu.memory_space<vmem>>, vector<200x3xf32>
    %get3A_2 = arith.constant 0 : index
    %get3A_3 = arith.constant 0 : index
    %get3A_4 = vector.load %arg2[%get3A_2, %get3A_3] : memref<3x10112xf32, #tpu.memory_space<vmem>>, vector<3x10112xf32>
    %mul3A = arith.mulf %get3A_4, %get3A_4 : vector<3x10112xf32>
    %reduce_sum3A = arith.constant dense<0.000000e+00> : vector<10112xf32>
    %reduce_sum3A_5 = vector.multi_reduction <add>, %mul3A, %reduce_sum3A [0] : vector<3x10112xf32> to vector<10112xf32>
    %broadcast_in_dim3A = vector.shape_cast %reduce_sum3A_5 : vector<10112xf32> to vector<1x10112xf32>
    %mul3A_6 = arith.mulf %get3A_1, %get3A_1 : vector<200x3xf32>
    %reduce_sum3A_7 = arith.constant dense<0.000000e+00> : vector<200xf32>
    %reduce_sum3A_8 = vector.multi_reduction <add>, %mul3A_6, %reduce_sum3A_7 [1] : vector<200x3xf32> to vector<200xf32>
    %broadcast_in_dim3A_9 = vector.shape_cast %reduce_sum3A_8 : vector<200xf32> to vector<200x1xf32>
    %dot_general3A = arith.constant dense<0.000000e+00> : vector<200x10112xf32>
    %dot_general3A_10 = tpu.matmul %get3A_1, %get3A_4, %dot_general3A {dimension_numbers = #tpu.dot_dimension_numbers<[1], [0], [0], [1], [0, 0, 1, 1], [], []>, transpose_lhs_hint = false} : vector<200x3xf32>, vector<3x10112xf32>, vector<200x10112xf32> -> vector<200x10112xf32>
    %mul3A_11 = arith.constant 2.000000e+00 : f32
    %mul3A_12 = vector.broadcast %mul3A_11 : f32 to vector<200x10112xf32>
    %mul3A_13 = arith.mulf %mul3A_12, %dot_general3A_10 : vector<200x10112xf32>
    %sub3A = vector.broadcast %broadcast_in_dim3A_9 : vector<200x1xf32> to vector<200x10112xf32>
    %sub3A_14 = arith.subf %sub3A, %mul3A_13 : vector<200x10112xf32>
    %add3A = vector.broadcast %broadcast_in_dim3A : vector<1x10112xf32> to vector<200x10112xf32>
    %add3A_15 = arith.addf %sub3A_14, %add3A : vector<200x10112xf32>
    %iota3A = tpu.iota {dimensions = array<i32: 1>} : vector<200x10112xi32>
    %max3A = arith.constant 0.000000e+00 : f32
    %max3A_16 = vector.broadcast %max3A : f32 to vector<200x10112xf32>
    %max3A_17 = arith.maximumf %add3A_15, %max3A_16 : vector<200x10112xf32>
    %bitcast_convert_type3A = tpu.bitcast %max3A_17 : vector<200x10112xf32> -> vector<200x10112xi32>
    %and3A = arith.constant -16384 : i32
    %and3A_18 = vector.broadcast %and3A : i32 to vector<200x10112xi32>
    %and3A_19 = arith.andi %bitcast_convert_type3A, %and3A_18 : vector<200x10112xi32>
    %or3A = arith.ori %and3A_19, %iota3A : vector<200x10112xi32>
    %broadcast_in_dim3A_20 = arith.constant 2147483647 : i32
    %broadcast_in_dim3A_21 = vector.broadcast %broadcast_in_dim3A_20 : i32 to vector<200x128xi32>
    %broadcast_in_dim3A_22 = arith.constant 2147483647 : i32
    %broadcast_in_dim3A_23 = vector.broadcast %broadcast_in_dim3A_22 : i32 to vector<200x128xi32>
    %broadcast_in_dim3A_24 = arith.constant 2147483647 : i32
    %broadcast_in_dim3A_25 = vector.broadcast %broadcast_in_dim3A_24 : i32 to vector<200x128xi32>
    %broadcast_in_dim3A_26 = arith.constant 2147483647 : i32
    %broadcast_in_dim3A_27 = vector.broadcast %broadcast_in_dim3A_26 : i32 to vector<200x128xi32>
    %broadcast_in_dim3A_28 = arith.constant 2147483647 : i32
    %broadcast_in_dim3A_29 = vector.broadcast %broadcast_in_dim3A_28 : i32 to vector<200x128xi32>
    %broadcast_in_dim3A_30 = arith.constant 2147483647 : i32
    %broadcast_in_dim3A_31 = vector.broadcast %broadcast_in_dim3A_30 : i32 to vector<200x128xi32>
    %broadcast_in_dim3A_32 = arith.constant 2147483647 : i32
    %broadcast_in_dim3A_33 = vector.broadcast %broadcast_in_dim3A_32 : i32 to vector<200x128xi32>
    %broadcast_in_dim3A_34 = arith.constant 2147483647 : i32
    %broadcast_in_dim3A_35 = vector.broadcast %broadcast_in_dim3A_34 : i32 to vector<200x128xi32>
    %broadcast_in_dim3A_36 = arith.constant 2147483647 : i32
    %broadcast_in_dim3A_37 = vector.broadcast %broadcast_in_dim3A_36 : i32 to vector<200x128xi32>
    %broadcast_in_dim3A_38 = arith.constant 2147483647 : i32
    %broadcast_in_dim3A_39 = vector.broadcast %broadcast_in_dim3A_38 : i32 to vector<200x128xi32>
    %broadcast_in_dim3A_40 = arith.constant 2147483647 : i32
    %broadcast_in_dim3A_41 = vector.broadcast %broadcast_in_dim3A_40 : i32 to vector<200x128xi32>
    %broadcast_in_dim3A_42 = arith.constant 2147483647 : i32
    %broadcast_in_dim3A_43 = vector.broadcast %broadcast_in_dim3A_42 : i32 to vector<200x128xi32>
    %broadcast_in_dim3A_44 = arith.constant 2147483647 : i32
    %broadcast_in_dim3A_45 = vector.broadcast %broadcast_in_dim3A_44 : i32 to vector<200x128xi32>
    %broadcast_in_dim3A_46 = arith.constant 2147483647 : i32
    %broadcast_in_dim3A_47 = vector.broadcast %broadcast_in_dim3A_46 : i32 to vector<200x128xi32>
    %broadcast_in_dim3A_48 = arith.constant 2147483647 : i32
    %broadcast_in_dim3A_49 = vector.broadcast %broadcast_in_dim3A_48 : i32 to vector<200x128xi32>
    %broadcast_in_dim3A_50 = arith.constant 2147483647 : i32
    %broadcast_in_dim3A_51 = vector.broadcast %broadcast_in_dim3A_50 : i32 to vector<200x128xi32>
    %slice3A = vector.extract_strided_slice %or3A {offsets = [0, 0], sizes = [200, 128], strides = [1, 1]} : vector<200x10112xi32> to vector<200x128xi32>
    %min3A = arith.minsi %broadcast_in_dim3A_21, %slice3A : vector<200x128xi32>
    %max3A_52 = arith.maxsi %broadcast_in_dim3A_21, %slice3A : vector<200x128xi32>
    %min3A_53 = arith.minsi %broadcast_in_dim3A_23, %max3A_52 : vector<200x128xi32>
    %max3A_54 = arith.maxsi %broadcast_in_dim3A_23, %max3A_52 : vector<200x128xi32>
    %min3A_55 = arith.minsi %broadcast_in_dim3A_25, %max3A_54 : vector<200x128xi32>
    %max3A_56 = arith.maxsi %broadcast_in_dim3A_25, %max3A_54 : vector<200x128xi32>
    %min3A_57 = arith.minsi %broadcast_in_dim3A_27, %max3A_56 : vector<200x128xi32>
    %slice3A_58 = vector.extract_strided_slice %or3A {offsets = [0, 128], sizes = [200, 128], strides = [1, 1]} : vector<200x10112xi32> to vector<200x128xi32>
    %min3A_59 = arith.minsi %broadcast_in_dim3A_29, %slice3A_58 : vector<200x128xi32>
    %max3A_60 = arith.maxsi %broadcast_in_dim3A_29, %slice3A_58 : vector<200x128xi32>
    %min3A_61 = arith.minsi %broadcast_in_dim3A_31, %max3A_60 : vector<200x128xi32>
    %max3A_62 = arith.maxsi %broadcast_in_dim3A_31, %max3A_60 : vector<200x128xi32>
    %min3A_63 = arith.minsi %broadcast_in_dim3A_33, %max3A_62 : vector<200x128xi32>
    %max3A_64 = arith.maxsi %broadcast_in_dim3A_33, %max3A_62 : vector<200x128xi32>
    %min3A_65 = arith.minsi %broadcast_in_dim3A_35, %max3A_64 : vector<200x128xi32>
    %slice3A_66 = vector.extract_strided_slice %or3A {offsets = [0, 256], sizes = [200, 128], strides = [1, 1]} : vector<200x10112xi32> to vector<200x128xi32>
    %min3A_67 = arith.minsi %broadcast_in_dim3A_37, %slice3A_66 : vector<200x128xi32>
    %max3A_68 = arith.maxsi %broadcast_in_dim3A_37, %slice3A_66 : vector<200x128xi32>
    %min3A_69 = arith.minsi %broadcast_in_dim3A_39, %max3A_68 : vector<200x128xi32>
    %max3A_70 = arith.maxsi %broadcast_in_dim3A_39, %max3A_68 : vector<200x128xi32>
    %min3A_71 = arith.minsi %broadcast_in_dim3A_41, %max3A_70 : vector<200x128xi32>
    %max3A_72 = arith.maxsi %broadcast_in_dim3A_41, %max3A_70 : vector<200x128xi32>
    %min3A_73 = arith.minsi %broadcast_in_dim3A_43, %max3A_72 : vector<200x128xi32>
    %slice3A_74 = vector.extract_strided_slice %or3A {offsets = [0, 384], sizes = [200, 128], strides = [1, 1]} : vector<200x10112xi32> to vector<200x128xi32>
    %min3A_75 = arith.minsi %broadcast_in_dim3A_45, %slice3A_74 : vector<200x128xi32>
    %max3A_76 = arith.maxsi %broadcast_in_dim3A_45, %slice3A_74 : vector<200x128xi32>
    %min3A_77 = arith.minsi %broadcast_in_dim3A_47, %max3A_76 : vector<200x128xi32>
    %max3A_78 = arith.maxsi %broadcast_in_dim3A_47, %max3A_76 : vector<200x128xi32>
    %min3A_79 = arith.minsi %broadcast_in_dim3A_49, %max3A_78 : vector<200x128xi32>
    %max3A_80 = arith.maxsi %broadcast_in_dim3A_49, %max3A_78 : vector<200x128xi32>
    %min3A_81 = arith.minsi %broadcast_in_dim3A_51, %max3A_80 : vector<200x128xi32>
    %slice3A_82 = vector.extract_strided_slice %or3A {offsets = [0, 512], sizes = [200, 128], strides = [1, 1]} : vector<200x10112xi32> to vector<200x128xi32>
    %min3A_83 = arith.minsi %min3A, %slice3A_82 : vector<200x128xi32>
    %max3A_84 = arith.maxsi %min3A, %slice3A_82 : vector<200x128xi32>
    %min3A_85 = arith.minsi %min3A_53, %max3A_84 : vector<200x128xi32>
    %max3A_86 = arith.maxsi %min3A_53, %max3A_84 : vector<200x128xi32>
    %min3A_87 = arith.minsi %min3A_55, %max3A_86 : vector<200x128xi32>
    %max3A_88 = arith.maxsi %min3A_55, %max3A_86 : vector<200x128xi32>
    %min3A_89 = arith.minsi %min3A_57, %max3A_88 : vector<200x128xi32>
    %slice3A_90 = vector.extract_strided_slice %or3A {offsets = [0, 640], sizes = [200, 128], strides = [1, 1]} : vector<200x10112xi32> to vector<200x128xi32>
    %min3A_91 = arith.minsi %min3A_59, %slice3A_90 : vector<200x128xi32>
    %max3A_92 = arith.maxsi %min3A_59, %slice3A_90 : vector<200x128xi32>
    %min3A_93 = arith.minsi %min3A_61, %max3A_92 : vector<200x128xi32>
    %max3A_94 = arith.maxsi %min3A_61, %max3A_92 : vector<200x128xi32>
    %min3A_95 = arith.minsi %min3A_63, %max3A_94 : vector<200x128xi32>
    %max3A_96 = arith.maxsi %min3A_63, %max3A_94 : vector<200x128xi32>
    %min3A_97 = arith.minsi %min3A_65, %max3A_96 : vector<200x128xi32>
    %slice3A_98 = vector.extract_strided_slice %or3A {offsets = [0, 768], sizes = [200, 128], strides = [1, 1]} : vector<200x10112xi32> to vector<200x128xi32>
    %min3A_99 = arith.minsi %min3A_67, %slice3A_98 : vector<200x128xi32>
    %max3A_100 = arith.maxsi %min3A_67, %slice3A_98 : vector<200x128xi32>
    %min3A_101 = arith.minsi %min3A_69, %max3A_100 : vector<200x128xi32>
    %max3A_102 = arith.maxsi %min3A_69, %max3A_100 : vector<200x128xi32>
    %min3A_103 = arith.minsi %min3A_71, %max3A_102 : vector<200x128xi32>
    %max3A_104 = arith.maxsi %min3A_71, %max3A_102 : vector<200x128xi32>
    %min3A_105 = arith.minsi %min3A_73, %max3A_104 : vector<200x128xi32>
    %slice3A_106 = vector.extract_strided_slice %or3A {offsets = [0, 896], sizes = [200, 128], strides = [1, 1]} : vector<200x10112xi32> to vector<200x128xi32>
    %min3A_107 = arith.minsi %min3A_75, %slice3A_106 : vector<200x128xi32>
    %max3A_108 = arith.maxsi %min3A_75, %slice3A_106 : vector<200x128xi32>
    %min3A_109 = arith.minsi %min3A_77, %max3A_108 : vector<200x128xi32>
    %max3A_110 = arith.maxsi %min3A_77, %max3A_108 : vector<200x128xi32>
    %min3A_111 = arith.minsi %min3A_79, %max3A_110 : vector<200x128xi32>
    %max3A_112 = arith.maxsi %min3A_79, %max3A_110 : vector<200x128xi32>
    %min3A_113 = arith.minsi %min3A_81, %max3A_112 : vector<200x128xi32>
    %slice3A_114 = vector.extract_strided_slice %or3A {offsets = [0, 1024], sizes = [200, 128], strides = [1, 1]} : vector<200x10112xi32> to vector<200x128xi32>
    %min3A_115 = arith.minsi %min3A_83, %slice3A_114 : vector<200x128xi32>
    %max3A_116 = arith.maxsi %min3A_83, %slice3A_114 : vector<200x128xi32>
    %min3A_117 = arith.minsi %min3A_85, %max3A_116 : vector<200x128xi32>
    %max3A_118 = arith.maxsi %min3A_85, %max3A_116 : vector<200x128xi32>
    %min3A_119 = arith.minsi %min3A_87, %max3A_118 : vector<200x128xi32>
    %max3A_120 = arith.maxsi %min3A_87, %max3A_118 : vector<200x128xi32>
    %min3A_121 = arith.minsi %min3A_89, %max3A_120 : vector<200x128xi32>
    %slice3A_122 = vector.extract_strided_slice %or3A {offsets = [0, 1152], sizes = [200, 128], strides = [1, 1]} : vector<200x10112xi32> to vector<200x128xi32>
    %min3A_123 = arith.minsi %min3A_91, %slice3A_122 : vector<200x128xi32>
    %max3A_124 = arith.maxsi %min3A_91, %slice3A_122 : vector<200x128xi32>
    %min3A_125 = arith.minsi %min3A_93, %max3A_124 : vector<200x128xi32>
    %max3A_126 = arith.maxsi %min3A_93, %max3A_124 : vector<200x128xi32>
    %min3A_127 = arith.minsi %min3A_95, %max3A_126 : vector<200x128xi32>
    %max3A_128 = arith.maxsi %min3A_95, %max3A_126 : vector<200x128xi32>
    %min3A_129 = arith.minsi %min3A_97, %max3A_128 : vector<200x128xi32>
    %slice3A_130 = vector.extract_strided_slice %or3A {offsets = [0, 1280], sizes = [200, 128], strides = [1, 1]} : vector<200x10112xi32> to vector<200x128xi32>
    %min3A_131 = arith.minsi %min3A_99, %slice3A_130 : vector<200x128xi32>
    %max3A_132 = arith.maxsi %min3A_99, %slice3A_130 : vector<200x128xi32>
    %min3A_133 = arith.minsi %min3A_101, %max3A_132 : vector<200x128xi32>
    %max3A_134 = arith.maxsi %min3A_101, %max3A_132 : vector<200x128xi32>
    %min3A_135 = arith.minsi %min3A_103, %max3A_134 : vector<200x128xi32>
    %max3A_136 = arith.maxsi %min3A_103, %max3A_134 : vector<200x128xi32>
    %min3A_137 = arith.minsi %min3A_105, %max3A_136 : vector<200x128xi32>
    %slice3A_138 = vector.extract_strided_slice %or3A {offsets = [0, 1408], sizes = [200, 128], strides = [1, 1]} : vector<200x10112xi32> to vector<200x128xi32>
    %min3A_139 = arith.minsi %min3A_107, %slice3A_138 : vector<200x128xi32>
    %max3A_140 = arith.maxsi %min3A_107, %slice3A_138 : vector<200x128xi32>
    %min3A_141 = arith.minsi %min3A_109, %max3A_140 : vector<200x128xi32>
    %max3A_142 = arith.maxsi %min3A_109, %max3A_140 : vector<200x128xi32>
    %min3A_143 = arith.minsi %min3A_111, %max3A_142 : vector<200x128xi32>
    %max3A_144 = arith.maxsi %min3A_111, %max3A_142 : vector<200x128xi32>
    %min3A_145 = arith.minsi %min3A_113, %max3A_144 : vector<200x128xi32>
    %slice3A_146 = vector.extract_strided_slice %or3A {offsets = [0, 1536], sizes = [200, 128], strides = [1, 1]} : vector<200x10112xi32> to vector<200x128xi32>
    %min3A_147 = arith.minsi %min3A_115, %slice3A_146 : vector<200x128xi32>
    %max3A_148 = arith.maxsi %min3A_115, %slice3A_146 : vector<200x128xi32>
    %min3A_149 = arith.minsi %min3A_117, %max3A_148 : vector<200x128xi32>
    %max3A_150 = arith.maxsi %min3A_117, %max3A_148 : vector<200x128xi32>
    %min3A_151 = arith.minsi %min3A_119, %max3A_150 : vector<200x128xi32>
    %max3A_152 = arith.maxsi %min3A_119, %max3A_150 : vector<200x128xi32>
    %min3A_153 = arith.minsi %min3A_121, %max3A_152 : vector<200x128xi32>
    %slice3A_154 = vector.extract_strided_slice %or3A {offsets = [0, 1664], sizes = [200, 128], strides = [1, 1]} : vector<200x10112xi32> to vector<200x128xi32>
    %min3A_155 = arith.minsi %min3A_123, %slice3A_154 : vector<200x128xi32>
    %max3A_156 = arith.maxsi %min3A_123, %slice3A_154 : vector<200x128xi32>
    %min3A_157 = arith.minsi %min3A_125, %max3A_156 : vector<200x128xi32>
    %max3A_158 = arith.maxsi %min3A_125, %max3A_156 : vector<200x128xi32>
    %min3A_159 = arith.minsi %min3A_127, %max3A_158 : vector<200x128xi32>
    %max3A_160 = arith.maxsi %min3A_127, %max3A_158 : vector<200x128xi32>
    %min3A_161 = arith.minsi %min3A_129, %max3A_160 : vector<200x128xi32>
    %slice3A_162 = vector.extract_strided_slice %or3A {offsets = [0, 1792], sizes = [200, 128], strides = [1, 1]} : vector<200x10112xi32> to vector<200x128xi32>
    %min3A_163 = arith.minsi %min3A_131, %slice3A_162 : vector<200x128xi32>
    %max3A_164 = arith.maxsi %min3A_131, %slice3A_162 : vector<200x128xi32>
    %min3A_165 = arith.minsi %min3A_133, %max3A_164 : vector<200x128xi32>
    %max3A_166 = arith.maxsi %min3A_133, %max3A_164 : vector<200x128xi32>
    %min3A_167 = arith.minsi %min3A_135, %max3A_166 : vector<200x128xi32>
    %max3A_168 = arith.maxsi %min3A_135, %max3A_166 : vector<200x128xi32>
    %min3A_169 = arith.minsi %min3A_137, %max3A_168 : vector<200x128xi32>
    %slice3A_170 = vector.extract_strided_slice %or3A {offsets = [0, 1920], sizes = [200, 128], strides = [1, 1]} : vector<200x10112xi32> to vector<200x128xi32>
    %min3A_171 = arith.minsi %min3A_139, %slice3A_170 : vector<200x128xi32>
    %max3A_172 = arith.maxsi %min3A_139, %slice3A_170 : vector<200x128xi32>
    %min3A_173 = arith.minsi %min3A_141, %max3A_172 : vector<200x128xi32>
    %max3A_174 = arith.maxsi %min3A_141, %max3A_172 : vector<200x128xi32>
    %min3A_175 = arith.minsi %min3A_143, %max3A_174 : vector<200x128xi32>
    %max3A_176 = arith.maxsi %min3A_143, %max3A_174 : vector<200x128xi32>
    %min3A_177 = arith.minsi %min3A_145, %max3A_176 : vector<200x128xi32>
    %slice3A_178 = vector.extract_strided_slice %or3A {offsets = [0, 2048], sizes = [200, 128], strides = [1, 1]} : vector<200x10112xi32> to vector<200x128xi32>
    %min3A_179 = arith.minsi %min3A_147, %slice3A_178 : vector<200x128xi32>
    %max3A_180 = arith.maxsi %min3A_147, %slice3A_178 : vector<200x128xi32>
    %min3A_181 = arith.minsi %min3A_149, %max3A_180 : vector<200x128xi32>
    %max3A_182 = arith.maxsi %min3A_149, %max3A_180 : vector<200x128xi32>
    %min3A_183 = arith.minsi %min3A_151, %max3A_182 : vector<200x128xi32>
    %max3A_184 = arith.maxsi %min3A_151, %max3A_182 : vector<200x128xi32>
    %min3A_185 = arith.minsi %min3A_153, %max3A_184 : vector<200x128xi32>
    %slice3A_186 = vector.extract_strided_slice %or3A {offsets = [0, 2176], sizes = [200, 128], strides = [1, 1]} : vector<200x10112xi32> to vector<200x128xi32>
    %min3A_187 = arith.minsi %min3A_155, %slice3A_186 : vector<200x128xi32>
    %max3A_188 = arith.maxsi %min3A_155, %slice3A_186 : vector<200x128xi32>
    %min3A_189 = arith.minsi %min3A_157, %max3A_188 : vector<200x128xi32>
    %max3A_190 = arith.maxsi %min3A_157, %max3A_188 : vector<200x128xi32>
    %min3A_191 = arith.minsi %min3A_159, %max3A_190 : vector<200x128xi32>
    %max3A_192 = arith.maxsi %min3A_159, %max3A_190 : vector<200x128xi32>
    %min3A_193 = arith.minsi %min3A_161, %max3A_192 : vector<200x128xi32>
    %slice3A_194 = vector.extract_strided_slice %or3A {offsets = [0, 2304], sizes = [200, 128], strides = [1, 1]} : vector<200x10112xi32> to vector<200x128xi32>
    %min3A_195 = arith.minsi %min3A_163, %slice3A_194 : vector<200x128xi32>
    %max3A_196 = arith.maxsi %min3A_163, %slice3A_194 : vector<200x128xi32>
    %min3A_197 = arith.minsi %min3A_165, %max3A_196 : vector<200x128xi32>
    %max3A_198 = arith.maxsi %min3A_165, %max3A_196 : vector<200x128xi32>
    %min3A_199 = arith.minsi %min3A_167, %max3A_198 : vector<200x128xi32>
    %max3A_200 = arith.maxsi %min3A_167, %max3A_198 : vector<200x128xi32>
    %min3A_201 = arith.minsi %min3A_169, %max3A_200 : vector<200x128xi32>
    %slice3A_202 = vector.extract_strided_slice %or3A {offsets = [0, 2432], sizes = [200, 128], strides = [1, 1]} : vector<200x10112xi32> to vector<200x128xi32>
    %min3A_203 = arith.minsi %min3A_171, %slice3A_202 : vector<200x128xi32>
    %max3A_204 = arith.maxsi %min3A_171, %slice3A_202 : vector<200x128xi32>
    %min3A_205 = arith.minsi %min3A_173, %max3A_204 : vector<200x128xi32>
    %max3A_206 = arith.maxsi %min3A_173, %max3A_204 : vector<200x128xi32>
    %min3A_207 = arith.minsi %min3A_175, %max3A_206 : vector<200x128xi32>
    %max3A_208 = arith.maxsi %min3A_175, %max3A_206 : vector<200x128xi32>
    %min3A_209 = arith.minsi %min3A_177, %max3A_208 : vector<200x128xi32>
    %slice3A_210 = vector.extract_strided_slice %or3A {offsets = [0, 2560], sizes = [200, 128], strides = [1, 1]} : vector<200x10112xi32> to vector<200x128xi32>
    %min3A_211 = arith.minsi %min3A_179, %slice3A_210 : vector<200x128xi32>
    %max3A_212 = arith.maxsi %min3A_179, %slice3A_210 : vector<200x128xi32>
    %min3A_213 = arith.minsi %min3A_181, %max3A_212 : vector<200x128xi32>
    %max3A_214 = arith.maxsi %min3A_181, %max3A_212 : vector<200x128xi32>
    %min3A_215 = arith.minsi %min3A_183, %max3A_214 : vector<200x128xi32>
    %max3A_216 = arith.maxsi %min3A_183, %max3A_214 : vector<200x128xi32>
    %min3A_217 = arith.minsi %min3A_185, %max3A_216 : vector<200x128xi32>
    %slice3A_218 = vector.extract_strided_slice %or3A {offsets = [0, 2688], sizes = [200, 128], strides = [1, 1]} : vector<200x10112xi32> to vector<200x128xi32>
    %min3A_219 = arith.minsi %min3A_187, %slice3A_218 : vector<200x128xi32>
    %max3A_220 = arith.maxsi %min3A_187, %slice3A_218 : vector<200x128xi32>
    %min3A_221 = arith.minsi %min3A_189, %max3A_220 : vector<200x128xi32>
    %max3A_222 = arith.maxsi %min3A_189, %max3A_220 : vector<200x128xi32>
    %min3A_223 = arith.minsi %min3A_191, %max3A_222 : vector<200x128xi32>
    %max3A_224 = arith.maxsi %min3A_191, %max3A_222 : vector<200x128xi32>
    %min3A_225 = arith.minsi %min3A_193, %max3A_224 : vector<200x128xi32>
    %slice3A_226 = vector.extract_strided_slice %or3A {offsets = [0, 2816], sizes = [200, 128], strides = [1, 1]} : vector<200x10112xi32> to vector<200x128xi32>
    %min3A_227 = arith.minsi %min3A_195, %slice3A_226 : vector<200x128xi32>
    %max3A_228 = arith.maxsi %min3A_195, %slice3A_226 : vector<200x128xi32>
    %min3A_229 = arith.minsi %min3A_197, %max3A_228 : vector<200x128xi32>
    %max3A_230 = arith.maxsi %min3A_197, %max3A_228 : vector<200x128xi32>
    %min3A_231 = arith.minsi %min3A_199, %max3A_230 : vector<200x128xi32>
    %max3A_232 = arith.maxsi %min3A_199, %max3A_230 : vector<200x128xi32>
    %min3A_233 = arith.minsi %min3A_201, %max3A_232 : vector<200x128xi32>
    %slice3A_234 = vector.extract_strided_slice %or3A {offsets = [0, 2944], sizes = [200, 128], strides = [1, 1]} : vector<200x10112xi32> to vector<200x128xi32>
    %min3A_235 = arith.minsi %min3A_203, %slice3A_234 : vector<200x128xi32>
    %max3A_236 = arith.maxsi %min3A_203, %slice3A_234 : vector<200x128xi32>
    %min3A_237 = arith.minsi %min3A_205, %max3A_236 : vector<200x128xi32>
    %max3A_238 = arith.maxsi %min3A_205, %max3A_236 : vector<200x128xi32>
    %min3A_239 = arith.minsi %min3A_207, %max3A_238 : vector<200x128xi32>
    %max3A_240 = arith.maxsi %min3A_207, %max3A_238 : vector<200x128xi32>
    %min3A_241 = arith.minsi %min3A_209, %max3A_240 : vector<200x128xi32>
    %slice3A_242 = vector.extract_strided_slice %or3A {offsets = [0, 3072], sizes = [200, 128], strides = [1, 1]} : vector<200x10112xi32> to vector<200x128xi32>
    %min3A_243 = arith.minsi %min3A_211, %slice3A_242 : vector<200x128xi32>
    %max3A_244 = arith.maxsi %min3A_211, %slice3A_242 : vector<200x128xi32>
    %min3A_245 = arith.minsi %min3A_213, %max3A_244 : vector<200x128xi32>
    %max3A_246 = arith.maxsi %min3A_213, %max3A_244 : vector<200x128xi32>
    %min3A_247 = arith.minsi %min3A_215, %max3A_246 : vector<200x128xi32>
    %max3A_248 = arith.maxsi %min3A_215, %max3A_246 : vector<200x128xi32>
    %min3A_249 = arith.minsi %min3A_217, %max3A_248 : vector<200x128xi32>
    %slice3A_250 = vector.extract_strided_slice %or3A {offsets = [0, 3200], sizes = [200, 128], strides = [1, 1]} : vector<200x10112xi32> to vector<200x128xi32>
    %min3A_251 = arith.minsi %min3A_219, %slice3A_250 : vector<200x128xi32>
    %max3A_252 = arith.maxsi %min3A_219, %slice3A_250 : vector<200x128xi32>
    %min3A_253 = arith.minsi %min3A_221, %max3A_252 : vector<200x128xi32>
    %max3A_254 = arith.maxsi %min3A_221, %max3A_252 : vector<200x128xi32>
    %min3A_255 = arith.minsi %min3A_223, %max3A_254 : vector<200x128xi32>
    %max3A_256 = arith.maxsi %min3A_223, %max3A_254 : vector<200x128xi32>
    %min3A_257 = arith.minsi %min3A_225, %max3A_256 : vector<200x128xi32>
    %slice3A_258 = vector.extract_strided_slice %or3A {offsets = [0, 3328], sizes = [200, 128], strides = [1, 1]} : vector<200x10112xi32> to vector<200x128xi32>
    %min3A_259 = arith.minsi %min3A_227, %slice3A_258 : vector<200x128xi32>
    %max3A_260 = arith.maxsi %min3A_227, %slice3A_258 : vector<200x128xi32>
    %min3A_261 = arith.minsi %min3A_229, %max3A_260 : vector<200x128xi32>
    %max3A_262 = arith.maxsi %min3A_229, %max3A_260 : vector<200x128xi32>
    %min3A_263 = arith.minsi %min3A_231, %max3A_262 : vector<200x128xi32>
    %max3A_264 = arith.maxsi %min3A_231, %max3A_262 : vector<200x128xi32>
    %min3A_265 = arith.minsi %min3A_233, %max3A_264 : vector<200x128xi32>
    %slice3A_266 = vector.extract_strided_slice %or3A {offsets = [0, 3456], sizes = [200, 128], strides = [1, 1]} : vector<200x10112xi32> to vector<200x128xi32>
    %min3A_267 = arith.minsi %min3A_235, %slice3A_266 : vector<200x128xi32>
    %max3A_268 = arith.maxsi %min3A_235, %slice3A_266 : vector<200x128xi32>
    %min3A_269 = arith.minsi %min3A_237, %max3A_268 : vector<200x128xi32>
    %max3A_270 = arith.maxsi %min3A_237, %max3A_268 : vector<200x128xi32>
    %min3A_271 = arith.minsi %min3A_239, %max3A_270 : vector<200x128xi32>
    %max3A_272 = arith.maxsi %min3A_239, %max3A_270 : vector<200x128xi32>
    %min3A_273 = arith.minsi %min3A_241, %max3A_272 : vector<200x128xi32>
    %slice3A_274 = vector.extract_strided_slice %or3A {offsets = [0, 3584], sizes = [200, 128], strides = [1, 1]} : vector<200x10112xi32> to vector<200x128xi32>
    %min3A_275 = arith.minsi %min3A_243, %slice3A_274 : vector<200x128xi32>
    %max3A_276 = arith.maxsi %min3A_243, %slice3A_274 : vector<200x128xi32>
    %min3A_277 = arith.minsi %min3A_245, %max3A_276 : vector<200x128xi32>
    %max3A_278 = arith.maxsi %min3A_245, %max3A_276 : vector<200x128xi32>
    %min3A_279 = arith.minsi %min3A_247, %max3A_278 : vector<200x128xi32>
    %max3A_280 = arith.maxsi %min3A_247, %max3A_278 : vector<200x128xi32>
    %min3A_281 = arith.minsi %min3A_249, %max3A_280 : vector<200x128xi32>
    %slice3A_282 = vector.extract_strided_slice %or3A {offsets = [0, 3712], sizes = [200, 128], strides = [1, 1]} : vector<200x10112xi32> to vector<200x128xi32>
    %min3A_283 = arith.minsi %min3A_251, %slice3A_282 : vector<200x128xi32>
    %max3A_284 = arith.maxsi %min3A_251, %slice3A_282 : vector<200x128xi32>
    %min3A_285 = arith.minsi %min3A_253, %max3A_284 : vector<200x128xi32>
    %max3A_286 = arith.maxsi %min3A_253, %max3A_284 : vector<200x128xi32>
    %min3A_287 = arith.minsi %min3A_255, %max3A_286 : vector<200x128xi32>
    %max3A_288 = arith.maxsi %min3A_255, %max3A_286 : vector<200x128xi32>
    %min3A_289 = arith.minsi %min3A_257, %max3A_288 : vector<200x128xi32>
    %slice3A_290 = vector.extract_strided_slice %or3A {offsets = [0, 3840], sizes = [200, 128], strides = [1, 1]} : vector<200x10112xi32> to vector<200x128xi32>
    %min3A_291 = arith.minsi %min3A_259, %slice3A_290 : vector<200x128xi32>
    %max3A_292 = arith.maxsi %min3A_259, %slice3A_290 : vector<200x128xi32>
    %min3A_293 = arith.minsi %min3A_261, %max3A_292 : vector<200x128xi32>
    %max3A_294 = arith.maxsi %min3A_261, %max3A_292 : vector<200x128xi32>
    %min3A_295 = arith.minsi %min3A_263, %max3A_294 : vector<200x128xi32>
    %max3A_296 = arith.maxsi %min3A_263, %max3A_294 : vector<200x128xi32>
    %min3A_297 = arith.minsi %min3A_265, %max3A_296 : vector<200x128xi32>
    %slice3A_298 = vector.extract_strided_slice %or3A {offsets = [0, 3968], sizes = [200, 128], strides = [1, 1]} : vector<200x10112xi32> to vector<200x128xi32>
    %min3A_299 = arith.minsi %min3A_267, %slice3A_298 : vector<200x128xi32>
    %max3A_300 = arith.maxsi %min3A_267, %slice3A_298 : vector<200x128xi32>
    %min3A_301 = arith.minsi %min3A_269, %max3A_300 : vector<200x128xi32>
    %max3A_302 = arith.maxsi %min3A_269, %max3A_300 : vector<200x128xi32>
    %min3A_303 = arith.minsi %min3A_271, %max3A_302 : vector<200x128xi32>
    %max3A_304 = arith.maxsi %min3A_271, %max3A_302 : vector<200x128xi32>
    %min3A_305 = arith.minsi %min3A_273, %max3A_304 : vector<200x128xi32>
    %slice3A_306 = vector.extract_strided_slice %or3A {offsets = [0, 4096], sizes = [200, 128], strides = [1, 1]} : vector<200x10112xi32> to vector<200x128xi32>
    %min3A_307 = arith.minsi %min3A_275, %slice3A_306 : vector<200x128xi32>
    %max3A_308 = arith.maxsi %min3A_275, %slice3A_306 : vector<200x128xi32>
    %min3A_309 = arith.minsi %min3A_277, %max3A_308 : vector<200x128xi32>
    %max3A_310 = arith.maxsi %min3A_277, %max3A_308 : vector<200x128xi32>
    %min3A_311 = arith.minsi %min3A_279, %max3A_310 : vector<200x128xi32>
    %max3A_312 = arith.maxsi %min3A_279, %max3A_310 : vector<200x128xi32>
    %min3A_313 = arith.minsi %min3A_281, %max3A_312 : vector<200x128xi32>
    %slice3A_314 = vector.extract_strided_slice %or3A {offsets = [0, 4224], sizes = [200, 128], strides = [1, 1]} : vector<200x10112xi32> to vector<200x128xi32>
    %min3A_315 = arith.minsi %min3A_283, %slice3A_314 : vector<200x128xi32>
    %max3A_316 = arith.maxsi %min3A_283, %slice3A_314 : vector<200x128xi32>
    %min3A_317 = arith.minsi %min3A_285, %max3A_316 : vector<200x128xi32>
    %max3A_318 = arith.maxsi %min3A_285, %max3A_316 : vector<200x128xi32>
    %min3A_319 = arith.minsi %min3A_287, %max3A_318 : vector<200x128xi32>
    %max3A_320 = arith.maxsi %min3A_287, %max3A_318 : vector<200x128xi32>
    %min3A_321 = arith.minsi %min3A_289, %max3A_320 : vector<200x128xi32>
    %slice3A_322 = vector.extract_strided_slice %or3A {offsets = [0, 4352], sizes = [200, 128], strides = [1, 1]} : vector<200x10112xi32> to vector<200x128xi32>
    %min3A_323 = arith.minsi %min3A_291, %slice3A_322 : vector<200x128xi32>
    %max3A_324 = arith.maxsi %min3A_291, %slice3A_322 : vector<200x128xi32>
    %min3A_325 = arith.minsi %min3A_293, %max3A_324 : vector<200x128xi32>
    %max3A_326 = arith.maxsi %min3A_293, %max3A_324 : vector<200x128xi32>
    %min3A_327 = arith.minsi %min3A_295, %max3A_326 : vector<200x128xi32>
    %max3A_328 = arith.maxsi %min3A_295, %max3A_326 : vector<200x128xi32>
    %min3A_329 = arith.minsi %min3A_297, %max3A_328 : vector<200x128xi32>
    %slice3A_330 = vector.extract_strided_slice %or3A {offsets = [0, 4480], sizes = [200, 128], strides = [1, 1]} : vector<200x10112xi32> to vector<200x128xi32>
    %min3A_331 = arith.minsi %min3A_299, %slice3A_330 : vector<200x128xi32>
    %max3A_332 = arith.maxsi %min3A_299, %slice3A_330 : vector<200x128xi32>
    %min3A_333 = arith.minsi %min3A_301, %max3A_332 : vector<200x128xi32>
    %max3A_334 = arith.maxsi %min3A_301, %max3A_332 : vector<200x128xi32>
    %min3A_335 = arith.minsi %min3A_303, %max3A_334 : vector<200x128xi32>
    %max3A_336 = arith.maxsi %min3A_303, %max3A_334 : vector<200x128xi32>
    %min3A_337 = arith.minsi %min3A_305, %max3A_336 : vector<200x128xi32>
    %slice3A_338 = vector.extract_strided_slice %or3A {offsets = [0, 4608], sizes = [200, 128], strides = [1, 1]} : vector<200x10112xi32> to vector<200x128xi32>
    %min3A_339 = arith.minsi %min3A_307, %slice3A_338 : vector<200x128xi32>
    %max3A_340 = arith.maxsi %min3A_307, %slice3A_338 : vector<200x128xi32>
    %min3A_341 = arith.minsi %min3A_309, %max3A_340 : vector<200x128xi32>
    %max3A_342 = arith.maxsi %min3A_309, %max3A_340 : vector<200x128xi32>
    %min3A_343 = arith.minsi %min3A_311, %max3A_342 : vector<200x128xi32>
    %max3A_344 = arith.maxsi %min3A_311, %max3A_342 : vector<200x128xi32>
    %min3A_345 = arith.minsi %min3A_313, %max3A_344 : vector<200x128xi32>
    %slice3A_346 = vector.extract_strided_slice %or3A {offsets = [0, 4736], sizes = [200, 128], strides = [1, 1]} : vector<200x10112xi32> to vector<200x128xi32>
    %min3A_347 = arith.minsi %min3A_315, %slice3A_346 : vector<200x128xi32>
    %max3A_348 = arith.maxsi %min3A_315, %slice3A_346 : vector<200x128xi32>
    %min3A_349 = arith.minsi %min3A_317, %max3A_348 : vector<200x128xi32>
    %max3A_350 = arith.maxsi %min3A_317, %max3A_348 : vector<200x128xi32>
    %min3A_351 = arith.minsi %min3A_319, %max3A_350 : vector<200x128xi32>
    %max3A_352 = arith.maxsi %min3A_319, %max3A_350 : vector<200x128xi32>
    %min3A_353 = arith.minsi %min3A_321, %max3A_352 : vector<200x128xi32>
    %slice3A_354 = vector.extract_strided_slice %or3A {offsets = [0, 4864], sizes = [200, 128], strides = [1, 1]} : vector<200x10112xi32> to vector<200x128xi32>
    %min3A_355 = arith.minsi %min3A_323, %slice3A_354 : vector<200x128xi32>
    %max3A_356 = arith.maxsi %min3A_323, %slice3A_354 : vector<200x128xi32>
    %min3A_357 = arith.minsi %min3A_325, %max3A_356 : vector<200x128xi32>
    %max3A_358 = arith.maxsi %min3A_325, %max3A_356 : vector<200x128xi32>
    %min3A_359 = arith.minsi %min3A_327, %max3A_358 : vector<200x128xi32>
    %max3A_360 = arith.maxsi %min3A_327, %max3A_358 : vector<200x128xi32>
    %min3A_361 = arith.minsi %min3A_329, %max3A_360 : vector<200x128xi32>
    %slice3A_362 = vector.extract_strided_slice %or3A {offsets = [0, 4992], sizes = [200, 128], strides = [1, 1]} : vector<200x10112xi32> to vector<200x128xi32>
    %min3A_363 = arith.minsi %min3A_331, %slice3A_362 : vector<200x128xi32>
    %max3A_364 = arith.maxsi %min3A_331, %slice3A_362 : vector<200x128xi32>
    %min3A_365 = arith.minsi %min3A_333, %max3A_364 : vector<200x128xi32>
    %max3A_366 = arith.maxsi %min3A_333, %max3A_364 : vector<200x128xi32>
    %min3A_367 = arith.minsi %min3A_335, %max3A_366 : vector<200x128xi32>
    %max3A_368 = arith.maxsi %min3A_335, %max3A_366 : vector<200x128xi32>
    %min3A_369 = arith.minsi %min3A_337, %max3A_368 : vector<200x128xi32>
    %slice3A_370 = vector.extract_strided_slice %or3A {offsets = [0, 5120], sizes = [200, 128], strides = [1, 1]} : vector<200x10112xi32> to vector<200x128xi32>
    %min3A_371 = arith.minsi %min3A_339, %slice3A_370 : vector<200x128xi32>
    %max3A_372 = arith.maxsi %min3A_339, %slice3A_370 : vector<200x128xi32>
    %min3A_373 = arith.minsi %min3A_341, %max3A_372 : vector<200x128xi32>
    %max3A_374 = arith.maxsi %min3A_341, %max3A_372 : vector<200x128xi32>
    %min3A_375 = arith.minsi %min3A_343, %max3A_374 : vector<200x128xi32>
    %max3A_376 = arith.maxsi %min3A_343, %max3A_374 : vector<200x128xi32>
    %min3A_377 = arith.minsi %min3A_345, %max3A_376 : vector<200x128xi32>
    %slice3A_378 = vector.extract_strided_slice %or3A {offsets = [0, 5248], sizes = [200, 128], strides = [1, 1]} : vector<200x10112xi32> to vector<200x128xi32>
    %min3A_379 = arith.minsi %min3A_347, %slice3A_378 : vector<200x128xi32>
    %max3A_380 = arith.maxsi %min3A_347, %slice3A_378 : vector<200x128xi32>
    %min3A_381 = arith.minsi %min3A_349, %max3A_380 : vector<200x128xi32>
    %max3A_382 = arith.maxsi %min3A_349, %max3A_380 : vector<200x128xi32>
    %min3A_383 = arith.minsi %min3A_351, %max3A_382 : vector<200x128xi32>
    %max3A_384 = arith.maxsi %min3A_351, %max3A_382 : vector<200x128xi32>
    %min3A_385 = arith.minsi %min3A_353, %max3A_384 : vector<200x128xi32>
    %slice3A_386 = vector.extract_strided_slice %or3A {offsets = [0, 5376], sizes = [200, 128], strides = [1, 1]} : vector<200x10112xi32> to vector<200x128xi32>
    %min3A_387 = arith.minsi %min3A_355, %slice3A_386 : vector<200x128xi32>
    %max3A_388 = arith.maxsi %min3A_355, %slice3A_386 : vector<200x128xi32>
    %min3A_389 = arith.minsi %min3A_357, %max3A_388 : vector<200x128xi32>
    %max3A_390 = arith.maxsi %min3A_357, %max3A_388 : vector<200x128xi32>
    %min3A_391 = arith.minsi %min3A_359, %max3A_390 : vector<200x128xi32>
    %max3A_392 = arith.maxsi %min3A_359, %max3A_390 : vector<200x128xi32>
    %min3A_393 = arith.minsi %min3A_361, %max3A_392 : vector<200x128xi32>
    %slice3A_394 = vector.extract_strided_slice %or3A {offsets = [0, 5504], sizes = [200, 128], strides = [1, 1]} : vector<200x10112xi32> to vector<200x128xi32>
    %min3A_395 = arith.minsi %min3A_363, %slice3A_394 : vector<200x128xi32>
    %max3A_396 = arith.maxsi %min3A_363, %slice3A_394 : vector<200x128xi32>
    %min3A_397 = arith.minsi %min3A_365, %max3A_396 : vector<200x128xi32>
    %max3A_398 = arith.maxsi %min3A_365, %max3A_396 : vector<200x128xi32>
    %min3A_399 = arith.minsi %min3A_367, %max3A_398 : vector<200x128xi32>
    %max3A_400 = arith.maxsi %min3A_367, %max3A_398 : vector<200x128xi32>
    %min3A_401 = arith.minsi %min3A_369, %max3A_400 : vector<200x128xi32>
    %slice3A_402 = vector.extract_strided_slice %or3A {offsets = [0, 5632], sizes = [200, 128], strides = [1, 1]} : vector<200x10112xi32> to vector<200x128xi32>
    %min3A_403 = arith.minsi %min3A_371, %slice3A_402 : vector<200x128xi32>
    %max3A_404 = arith.maxsi %min3A_371, %slice3A_402 : vector<200x128xi32>
    %min3A_405 = arith.minsi %min3A_373, %max3A_404 : vector<200x128xi32>
    %max3A_406 = arith.maxsi %min3A_373, %max3A_404 : vector<200x128xi32>
    %min3A_407 = arith.minsi %min3A_375, %max3A_406 : vector<200x128xi32>
    %max3A_408 = arith.maxsi %min3A_375, %max3A_406 : vector<200x128xi32>
    %min3A_409 = arith.minsi %min3A_377, %max3A_408 : vector<200x128xi32>
    %slice3A_410 = vector.extract_strided_slice %or3A {offsets = [0, 5760], sizes = [200, 128], strides = [1, 1]} : vector<200x10112xi32> to vector<200x128xi32>
    %min3A_411 = arith.minsi %min3A_379, %slice3A_410 : vector<200x128xi32>
    %max3A_412 = arith.maxsi %min3A_379, %slice3A_410 : vector<200x128xi32>
    %min3A_413 = arith.minsi %min3A_381, %max3A_412 : vector<200x128xi32>
    %max3A_414 = arith.maxsi %min3A_381, %max3A_412 : vector<200x128xi32>
    %min3A_415 = arith.minsi %min3A_383, %max3A_414 : vector<200x128xi32>
    %max3A_416 = arith.maxsi %min3A_383, %max3A_414 : vector<200x128xi32>
    %min3A_417 = arith.minsi %min3A_385, %max3A_416 : vector<200x128xi32>
    %slice3A_418 = vector.extract_strided_slice %or3A {offsets = [0, 5888], sizes = [200, 128], strides = [1, 1]} : vector<200x10112xi32> to vector<200x128xi32>
    %min3A_419 = arith.minsi %min3A_387, %slice3A_418 : vector<200x128xi32>
    %max3A_420 = arith.maxsi %min3A_387, %slice3A_418 : vector<200x128xi32>
    %min3A_421 = arith.minsi %min3A_389, %max3A_420 : vector<200x128xi32>
    %max3A_422 = arith.maxsi %min3A_389, %max3A_420 : vector<200x128xi32>
    %min3A_423 = arith.minsi %min3A_391, %max3A_422 : vector<200x128xi32>
    %max3A_424 = arith.maxsi %min3A_391, %max3A_422 : vector<200x128xi32>
    %min3A_425 = arith.minsi %min3A_393, %max3A_424 : vector<200x128xi32>
    %slice3A_426 = vector.extract_strided_slice %or3A {offsets = [0, 6016], sizes = [200, 128], strides = [1, 1]} : vector<200x10112xi32> to vector<200x128xi32>
    %min3A_427 = arith.minsi %min3A_395, %slice3A_426 : vector<200x128xi32>
    %max3A_428 = arith.maxsi %min3A_395, %slice3A_426 : vector<200x128xi32>
    %min3A_429 = arith.minsi %min3A_397, %max3A_428 : vector<200x128xi32>
    %max3A_430 = arith.maxsi %min3A_397, %max3A_428 : vector<200x128xi32>
    %min3A_431 = arith.minsi %min3A_399, %max3A_430 : vector<200x128xi32>
    %max3A_432 = arith.maxsi %min3A_399, %max3A_430 : vector<200x128xi32>
    %min3A_433 = arith.minsi %min3A_401, %max3A_432 : vector<200x128xi32>
    %slice3A_434 = vector.extract_strided_slice %or3A {offsets = [0, 6144], sizes = [200, 128], strides = [1, 1]} : vector<200x10112xi32> to vector<200x128xi32>
    %min3A_435 = arith.minsi %min3A_403, %slice3A_434 : vector<200x128xi32>
    %max3A_436 = arith.maxsi %min3A_403, %slice3A_434 : vector<200x128xi32>
    %min3A_437 = arith.minsi %min3A_405, %max3A_436 : vector<200x128xi32>
    %max3A_438 = arith.maxsi %min3A_405, %max3A_436 : vector<200x128xi32>
    %min3A_439 = arith.minsi %min3A_407, %max3A_438 : vector<200x128xi32>
    %max3A_440 = arith.maxsi %min3A_407, %max3A_438 : vector<200x128xi32>
    %min3A_441 = arith.minsi %min3A_409, %max3A_440 : vector<200x128xi32>
    %slice3A_442 = vector.extract_strided_slice %or3A {offsets = [0, 6272], sizes = [200, 128], strides = [1, 1]} : vector<200x10112xi32> to vector<200x128xi32>
    %min3A_443 = arith.minsi %min3A_411, %slice3A_442 : vector<200x128xi32>
    %max3A_444 = arith.maxsi %min3A_411, %slice3A_442 : vector<200x128xi32>
    %min3A_445 = arith.minsi %min3A_413, %max3A_444 : vector<200x128xi32>
    %max3A_446 = arith.maxsi %min3A_413, %max3A_444 : vector<200x128xi32>
    %min3A_447 = arith.minsi %min3A_415, %max3A_446 : vector<200x128xi32>
    %max3A_448 = arith.maxsi %min3A_415, %max3A_446 : vector<200x128xi32>
    %min3A_449 = arith.minsi %min3A_417, %max3A_448 : vector<200x128xi32>
    %slice3A_450 = vector.extract_strided_slice %or3A {offsets = [0, 6400], sizes = [200, 128], strides = [1, 1]} : vector<200x10112xi32> to vector<200x128xi32>
    %min3A_451 = arith.minsi %min3A_419, %slice3A_450 : vector<200x128xi32>
    %max3A_452 = arith.maxsi %min3A_419, %slice3A_450 : vector<200x128xi32>
    %min3A_453 = arith.minsi %min3A_421, %max3A_452 : vector<200x128xi32>
    %max3A_454 = arith.maxsi %min3A_421, %max3A_452 : vector<200x128xi32>
    %min3A_455 = arith.minsi %min3A_423, %max3A_454 : vector<200x128xi32>
    %max3A_456 = arith.maxsi %min3A_423, %max3A_454 : vector<200x128xi32>
    %min3A_457 = arith.minsi %min3A_425, %max3A_456 : vector<200x128xi32>
    %slice3A_458 = vector.extract_strided_slice %or3A {offsets = [0, 6528], sizes = [200, 128], strides = [1, 1]} : vector<200x10112xi32> to vector<200x128xi32>
    %min3A_459 = arith.minsi %min3A_427, %slice3A_458 : vector<200x128xi32>
    %max3A_460 = arith.maxsi %min3A_427, %slice3A_458 : vector<200x128xi32>
    %min3A_461 = arith.minsi %min3A_429, %max3A_460 : vector<200x128xi32>
    %max3A_462 = arith.maxsi %min3A_429, %max3A_460 : vector<200x128xi32>
    %min3A_463 = arith.minsi %min3A_431, %max3A_462 : vector<200x128xi32>
    %max3A_464 = arith.maxsi %min3A_431, %max3A_462 : vector<200x128xi32>
    %min3A_465 = arith.minsi %min3A_433, %max3A_464 : vector<200x128xi32>
    %slice3A_466 = vector.extract_strided_slice %or3A {offsets = [0, 6656], sizes = [200, 128], strides = [1, 1]} : vector<200x10112xi32> to vector<200x128xi32>
    %min3A_467 = arith.minsi %min3A_435, %slice3A_466 : vector<200x128xi32>
    %max3A_468 = arith.maxsi %min3A_435, %slice3A_466 : vector<200x128xi32>
    %min3A_469 = arith.minsi %min3A_437, %max3A_468 : vector<200x128xi32>
    %max3A_470 = arith.maxsi %min3A_437, %max3A_468 : vector<200x128xi32>
    %min3A_471 = arith.minsi %min3A_439, %max3A_470 : vector<200x128xi32>
    %max3A_472 = arith.maxsi %min3A_439, %max3A_470 : vector<200x128xi32>
    %min3A_473 = arith.minsi %min3A_441, %max3A_472 : vector<200x128xi32>
    %slice3A_474 = vector.extract_strided_slice %or3A {offsets = [0, 6784], sizes = [200, 128], strides = [1, 1]} : vector<200x10112xi32> to vector<200x128xi32>
    %min3A_475 = arith.minsi %min3A_443, %slice3A_474 : vector<200x128xi32>
    %max3A_476 = arith.maxsi %min3A_443, %slice3A_474 : vector<200x128xi32>
    %min3A_477 = arith.minsi %min3A_445, %max3A_476 : vector<200x128xi32>
    %max3A_478 = arith.maxsi %min3A_445, %max3A_476 : vector<200x128xi32>
    %min3A_479 = arith.minsi %min3A_447, %max3A_478 : vector<200x128xi32>
    %max3A_480 = arith.maxsi %min3A_447, %max3A_478 : vector<200x128xi32>
    %min3A_481 = arith.minsi %min3A_449, %max3A_480 : vector<200x128xi32>
    %slice3A_482 = vector.extract_strided_slice %or3A {offsets = [0, 6912], sizes = [200, 128], strides = [1, 1]} : vector<200x10112xi32> to vector<200x128xi32>
    %min3A_483 = arith.minsi %min3A_451, %slice3A_482 : vector<200x128xi32>
    %max3A_484 = arith.maxsi %min3A_451, %slice3A_482 : vector<200x128xi32>
    %min3A_485 = arith.minsi %min3A_453, %max3A_484 : vector<200x128xi32>
    %max3A_486 = arith.maxsi %min3A_453, %max3A_484 : vector<200x128xi32>
    %min3A_487 = arith.minsi %min3A_455, %max3A_486 : vector<200x128xi32>
    %max3A_488 = arith.maxsi %min3A_455, %max3A_486 : vector<200x128xi32>
    %min3A_489 = arith.minsi %min3A_457, %max3A_488 : vector<200x128xi32>
    %slice3A_490 = vector.extract_strided_slice %or3A {offsets = [0, 7040], sizes = [200, 128], strides = [1, 1]} : vector<200x10112xi32> to vector<200x128xi32>
    %min3A_491 = arith.minsi %min3A_459, %slice3A_490 : vector<200x128xi32>
    %max3A_492 = arith.maxsi %min3A_459, %slice3A_490 : vector<200x128xi32>
    %min3A_493 = arith.minsi %min3A_461, %max3A_492 : vector<200x128xi32>
    %max3A_494 = arith.maxsi %min3A_461, %max3A_492 : vector<200x128xi32>
    %min3A_495 = arith.minsi %min3A_463, %max3A_494 : vector<200x128xi32>
    %max3A_496 = arith.maxsi %min3A_463, %max3A_494 : vector<200x128xi32>
    %min3A_497 = arith.minsi %min3A_465, %max3A_496 : vector<200x128xi32>
    %slice3A_498 = vector.extract_strided_slice %or3A {offsets = [0, 7168], sizes = [200, 128], strides = [1, 1]} : vector<200x10112xi32> to vector<200x128xi32>
    %min3A_499 = arith.minsi %min3A_467, %slice3A_498 : vector<200x128xi32>
    %max3A_500 = arith.maxsi %min3A_467, %slice3A_498 : vector<200x128xi32>
    %min3A_501 = arith.minsi %min3A_469, %max3A_500 : vector<200x128xi32>
    %max3A_502 = arith.maxsi %min3A_469, %max3A_500 : vector<200x128xi32>
    %min3A_503 = arith.minsi %min3A_471, %max3A_502 : vector<200x128xi32>
    %max3A_504 = arith.maxsi %min3A_471, %max3A_502 : vector<200x128xi32>
    %min3A_505 = arith.minsi %min3A_473, %max3A_504 : vector<200x128xi32>
    %slice3A_506 = vector.extract_strided_slice %or3A {offsets = [0, 7296], sizes = [200, 128], strides = [1, 1]} : vector<200x10112xi32> to vector<200x128xi32>
    %min3A_507 = arith.minsi %min3A_475, %slice3A_506 : vector<200x128xi32>
    %max3A_508 = arith.maxsi %min3A_475, %slice3A_506 : vector<200x128xi32>
    %min3A_509 = arith.minsi %min3A_477, %max3A_508 : vector<200x128xi32>
    %max3A_510 = arith.maxsi %min3A_477, %max3A_508 : vector<200x128xi32>
    %min3A_511 = arith.minsi %min3A_479, %max3A_510 : vector<200x128xi32>
    %max3A_512 = arith.maxsi %min3A_479, %max3A_510 : vector<200x128xi32>
    %min3A_513 = arith.minsi %min3A_481, %max3A_512 : vector<200x128xi32>
    %slice3A_514 = vector.extract_strided_slice %or3A {offsets = [0, 7424], sizes = [200, 128], strides = [1, 1]} : vector<200x10112xi32> to vector<200x128xi32>
    %min3A_515 = arith.minsi %min3A_483, %slice3A_514 : vector<200x128xi32>
    %max3A_516 = arith.maxsi %min3A_483, %slice3A_514 : vector<200x128xi32>
    %min3A_517 = arith.minsi %min3A_485, %max3A_516 : vector<200x128xi32>
    %max3A_518 = arith.maxsi %min3A_485, %max3A_516 : vector<200x128xi32>
    %min3A_519 = arith.minsi %min3A_487, %max3A_518 : vector<200x128xi32>
    %max3A_520 = arith.maxsi %min3A_487, %max3A_518 : vector<200x128xi32>
    %min3A_521 = arith.minsi %min3A_489, %max3A_520 : vector<200x128xi32>
    %slice3A_522 = vector.extract_strided_slice %or3A {offsets = [0, 7552], sizes = [200, 128], strides = [1, 1]} : vector<200x10112xi32> to vector<200x128xi32>
    %min3A_523 = arith.minsi %min3A_491, %slice3A_522 : vector<200x128xi32>
    %max3A_524 = arith.maxsi %min3A_491, %slice3A_522 : vector<200x128xi32>
    %min3A_525 = arith.minsi %min3A_493, %max3A_524 : vector<200x128xi32>
    %max3A_526 = arith.maxsi %min3A_493, %max3A_524 : vector<200x128xi32>
    %min3A_527 = arith.minsi %min3A_495, %max3A_526 : vector<200x128xi32>
    %max3A_528 = arith.maxsi %min3A_495, %max3A_526 : vector<200x128xi32>
    %min3A_529 = arith.minsi %min3A_497, %max3A_528 : vector<200x128xi32>
    %slice3A_530 = vector.extract_strided_slice %or3A {offsets = [0, 7680], sizes = [200, 128], strides = [1, 1]} : vector<200x10112xi32> to vector<200x128xi32>
    %min3A_531 = arith.minsi %min3A_499, %slice3A_530 : vector<200x128xi32>
    %max3A_532 = arith.maxsi %min3A_499, %slice3A_530 : vector<200x128xi32>
    %min3A_533 = arith.minsi %min3A_501, %max3A_532 : vector<200x128xi32>
    %max3A_534 = arith.maxsi %min3A_501, %max3A_532 : vector<200x128xi32>
    %min3A_535 = arith.minsi %min3A_503, %max3A_534 : vector<200x128xi32>
    %max3A_536 = arith.maxsi %min3A_503, %max3A_534 : vector<200x128xi32>
    %min3A_537 = arith.minsi %min3A_505, %max3A_536 : vector<200x128xi32>
    %slice3A_538 = vector.extract_strided_slice %or3A {offsets = [0, 7808], sizes = [200, 128], strides = [1, 1]} : vector<200x10112xi32> to vector<200x128xi32>
    %min3A_539 = arith.minsi %min3A_507, %slice3A_538 : vector<200x128xi32>
    %max3A_540 = arith.maxsi %min3A_507, %slice3A_538 : vector<200x128xi32>
    %min3A_541 = arith.minsi %min3A_509, %max3A_540 : vector<200x128xi32>
    %max3A_542 = arith.maxsi %min3A_509, %max3A_540 : vector<200x128xi32>
    %min3A_543 = arith.minsi %min3A_511, %max3A_542 : vector<200x128xi32>
    %max3A_544 = arith.maxsi %min3A_511, %max3A_542 : vector<200x128xi32>
    %min3A_545 = arith.minsi %min3A_513, %max3A_544 : vector<200x128xi32>
    %slice3A_546 = vector.extract_strided_slice %or3A {offsets = [0, 7936], sizes = [200, 128], strides = [1, 1]} : vector<200x10112xi32> to vector<200x128xi32>
    %min3A_547 = arith.minsi %min3A_515, %slice3A_546 : vector<200x128xi32>
    %max3A_548 = arith.maxsi %min3A_515, %slice3A_546 : vector<200x128xi32>
    %min3A_549 = arith.minsi %min3A_517, %max3A_548 : vector<200x128xi32>
    %max3A_550 = arith.maxsi %min3A_517, %max3A_548 : vector<200x128xi32>
    %min3A_551 = arith.minsi %min3A_519, %max3A_550 : vector<200x128xi32>
    %max3A_552 = arith.maxsi %min3A_519, %max3A_550 : vector<200x128xi32>
    %min3A_553 = arith.minsi %min3A_521, %max3A_552 : vector<200x128xi32>
    %slice3A_554 = vector.extract_strided_slice %or3A {offsets = [0, 8064], sizes = [200, 128], strides = [1, 1]} : vector<200x10112xi32> to vector<200x128xi32>
    %min3A_555 = arith.minsi %min3A_523, %slice3A_554 : vector<200x128xi32>
    %max3A_556 = arith.maxsi %min3A_523, %slice3A_554 : vector<200x128xi32>
    %min3A_557 = arith.minsi %min3A_525, %max3A_556 : vector<200x128xi32>
    %max3A_558 = arith.maxsi %min3A_525, %max3A_556 : vector<200x128xi32>
    %min3A_559 = arith.minsi %min3A_527, %max3A_558 : vector<200x128xi32>
    %max3A_560 = arith.maxsi %min3A_527, %max3A_558 : vector<200x128xi32>
    %min3A_561 = arith.minsi %min3A_529, %max3A_560 : vector<200x128xi32>
    %slice3A_562 = vector.extract_strided_slice %or3A {offsets = [0, 8192], sizes = [200, 128], strides = [1, 1]} : vector<200x10112xi32> to vector<200x128xi32>
    %min3A_563 = arith.minsi %min3A_531, %slice3A_562 : vector<200x128xi32>
    %max3A_564 = arith.maxsi %min3A_531, %slice3A_562 : vector<200x128xi32>
    %min3A_565 = arith.minsi %min3A_533, %max3A_564 : vector<200x128xi32>
    %max3A_566 = arith.maxsi %min3A_533, %max3A_564 : vector<200x128xi32>
    %min3A_567 = arith.minsi %min3A_535, %max3A_566 : vector<200x128xi32>
    %max3A_568 = arith.maxsi %min3A_535, %max3A_566 : vector<200x128xi32>
    %min3A_569 = arith.minsi %min3A_537, %max3A_568 : vector<200x128xi32>
    %slice3A_570 = vector.extract_strided_slice %or3A {offsets = [0, 8320], sizes = [200, 128], strides = [1, 1]} : vector<200x10112xi32> to vector<200x128xi32>
    %min3A_571 = arith.minsi %min3A_539, %slice3A_570 : vector<200x128xi32>
    %max3A_572 = arith.maxsi %min3A_539, %slice3A_570 : vector<200x128xi32>
    %min3A_573 = arith.minsi %min3A_541, %max3A_572 : vector<200x128xi32>
    %max3A_574 = arith.maxsi %min3A_541, %max3A_572 : vector<200x128xi32>
    %min3A_575 = arith.minsi %min3A_543, %max3A_574 : vector<200x128xi32>
    %max3A_576 = arith.maxsi %min3A_543, %max3A_574 : vector<200x128xi32>
    %min3A_577 = arith.minsi %min3A_545, %max3A_576 : vector<200x128xi32>
    %slice3A_578 = vector.extract_strided_slice %or3A {offsets = [0, 8448], sizes = [200, 128], strides = [1, 1]} : vector<200x10112xi32> to vector<200x128xi32>
    %min3A_579 = arith.minsi %min3A_547, %slice3A_578 : vector<200x128xi32>
    %max3A_580 = arith.maxsi %min3A_547, %slice3A_578 : vector<200x128xi32>
    %min3A_581 = arith.minsi %min3A_549, %max3A_580 : vector<200x128xi32>
    %max3A_582 = arith.maxsi %min3A_549, %max3A_580 : vector<200x128xi32>
    %min3A_583 = arith.minsi %min3A_551, %max3A_582 : vector<200x128xi32>
    %max3A_584 = arith.maxsi %min3A_551, %max3A_582 : vector<200x128xi32>
    %min3A_585 = arith.minsi %min3A_553, %max3A_584 : vector<200x128xi32>
    %slice3A_586 = vector.extract_strided_slice %or3A {offsets = [0, 8576], sizes = [200, 128], strides = [1, 1]} : vector<200x10112xi32> to vector<200x128xi32>
    %min3A_587 = arith.minsi %min3A_555, %slice3A_586 : vector<200x128xi32>
    %max3A_588 = arith.maxsi %min3A_555, %slice3A_586 : vector<200x128xi32>
    %min3A_589 = arith.minsi %min3A_557, %max3A_588 : vector<200x128xi32>
    %max3A_590 = arith.maxsi %min3A_557, %max3A_588 : vector<200x128xi32>
    %min3A_591 = arith.minsi %min3A_559, %max3A_590 : vector<200x128xi32>
    %max3A_592 = arith.maxsi %min3A_559, %max3A_590 : vector<200x128xi32>
    %min3A_593 = arith.minsi %min3A_561, %max3A_592 : vector<200x128xi32>
    %slice3A_594 = vector.extract_strided_slice %or3A {offsets = [0, 8704], sizes = [200, 128], strides = [1, 1]} : vector<200x10112xi32> to vector<200x128xi32>
    %min3A_595 = arith.minsi %min3A_563, %slice3A_594 : vector<200x128xi32>
    %max3A_596 = arith.maxsi %min3A_563, %slice3A_594 : vector<200x128xi32>
    %min3A_597 = arith.minsi %min3A_565, %max3A_596 : vector<200x128xi32>
    %max3A_598 = arith.maxsi %min3A_565, %max3A_596 : vector<200x128xi32>
    %min3A_599 = arith.minsi %min3A_567, %max3A_598 : vector<200x128xi32>
    %max3A_600 = arith.maxsi %min3A_567, %max3A_598 : vector<200x128xi32>
    %min3A_601 = arith.minsi %min3A_569, %max3A_600 : vector<200x128xi32>
    %slice3A_602 = vector.extract_strided_slice %or3A {offsets = [0, 8832], sizes = [200, 128], strides = [1, 1]} : vector<200x10112xi32> to vector<200x128xi32>
    %min3A_603 = arith.minsi %min3A_571, %slice3A_602 : vector<200x128xi32>
    %max3A_604 = arith.maxsi %min3A_571, %slice3A_602 : vector<200x128xi32>
    %min3A_605 = arith.minsi %min3A_573, %max3A_604 : vector<200x128xi32>
    %max3A_606 = arith.maxsi %min3A_573, %max3A_604 : vector<200x128xi32>
    %min3A_607 = arith.minsi %min3A_575, %max3A_606 : vector<200x128xi32>
    %max3A_608 = arith.maxsi %min3A_575, %max3A_606 : vector<200x128xi32>
    %min3A_609 = arith.minsi %min3A_577, %max3A_608 : vector<200x128xi32>
    %slice3A_610 = vector.extract_strided_slice %or3A {offsets = [0, 8960], sizes = [200, 128], strides = [1, 1]} : vector<200x10112xi32> to vector<200x128xi32>
    %min3A_611 = arith.minsi %min3A_579, %slice3A_610 : vector<200x128xi32>
    %max3A_612 = arith.maxsi %min3A_579, %slice3A_610 : vector<200x128xi32>
    %min3A_613 = arith.minsi %min3A_581, %max3A_612 : vector<200x128xi32>
    %max3A_614 = arith.maxsi %min3A_581, %max3A_612 : vector<200x128xi32>
    %min3A_615 = arith.minsi %min3A_583, %max3A_614 : vector<200x128xi32>
    %max3A_616 = arith.maxsi %min3A_583, %max3A_614 : vector<200x128xi32>
    %min3A_617 = arith.minsi %min3A_585, %max3A_616 : vector<200x128xi32>
    %slice3A_618 = vector.extract_strided_slice %or3A {offsets = [0, 9088], sizes = [200, 128], strides = [1, 1]} : vector<200x10112xi32> to vector<200x128xi32>
    %min3A_619 = arith.minsi %min3A_587, %slice3A_618 : vector<200x128xi32>
    %max3A_620 = arith.maxsi %min3A_587, %slice3A_618 : vector<200x128xi32>
    %min3A_621 = arith.minsi %min3A_589, %max3A_620 : vector<200x128xi32>
    %max3A_622 = arith.maxsi %min3A_589, %max3A_620 : vector<200x128xi32>
    %min3A_623 = arith.minsi %min3A_591, %max3A_622 : vector<200x128xi32>
    %max3A_624 = arith.maxsi %min3A_591, %max3A_622 : vector<200x128xi32>
    %min3A_625 = arith.minsi %min3A_593, %max3A_624 : vector<200x128xi32>
    %slice3A_626 = vector.extract_strided_slice %or3A {offsets = [0, 9216], sizes = [200, 128], strides = [1, 1]} : vector<200x10112xi32> to vector<200x128xi32>
    %min3A_627 = arith.minsi %min3A_595, %slice3A_626 : vector<200x128xi32>
    %max3A_628 = arith.maxsi %min3A_595, %slice3A_626 : vector<200x128xi32>
    %min3A_629 = arith.minsi %min3A_597, %max3A_628 : vector<200x128xi32>
    %max3A_630 = arith.maxsi %min3A_597, %max3A_628 : vector<200x128xi32>
    %min3A_631 = arith.minsi %min3A_599, %max3A_630 : vector<200x128xi32>
    %max3A_632 = arith.maxsi %min3A_599, %max3A_630 : vector<200x128xi32>
    %min3A_633 = arith.minsi %min3A_601, %max3A_632 : vector<200x128xi32>
    %slice3A_634 = vector.extract_strided_slice %or3A {offsets = [0, 9344], sizes = [200, 128], strides = [1, 1]} : vector<200x10112xi32> to vector<200x128xi32>
    %min3A_635 = arith.minsi %min3A_603, %slice3A_634 : vector<200x128xi32>
    %max3A_636 = arith.maxsi %min3A_603, %slice3A_634 : vector<200x128xi32>
    %min3A_637 = arith.minsi %min3A_605, %max3A_636 : vector<200x128xi32>
    %max3A_638 = arith.maxsi %min3A_605, %max3A_636 : vector<200x128xi32>
    %min3A_639 = arith.minsi %min3A_607, %max3A_638 : vector<200x128xi32>
    %max3A_640 = arith.maxsi %min3A_607, %max3A_638 : vector<200x128xi32>
    %min3A_641 = arith.minsi %min3A_609, %max3A_640 : vector<200x128xi32>
    %slice3A_642 = vector.extract_strided_slice %or3A {offsets = [0, 9472], sizes = [200, 128], strides = [1, 1]} : vector<200x10112xi32> to vector<200x128xi32>
    %min3A_643 = arith.minsi %min3A_611, %slice3A_642 : vector<200x128xi32>
    %max3A_644 = arith.maxsi %min3A_611, %slice3A_642 : vector<200x128xi32>
    %min3A_645 = arith.minsi %min3A_613, %max3A_644 : vector<200x128xi32>
    %max3A_646 = arith.maxsi %min3A_613, %max3A_644 : vector<200x128xi32>
    %min3A_647 = arith.minsi %min3A_615, %max3A_646 : vector<200x128xi32>
    %max3A_648 = arith.maxsi %min3A_615, %max3A_646 : vector<200x128xi32>
    %min3A_649 = arith.minsi %min3A_617, %max3A_648 : vector<200x128xi32>
    %slice3A_650 = vector.extract_strided_slice %or3A {offsets = [0, 9600], sizes = [200, 128], strides = [1, 1]} : vector<200x10112xi32> to vector<200x128xi32>
    %min3A_651 = arith.minsi %min3A_619, %slice3A_650 : vector<200x128xi32>
    %max3A_652 = arith.maxsi %min3A_619, %slice3A_650 : vector<200x128xi32>
    %min3A_653 = arith.minsi %min3A_621, %max3A_652 : vector<200x128xi32>
    %max3A_654 = arith.maxsi %min3A_621, %max3A_652 : vector<200x128xi32>
    %min3A_655 = arith.minsi %min3A_623, %max3A_654 : vector<200x128xi32>
    %max3A_656 = arith.maxsi %min3A_623, %max3A_654 : vector<200x128xi32>
    %min3A_657 = arith.minsi %min3A_625, %max3A_656 : vector<200x128xi32>
    %slice3A_658 = vector.extract_strided_slice %or3A {offsets = [0, 9728], sizes = [200, 128], strides = [1, 1]} : vector<200x10112xi32> to vector<200x128xi32>
    %min3A_659 = arith.minsi %min3A_627, %slice3A_658 : vector<200x128xi32>
    %max3A_660 = arith.maxsi %min3A_627, %slice3A_658 : vector<200x128xi32>
    %min3A_661 = arith.minsi %min3A_629, %max3A_660 : vector<200x128xi32>
    %max3A_662 = arith.maxsi %min3A_629, %max3A_660 : vector<200x128xi32>
    %min3A_663 = arith.minsi %min3A_631, %max3A_662 : vector<200x128xi32>
    %max3A_664 = arith.maxsi %min3A_631, %max3A_662 : vector<200x128xi32>
    %min3A_665 = arith.minsi %min3A_633, %max3A_664 : vector<200x128xi32>
    %slice3A_666 = vector.extract_strided_slice %or3A {offsets = [0, 9856], sizes = [200, 128], strides = [1, 1]} : vector<200x10112xi32> to vector<200x128xi32>
    %min3A_667 = arith.minsi %min3A_635, %slice3A_666 : vector<200x128xi32>
    %max3A_668 = arith.maxsi %min3A_635, %slice3A_666 : vector<200x128xi32>
    %min3A_669 = arith.minsi %min3A_637, %max3A_668 : vector<200x128xi32>
    %max3A_670 = arith.maxsi %min3A_637, %max3A_668 : vector<200x128xi32>
    %min3A_671 = arith.minsi %min3A_639, %max3A_670 : vector<200x128xi32>
    %max3A_672 = arith.maxsi %min3A_639, %max3A_670 : vector<200x128xi32>
    %min3A_673 = arith.minsi %min3A_641, %max3A_672 : vector<200x128xi32>
    %slice3A_674 = vector.extract_strided_slice %or3A {offsets = [0, 9984], sizes = [200, 128], strides = [1, 1]} : vector<200x10112xi32> to vector<200x128xi32>
    %min3A_675 = arith.minsi %min3A_643, %slice3A_674 : vector<200x128xi32>
    %max3A_676 = arith.maxsi %min3A_643, %slice3A_674 : vector<200x128xi32>
    %min3A_677 = arith.minsi %min3A_645, %max3A_676 : vector<200x128xi32>
    %max3A_678 = arith.maxsi %min3A_645, %max3A_676 : vector<200x128xi32>
    %min3A_679 = arith.minsi %min3A_647, %max3A_678 : vector<200x128xi32>
    %max3A_680 = arith.maxsi %min3A_647, %max3A_678 : vector<200x128xi32>
    %min3A_681 = arith.minsi %min3A_649, %max3A_680 : vector<200x128xi32>
    %concatenate3A = tpu.concatenate %min3A_659, %min3A_661, %min3A_663, %min3A_665, %min3A_667, %min3A_669, %min3A_671, %min3A_673, %min3A_675, %min3A_677, %min3A_679, %min3A_681, %min3A_651, %min3A_653, %min3A_655, %min3A_657 in 1 : vector<200x128xi32>, vector<200x128xi32>, vector<200x128xi32>, vector<200x128xi32>, vector<200x128xi32>, vector<200x128xi32>, vector<200x128xi32>, vector<200x128xi32>, vector<200x128xi32>, vector<200x128xi32>, vector<200x128xi32>, vector<200x128xi32>, vector<200x128xi32>, vector<200x128xi32>, vector<200x128xi32>, vector<200x128xi32> -> vector<200x2048xi32>
    %reduce_min3A = arith.constant dense<2147483647> : vector<200xi32>
    %reduce_min3A_682 = vector.multi_reduction <minsi>, %concatenate3A, %reduce_min3A [1] : vector<200x2048xi32> to vector<200xi32>
    %broadcast_in_dim3A_683 = vector.shape_cast %reduce_min3A_682 : vector<200xi32> to vector<200x1xi32>
    %and3A_684 = arith.constant 16383 : i32
    %and3A_685 = vector.broadcast %and3A_684 : i32 to vector<200x1xi32>
    %and3A_686 = arith.andi %broadcast_in_dim3A_683, %and3A_685 : vector<200x1xi32>
    %eq3A = vector.broadcast %broadcast_in_dim3A_683 : vector<200x1xi32> to vector<200x2048xi32>
    %eq3A_687 = arith.cmpi eq, %concatenate3A, %eq3A : vector<200x2048xi32>
    %jit3A = arith.constant 2147483647 : i32
    %broadcast_in_dim3A_688 = vector.broadcast %jit3A : i32 to vector<200x2048xi32>
    %select_n3A = arith.select %eq3A_687, %broadcast_in_dim3A_688, %concatenate3A : vector<200x2048xi1>, vector<200x2048xi32>
    %reduce_min3A_689 = arith.constant dense<2147483647> : vector<200xi32>
    %reduce_min3A_690 = vector.multi_reduction <minsi>, %select_n3A, %reduce_min3A_689 [1] : vector<200x2048xi32> to vector<200xi32>
    %broadcast_in_dim3A_691 = vector.shape_cast %reduce_min3A_690 : vector<200xi32> to vector<200x1xi32>
    %and3A_692 = arith.constant 16383 : i32
    %and3A_693 = vector.broadcast %and3A_692 : i32 to vector<200x1xi32>
    %and3A_694 = arith.andi %broadcast_in_dim3A_691, %and3A_693 : vector<200x1xi32>
    %eq3A_695 = vector.broadcast %broadcast_in_dim3A_691 : vector<200x1xi32> to vector<200x2048xi32>
    %eq3A_696 = arith.cmpi eq, %select_n3A, %eq3A_695 : vector<200x2048xi32>
    %jit3A_697 = arith.constant 2147483647 : i32
    %broadcast_in_dim3A_698 = vector.broadcast %jit3A_697 : i32 to vector<200x2048xi32>
    %select_n3A_699 = arith.select %eq3A_696, %broadcast_in_dim3A_698, %select_n3A : vector<200x2048xi1>, vector<200x2048xi32>
    %reduce_min3A_700 = arith.constant dense<2147483647> : vector<200xi32>
    %reduce_min3A_701 = vector.multi_reduction <minsi>, %select_n3A_699, %reduce_min3A_700 [1] : vector<200x2048xi32> to vector<200xi32>
    %broadcast_in_dim3A_702 = vector.shape_cast %reduce_min3A_701 : vector<200xi32> to vector<200x1xi32>
    %and3A_703 = arith.constant 16383 : i32
    %and3A_704 = vector.broadcast %and3A_703 : i32 to vector<200x1xi32>
    %and3A_705 = arith.andi %broadcast_in_dim3A_702, %and3A_704 : vector<200x1xi32>
    %eq3A_706 = vector.broadcast %broadcast_in_dim3A_702 : vector<200x1xi32> to vector<200x2048xi32>
    %eq3A_707 = arith.cmpi eq, %select_n3A_699, %eq3A_706 : vector<200x2048xi32>
    %jit3A_708 = arith.constant 2147483647 : i32
    %broadcast_in_dim3A_709 = vector.broadcast %jit3A_708 : i32 to vector<200x2048xi32>
    %select_n3A_710 = arith.select %eq3A_707, %broadcast_in_dim3A_709, %select_n3A_699 : vector<200x2048xi1>, vector<200x2048xi32>
    %reduce_min3A_711 = arith.constant dense<2147483647> : vector<200xi32>
    %reduce_min3A_712 = vector.multi_reduction <minsi>, %select_n3A_710, %reduce_min3A_711 [1] : vector<200x2048xi32> to vector<200xi32>
    %broadcast_in_dim3A_713 = vector.shape_cast %reduce_min3A_712 : vector<200xi32> to vector<200x1xi32>
    %and3A_714 = arith.constant 16383 : i32
    %and3A_715 = vector.broadcast %and3A_714 : i32 to vector<200x1xi32>
    %and3A_716 = arith.andi %broadcast_in_dim3A_713, %and3A_715 : vector<200x1xi32>
    %eq3A_717 = vector.broadcast %broadcast_in_dim3A_713 : vector<200x1xi32> to vector<200x2048xi32>
    %eq3A_718 = arith.cmpi eq, %select_n3A_710, %eq3A_717 : vector<200x2048xi32>
    %jit3A_719 = arith.constant 2147483647 : i32
    %broadcast_in_dim3A_720 = vector.broadcast %jit3A_719 : i32 to vector<200x2048xi32>
    %select_n3A_721 = arith.select %eq3A_718, %broadcast_in_dim3A_720, %select_n3A_710 : vector<200x2048xi1>, vector<200x2048xi32>
    %reduce_min3A_722 = arith.constant dense<2147483647> : vector<200xi32>
    %reduce_min3A_723 = vector.multi_reduction <minsi>, %select_n3A_721, %reduce_min3A_722 [1] : vector<200x2048xi32> to vector<200xi32>
    %broadcast_in_dim3A_724 = vector.shape_cast %reduce_min3A_723 : vector<200xi32> to vector<200x1xi32>
    %and3A_725 = arith.constant 16383 : i32
    %and3A_726 = vector.broadcast %and3A_725 : i32 to vector<200x1xi32>
    %and3A_727 = arith.andi %broadcast_in_dim3A_724, %and3A_726 : vector<200x1xi32>
    %eq3A_728 = vector.broadcast %broadcast_in_dim3A_724 : vector<200x1xi32> to vector<200x2048xi32>
    %eq3A_729 = arith.cmpi eq, %select_n3A_721, %eq3A_728 : vector<200x2048xi32>
    %jit3A_730 = arith.constant 2147483647 : i32
    %broadcast_in_dim3A_731 = vector.broadcast %jit3A_730 : i32 to vector<200x2048xi32>
    %select_n3A_732 = arith.select %eq3A_729, %broadcast_in_dim3A_731, %select_n3A_721 : vector<200x2048xi1>, vector<200x2048xi32>
    %reduce_min3A_733 = arith.constant dense<2147483647> : vector<200xi32>
    %reduce_min3A_734 = vector.multi_reduction <minsi>, %select_n3A_732, %reduce_min3A_733 [1] : vector<200x2048xi32> to vector<200xi32>
    %broadcast_in_dim3A_735 = vector.shape_cast %reduce_min3A_734 : vector<200xi32> to vector<200x1xi32>
    %and3A_736 = arith.constant 16383 : i32
    %and3A_737 = vector.broadcast %and3A_736 : i32 to vector<200x1xi32>
    %and3A_738 = arith.andi %broadcast_in_dim3A_735, %and3A_737 : vector<200x1xi32>
    %eq3A_739 = vector.broadcast %broadcast_in_dim3A_735 : vector<200x1xi32> to vector<200x2048xi32>
    %eq3A_740 = arith.cmpi eq, %select_n3A_732, %eq3A_739 : vector<200x2048xi32>
    %jit3A_741 = arith.constant 2147483647 : i32
    %broadcast_in_dim3A_742 = vector.broadcast %jit3A_741 : i32 to vector<200x2048xi32>
    %select_n3A_743 = arith.select %eq3A_740, %broadcast_in_dim3A_742, %select_n3A_732 : vector<200x2048xi1>, vector<200x2048xi32>
    %reduce_min3A_744 = arith.constant dense<2147483647> : vector<200xi32>
    %reduce_min3A_745 = vector.multi_reduction <minsi>, %select_n3A_743, %reduce_min3A_744 [1] : vector<200x2048xi32> to vector<200xi32>
    %broadcast_in_dim3A_746 = vector.shape_cast %reduce_min3A_745 : vector<200xi32> to vector<200x1xi32>
    %and3A_747 = arith.constant 16383 : i32
    %and3A_748 = vector.broadcast %and3A_747 : i32 to vector<200x1xi32>
    %and3A_749 = arith.andi %broadcast_in_dim3A_746, %and3A_748 : vector<200x1xi32>
    %eq3A_750 = vector.broadcast %broadcast_in_dim3A_746 : vector<200x1xi32> to vector<200x2048xi32>
    %eq3A_751 = arith.cmpi eq, %select_n3A_743, %eq3A_750 : vector<200x2048xi32>
    %jit3A_752 = arith.constant 2147483647 : i32
    %broadcast_in_dim3A_753 = vector.broadcast %jit3A_752 : i32 to vector<200x2048xi32>
    %select_n3A_754 = arith.select %eq3A_751, %broadcast_in_dim3A_753, %select_n3A_743 : vector<200x2048xi1>, vector<200x2048xi32>
    %reduce_min3A_755 = arith.constant dense<2147483647> : vector<200xi32>
    %reduce_min3A_756 = vector.multi_reduction <minsi>, %select_n3A_754, %reduce_min3A_755 [1] : vector<200x2048xi32> to vector<200xi32>
    %broadcast_in_dim3A_757 = vector.shape_cast %reduce_min3A_756 : vector<200xi32> to vector<200x1xi32>
    %and3A_758 = arith.constant 16383 : i32
    %and3A_759 = vector.broadcast %and3A_758 : i32 to vector<200x1xi32>
    %and3A_760 = arith.andi %broadcast_in_dim3A_757, %and3A_759 : vector<200x1xi32>
    %eq3A_761 = vector.broadcast %broadcast_in_dim3A_757 : vector<200x1xi32> to vector<200x2048xi32>
    %eq3A_762 = arith.cmpi eq, %select_n3A_754, %eq3A_761 : vector<200x2048xi32>
    %jit3A_763 = arith.constant 2147483647 : i32
    %broadcast_in_dim3A_764 = vector.broadcast %jit3A_763 : i32 to vector<200x2048xi32>
    %select_n3A_765 = arith.select %eq3A_762, %broadcast_in_dim3A_764, %select_n3A_754 : vector<200x2048xi1>, vector<200x2048xi32>
    %reduce_min3A_766 = arith.constant dense<2147483647> : vector<200xi32>
    %reduce_min3A_767 = vector.multi_reduction <minsi>, %select_n3A_765, %reduce_min3A_766 [1] : vector<200x2048xi32> to vector<200xi32>
    %broadcast_in_dim3A_768 = vector.shape_cast %reduce_min3A_767 : vector<200xi32> to vector<200x1xi32>
    %and3A_769 = arith.constant 16383 : i32
    %and3A_770 = vector.broadcast %and3A_769 : i32 to vector<200x1xi32>
    %and3A_771 = arith.andi %broadcast_in_dim3A_768, %and3A_770 : vector<200x1xi32>
    %eq3A_772 = vector.broadcast %broadcast_in_dim3A_768 : vector<200x1xi32> to vector<200x2048xi32>
    %eq3A_773 = arith.cmpi eq, %select_n3A_765, %eq3A_772 : vector<200x2048xi32>
    %jit3A_774 = arith.constant 2147483647 : i32
    %broadcast_in_dim3A_775 = vector.broadcast %jit3A_774 : i32 to vector<200x2048xi32>
    %select_n3A_776 = arith.select %eq3A_773, %broadcast_in_dim3A_775, %select_n3A_765 : vector<200x2048xi1>, vector<200x2048xi32>
    %reduce_min3A_777 = arith.constant dense<2147483647> : vector<200xi32>
    %reduce_min3A_778 = vector.multi_reduction <minsi>, %select_n3A_776, %reduce_min3A_777 [1] : vector<200x2048xi32> to vector<200xi32>
    %broadcast_in_dim3A_779 = vector.shape_cast %reduce_min3A_778 : vector<200xi32> to vector<200x1xi32>
    %and3A_780 = arith.constant 16383 : i32
    %and3A_781 = vector.broadcast %and3A_780 : i32 to vector<200x1xi32>
    %and3A_782 = arith.andi %broadcast_in_dim3A_779, %and3A_781 : vector<200x1xi32>
    %eq3A_783 = vector.broadcast %broadcast_in_dim3A_779 : vector<200x1xi32> to vector<200x2048xi32>
    %eq3A_784 = arith.cmpi eq, %select_n3A_776, %eq3A_783 : vector<200x2048xi32>
    %jit3A_785 = arith.constant 2147483647 : i32
    %broadcast_in_dim3A_786 = vector.broadcast %jit3A_785 : i32 to vector<200x2048xi32>
    %select_n3A_787 = arith.select %eq3A_784, %broadcast_in_dim3A_786, %select_n3A_776 : vector<200x2048xi1>, vector<200x2048xi32>
    %reduce_min3A_788 = arith.constant dense<2147483647> : vector<200xi32>
    %reduce_min3A_789 = vector.multi_reduction <minsi>, %select_n3A_787, %reduce_min3A_788 [1] : vector<200x2048xi32> to vector<200xi32>
    %broadcast_in_dim3A_790 = vector.shape_cast %reduce_min3A_789 : vector<200xi32> to vector<200x1xi32>
    %and3A_791 = arith.constant 16383 : i32
    %and3A_792 = vector.broadcast %and3A_791 : i32 to vector<200x1xi32>
    %and3A_793 = arith.andi %broadcast_in_dim3A_790, %and3A_792 : vector<200x1xi32>
    %eq3A_794 = vector.broadcast %broadcast_in_dim3A_790 : vector<200x1xi32> to vector<200x2048xi32>
    %eq3A_795 = arith.cmpi eq, %select_n3A_787, %eq3A_794 : vector<200x2048xi32>
    %jit3A_796 = arith.constant 2147483647 : i32
    %broadcast_in_dim3A_797 = vector.broadcast %jit3A_796 : i32 to vector<200x2048xi32>
    %select_n3A_798 = arith.select %eq3A_795, %broadcast_in_dim3A_797, %select_n3A_787 : vector<200x2048xi1>, vector<200x2048xi32>
    %reduce_min3A_799 = arith.constant dense<2147483647> : vector<200xi32>
    %reduce_min3A_800 = vector.multi_reduction <minsi>, %select_n3A_798, %reduce_min3A_799 [1] : vector<200x2048xi32> to vector<200xi32>
    %broadcast_in_dim3A_801 = vector.shape_cast %reduce_min3A_800 : vector<200xi32> to vector<200x1xi32>
    %and3A_802 = arith.constant 16383 : i32
    %and3A_803 = vector.broadcast %and3A_802 : i32 to vector<200x1xi32>
    %and3A_804 = arith.andi %broadcast_in_dim3A_801, %and3A_803 : vector<200x1xi32>
    %eq3A_805 = vector.broadcast %broadcast_in_dim3A_801 : vector<200x1xi32> to vector<200x2048xi32>
    %eq3A_806 = arith.cmpi eq, %select_n3A_798, %eq3A_805 : vector<200x2048xi32>
    %jit3A_807 = arith.constant 2147483647 : i32
    %broadcast_in_dim3A_808 = vector.broadcast %jit3A_807 : i32 to vector<200x2048xi32>
    %select_n3A_809 = arith.select %eq3A_806, %broadcast_in_dim3A_808, %select_n3A_798 : vector<200x2048xi1>, vector<200x2048xi32>
    %reduce_min3A_810 = arith.constant dense<2147483647> : vector<200xi32>
    %reduce_min3A_811 = vector.multi_reduction <minsi>, %select_n3A_809, %reduce_min3A_810 [1] : vector<200x2048xi32> to vector<200xi32>
    %broadcast_in_dim3A_812 = vector.shape_cast %reduce_min3A_811 : vector<200xi32> to vector<200x1xi32>
    %and3A_813 = arith.constant 16383 : i32
    %and3A_814 = vector.broadcast %and3A_813 : i32 to vector<200x1xi32>
    %and3A_815 = arith.andi %broadcast_in_dim3A_812, %and3A_814 : vector<200x1xi32>
    %eq3A_816 = vector.broadcast %broadcast_in_dim3A_812 : vector<200x1xi32> to vector<200x2048xi32>
    %eq3A_817 = arith.cmpi eq, %select_n3A_809, %eq3A_816 : vector<200x2048xi32>
    %jit3A_818 = arith.constant 2147483647 : i32
    %broadcast_in_dim3A_819 = vector.broadcast %jit3A_818 : i32 to vector<200x2048xi32>
    %select_n3A_820 = arith.select %eq3A_817, %broadcast_in_dim3A_819, %select_n3A_809 : vector<200x2048xi1>, vector<200x2048xi32>
    %reduce_min3A_821 = arith.constant dense<2147483647> : vector<200xi32>
    %reduce_min3A_822 = vector.multi_reduction <minsi>, %select_n3A_820, %reduce_min3A_821 [1] : vector<200x2048xi32> to vector<200xi32>
    %broadcast_in_dim3A_823 = vector.shape_cast %reduce_min3A_822 : vector<200xi32> to vector<200x1xi32>
    %and3A_824 = arith.constant 16383 : i32
    %and3A_825 = vector.broadcast %and3A_824 : i32 to vector<200x1xi32>
    %and3A_826 = arith.andi %broadcast_in_dim3A_823, %and3A_825 : vector<200x1xi32>
    %eq3A_827 = vector.broadcast %broadcast_in_dim3A_823 : vector<200x1xi32> to vector<200x2048xi32>
    %eq3A_828 = arith.cmpi eq, %select_n3A_820, %eq3A_827 : vector<200x2048xi32>
    %jit3A_829 = arith.constant 2147483647 : i32
    %broadcast_in_dim3A_830 = vector.broadcast %jit3A_829 : i32 to vector<200x2048xi32>
    %select_n3A_831 = arith.select %eq3A_828, %broadcast_in_dim3A_830, %select_n3A_820 : vector<200x2048xi1>, vector<200x2048xi32>
    %reduce_min3A_832 = arith.constant dense<2147483647> : vector<200xi32>
    %reduce_min3A_833 = vector.multi_reduction <minsi>, %select_n3A_831, %reduce_min3A_832 [1] : vector<200x2048xi32> to vector<200xi32>
    %broadcast_in_dim3A_834 = vector.shape_cast %reduce_min3A_833 : vector<200xi32> to vector<200x1xi32>
    %and3A_835 = arith.constant 16383 : i32
    %and3A_836 = vector.broadcast %and3A_835 : i32 to vector<200x1xi32>
    %and3A_837 = arith.andi %broadcast_in_dim3A_834, %and3A_836 : vector<200x1xi32>
    %eq3A_838 = vector.broadcast %broadcast_in_dim3A_834 : vector<200x1xi32> to vector<200x2048xi32>
    %eq3A_839 = arith.cmpi eq, %select_n3A_831, %eq3A_838 : vector<200x2048xi32>
    %jit3A_840 = arith.constant 2147483647 : i32
    %broadcast_in_dim3A_841 = vector.broadcast %jit3A_840 : i32 to vector<200x2048xi32>
    %select_n3A_842 = arith.select %eq3A_839, %broadcast_in_dim3A_841, %select_n3A_831 : vector<200x2048xi1>, vector<200x2048xi32>
    %reduce_min3A_843 = arith.constant dense<2147483647> : vector<200xi32>
    %reduce_min3A_844 = vector.multi_reduction <minsi>, %select_n3A_842, %reduce_min3A_843 [1] : vector<200x2048xi32> to vector<200xi32>
    %broadcast_in_dim3A_845 = vector.shape_cast %reduce_min3A_844 : vector<200xi32> to vector<200x1xi32>
    %and3A_846 = arith.constant 16383 : i32
    %and3A_847 = vector.broadcast %and3A_846 : i32 to vector<200x1xi32>
    %and3A_848 = arith.andi %broadcast_in_dim3A_845, %and3A_847 : vector<200x1xi32>
    %concatenate3A_849 = tpu.concatenate %and3A_686, %and3A_694, %and3A_705, %and3A_716, %and3A_727, %and3A_738, %and3A_749, %and3A_760, %and3A_771, %and3A_782, %and3A_793, %and3A_804, %and3A_815, %and3A_826, %and3A_837, %and3A_848 in 1 : vector<200x1xi32>, vector<200x1xi32>, vector<200x1xi32>, vector<200x1xi32>, vector<200x1xi32>, vector<200x1xi32>, vector<200x1xi32>, vector<200x1xi32>, vector<200x1xi32>, vector<200x1xi32>, vector<200x1xi32>, vector<200x1xi32>, vector<200x1xi32>, vector<200x1xi32>, vector<200x1xi32>, vector<200x1xi32> -> vector<200x16xi32>
    %swap3A = arith.constant 0 : index
    %swap3A_850 = arith.constant 0 : index
    %swap3A_851 = vector.load %arg3[%swap3A, %swap3A_850] : memref<200x16xi32, #tpu.memory_space<vmem>>, vector<200x16xi32>
    tpu.vector_store %arg3[%swap3A, %swap3A_850], %concatenate3A_849 {strides = array<i32>} : memref<200x16xi32, #tpu.memory_space<vmem>>, vector<200x16xi32>,
    %min3A_852 = arith.minsi %min3A_665, %min3A_673 : vector<200x128xi32>
    %min3A_853 = arith.minsi %min3A_852, %min3A_681 : vector<200x128xi32>
    %min3A_854 = arith.minsi %min3A_853, %min3A_657 : vector<200x128xi32>
    %reduce_min3A_855 = arith.constant dense<2147483647> : vector<200xi32>
    %reduce_min3A_856 = vector.multi_reduction <minsi>, %min3A_854, %reduce_min3A_855 [1] : vector<200x128xi32> to vector<200xi32>
    %broadcast_in_dim3A_857 = vector.shape_cast %reduce_min3A_856 : vector<200xi32> to vector<200x1xi32>
    %lt3A = arith.cmpi slt, %broadcast_in_dim3A_857, %broadcast_in_dim3A_845 : vector<200x1xi32>
    %reduce_or3A = arith.constant 1.000000e+00 : f32
    %reduce_or3A_858 = arith.constant 0.000000e+00 : f32
    %reduce_or3A_859 = vector.broadcast %reduce_or3A : f32 to vector<200x1xf32>
    %reduce_or3A_860 = vector.broadcast %reduce_or3A_858 : f32 to vector<200x1xf32>
    %reduce_or3A_861 = arith.select %lt3A, %reduce_or3A_859, %reduce_or3A_860 : vector<200x1xi1>, vector<200x1xf32>
    %reduce_or3A_862 = vector.shape_cast %reduce_or3A_861 : vector<200x1xf32> to vector<1x200x1xf32>
    %reduce_or3A_863 = arith.constant dense<0xFF800000> : vector<1xf32>
    %reduce_or3A_864 = vector.multi_reduction <maximumf>, %reduce_or3A_862, %reduce_or3A_863 [1, 2] : vector<1x200x1xf32> to vector<1xf32>
    %reduce_or3A_865 = vector.shape_cast %reduce_or3A_864 : vector<1xf32> to vector<1x1x1xf32>
    %reduce_or3A_866 = vector.extract %reduce_or3A_865[0, 0, 0] : f32 from vector<1x1x1xf32>
    %reduce_or3A_867 = arith.constant 0.000000e+00 : f32
    %reduce_or3A_868 = arith.cmpf ogt, %reduce_or3A_866, %reduce_or3A_867 : f32
    %convert_element_type3A = arith.extui %reduce_or3A_868 : i1 to i32
    %cond3A = arith.constant 0 : i32
    %cond3A_869 = arith.cmpi ne, %convert_element_type3A, %cond3A : i32
    scf.if %cond3A_869 {
      %reduce_min3A_870 = arith.constant dense<2147483647> : vector<200xi32>
      %reduce_min3A_871 = vector.multi_reduction <minsi>, %or3A, %reduce_min3A_870 [1] : vector<200x10112xi32> to vector<200xi32>
      %broadcast_in_dim3A_872 = vector.shape_cast %reduce_min3A_871 : vector<200xi32> to vector<200x1xi32>
      %and3A_873 = arith.constant 16383 : i32
      %and3A_874 = vector.broadcast %and3A_873 : i32 to vector<200x1xi32>
      %and3A_875 = arith.andi %broadcast_in_dim3A_872, %and3A_874 : vector<200x1xi32>
      %eq3A_876 = vector.broadcast %broadcast_in_dim3A_872 : vector<200x1xi32> to vector<200x10112xi32>
      %eq3A_877 = arith.cmpi eq, %or3A, %eq3A_876 : vector<200x10112xi32>
      %jit3A_878 = arith.constant 2147483647 : i32
      %broadcast_in_dim3A_879 = vector.broadcast %jit3A_878 : i32 to vector<200x10112xi32>
      %select_n3A_880 = arith.select %eq3A_877, %broadcast_in_dim3A_879, %or3A : vector<200x10112xi1>, vector<200x10112xi32>
      %reduce_min3A_881 = arith.constant dense<2147483647> : vector<200xi32>
      %reduce_min3A_882 = vector.multi_reduction <minsi>, %select_n3A_880, %reduce_min3A_881 [1] : vector<200x10112xi32> to vector<200xi32>
      %broadcast_in_dim3A_883 = vector.shape_cast %reduce_min3A_882 : vector<200xi32> to vector<200x1xi32>
      %and3A_884 = arith.constant 16383 : i32
      %and3A_885 = vector.broadcast %and3A_884 : i32 to vector<200x1xi32>
      %and3A_886 = arith.andi %broadcast_in_dim3A_883, %and3A_885 : vector<200x1xi32>
      %eq3A_887 = vector.broadcast %broadcast_in_dim3A_883 : vector<200x1xi32> to vector<200x10112xi32>
      %eq3A_888 = arith.cmpi eq, %select_n3A_880, %eq3A_887 : vector<200x10112xi32>
      %jit3A_889 = arith.constant 2147483647 : i32
      %broadcast_in_dim3A_890 = vector.broadcast %jit3A_889 : i32 to vector<200x10112xi32>
      %select_n3A_891 = arith.select %eq3A_888, %broadcast_in_dim3A_890, %select_n3A_880 : vector<200x10112xi1>, vector<200x10112xi32>
      %reduce_min3A_892 = arith.constant dense<2147483647> : vector<200xi32>
      %reduce_min3A_893 = vector.multi_reduction <minsi>, %select_n3A_891, %reduce_min3A_892 [1] : vector<200x10112xi32> to vector<200xi32>
      %broadcast_in_dim3A_894 = vector.shape_cast %reduce_min3A_893 : vector<200xi32> to vector<200x1xi32>
      %and3A_895 = arith.constant 16383 : i32
      %and3A_896 = vector.broadcast %and3A_895 : i32 to vector<200x1xi32>
      %and3A_897 = arith.andi %broadcast_in_dim3A_894, %and3A_896 : vector<200x1xi32>
      %eq3A_898 = vector.broadcast %broadcast_in_dim3A_894 : vector<200x1xi32> to vector<200x10112xi32>
      %eq3A_899 = arith.cmpi eq, %select_n3A_891, %eq3A_898 : vector<200x10112xi32>
      %jit3A_900 = arith.constant 2147483647 : i32
      %broadcast_in_dim3A_901 = vector.broadcast %jit3A_900 : i32 to vector<200x10112xi32>
      %select_n3A_902 = arith.select %eq3A_899, %broadcast_in_dim3A_901, %select_n3A_891 : vector<200x10112xi1>, vector<200x10112xi32>
      %reduce_min3A_903 = arith.constant dense<2147483647> : vector<200xi32>
      %reduce_min3A_904 = vector.multi_reduction <minsi>, %select_n3A_902, %reduce_min3A_903 [1] : vector<200x10112xi32> to vector<200xi32>
      %broadcast_in_dim3A_905 = vector.shape_cast %reduce_min3A_904 : vector<200xi32> to vector<200x1xi32>
      %and3A_906 = arith.constant 16383 : i32
      %and3A_907 = vector.broadcast %and3A_906 : i32 to vector<200x1xi32>
      %and3A_908 = arith.andi %broadcast_in_dim3A_905, %and3A_907 : vector<200x1xi32>
      %eq3A_909 = vector.broadcast %broadcast_in_dim3A_905 : vector<200x1xi32> to vector<200x10112xi32>
      %eq3A_910 = arith.cmpi eq, %select_n3A_902, %eq3A_909 : vector<200x10112xi32>
      %jit3A_911 = arith.constant 2147483647 : i32
      %broadcast_in_dim3A_912 = vector.broadcast %jit3A_911 : i32 to vector<200x10112xi32>
      %select_n3A_913 = arith.select %eq3A_910, %broadcast_in_dim3A_912, %select_n3A_902 : vector<200x10112xi1>, vector<200x10112xi32>
      %reduce_min3A_914 = arith.constant dense<2147483647> : vector<200xi32>
      %reduce_min3A_915 = vector.multi_reduction <minsi>, %select_n3A_913, %reduce_min3A_914 [1] : vector<200x10112xi32> to vector<200xi32>
      %broadcast_in_dim3A_916 = vector.shape_cast %reduce_min3A_915 : vector<200xi32> to vector<200x1xi32>
      %and3A_917 = arith.constant 16383 : i32
      %and3A_918 = vector.broadcast %and3A_917 : i32 to vector<200x1xi32>
      %and3A_919 = arith.andi %broadcast_in_dim3A_916, %and3A_918 : vector<200x1xi32>
      %eq3A_920 = vector.broadcast %broadcast_in_dim3A_916 : vector<200x1xi32> to vector<200x10112xi32>
      %eq3A_921 = arith.cmpi eq, %select_n3A_913, %eq3A_920 : vector<200x10112xi32>
      %jit3A_922 = arith.constant 2147483647 : i32
      %broadcast_in_dim3A_923 = vector.broadcast %jit3A_922 : i32 to vector<200x10112xi32>
      %select_n3A_924 = arith.select %eq3A_921, %broadcast_in_dim3A_923, %select_n3A_913 : vector<200x10112xi1>, vector<200x10112xi32>
      %reduce_min3A_925 = arith.constant dense<2147483647> : vector<200xi32>
      %reduce_min3A_926 = vector.multi_reduction <minsi>, %select_n3A_924, %reduce_min3A_925 [1] : vector<200x10112xi32> to vector<200xi32>
      %broadcast_in_dim3A_927 = vector.shape_cast %reduce_min3A_926 : vector<200xi32> to vector<200x1xi32>
      %and3A_928 = arith.constant 16383 : i32
      %and3A_929 = vector.broadcast %and3A_928 : i32 to vector<200x1xi32>
      %and3A_930 = arith.andi %broadcast_in_dim3A_927, %and3A_929 : vector<200x1xi32>
      %eq3A_931 = vector.broadcast %broadcast_in_dim3A_927 : vector<200x1xi32> to vector<200x10112xi32>
      %eq3A_932 = arith.cmpi eq, %select_n3A_924, %eq3A_931 : vector<200x10112xi32>
      %jit3A_933 = arith.constant 2147483647 : i32
      %broadcast_in_dim3A_934 = vector.broadcast %jit3A_933 : i32 to vector<200x10112xi32>
      %select_n3A_935 = arith.select %eq3A_932, %broadcast_in_dim3A_934, %select_n3A_924 : vector<200x10112xi1>, vector<200x10112xi32>
      %reduce_min3A_936 = arith.constant dense<2147483647> : vector<200xi32>
      %reduce_min3A_937 = vector.multi_reduction <minsi>, %select_n3A_935, %reduce_min3A_936 [1] : vector<200x10112xi32> to vector<200xi32>
      %broadcast_in_dim3A_938 = vector.shape_cast %reduce_min3A_937 : vector<200xi32> to vector<200x1xi32>
      %and3A_939 = arith.constant 16383 : i32
      %and3A_940 = vector.broadcast %and3A_939 : i32 to vector<200x1xi32>
      %and3A_941 = arith.andi %broadcast_in_dim3A_938, %and3A_940 : vector<200x1xi32>
      %eq3A_942 = vector.broadcast %broadcast_in_dim3A_938 : vector<200x1xi32> to vector<200x10112xi32>
      %eq3A_943 = arith.cmpi eq, %select_n3A_935, %eq3A_942 : vector<200x10112xi32>
      %jit3A_944 = arith.constant 2147483647 : i32
      %broadcast_in_dim3A_945 = vector.broadcast %jit3A_944 : i32 to vector<200x10112xi32>
      %select_n3A_946 = arith.select %eq3A_943, %broadcast_in_dim3A_945, %select_n3A_935 : vector<200x10112xi1>, vector<200x10112xi32>
      %reduce_min3A_947 = arith.constant dense<2147483647> : vector<200xi32>
      %reduce_min3A_948 = vector.multi_reduction <minsi>, %select_n3A_946, %reduce_min3A_947 [1] : vector<200x10112xi32> to vector<200xi32>
      %broadcast_in_dim3A_949 = vector.shape_cast %reduce_min3A_948 : vector<200xi32> to vector<200x1xi32>
      %and3A_950 = arith.constant 16383 : i32
      %and3A_951 = vector.broadcast %and3A_950 : i32 to vector<200x1xi32>
      %and3A_952 = arith.andi %broadcast_in_dim3A_949, %and3A_951 : vector<200x1xi32>
      %eq3A_953 = vector.broadcast %broadcast_in_dim3A_949 : vector<200x1xi32> to vector<200x10112xi32>
      %eq3A_954 = arith.cmpi eq, %select_n3A_946, %eq3A_953 : vector<200x10112xi32>
      %jit3A_955 = arith.constant 2147483647 : i32
      %broadcast_in_dim3A_956 = vector.broadcast %jit3A_955 : i32 to vector<200x10112xi32>
      %select_n3A_957 = arith.select %eq3A_954, %broadcast_in_dim3A_956, %select_n3A_946 : vector<200x10112xi1>, vector<200x10112xi32>
      %reduce_min3A_958 = arith.constant dense<2147483647> : vector<200xi32>
      %reduce_min3A_959 = vector.multi_reduction <minsi>, %select_n3A_957, %reduce_min3A_958 [1] : vector<200x10112xi32> to vector<200xi32>
      %broadcast_in_dim3A_960 = vector.shape_cast %reduce_min3A_959 : vector<200xi32> to vector<200x1xi32>
      %and3A_961 = arith.constant 16383 : i32
      %and3A_962 = vector.broadcast %and3A_961 : i32 to vector<200x1xi32>
      %and3A_963 = arith.andi %broadcast_in_dim3A_960, %and3A_962 : vector<200x1xi32>
      %eq3A_964 = vector.broadcast %broadcast_in_dim3A_960 : vector<200x1xi32> to vector<200x10112xi32>
      %eq3A_965 = arith.cmpi eq, %select_n3A_957, %eq3A_964 : vector<200x10112xi32>
      %jit3A_966 = arith.constant 2147483647 : i32
      %broadcast_in_dim3A_967 = vector.broadcast %jit3A_966 : i32 to vector<200x10112xi32>
      %select_n3A_968 = arith.select %eq3A_965, %broadcast_in_dim3A_967, %select_n3A_957 : vector<200x10112xi1>, vector<200x10112xi32>
      %reduce_min3A_969 = arith.constant dense<2147483647> : vector<200xi32>
      %reduce_min3A_970 = vector.multi_reduction <minsi>, %select_n3A_968, %reduce_min3A_969 [1] : vector<200x10112xi32> to vector<200xi32>
      %broadcast_in_dim3A_971 = vector.shape_cast %reduce_min3A_970 : vector<200xi32> to vector<200x1xi32>
      %and3A_972 = arith.constant 16383 : i32
      %and3A_973 = vector.broadcast %and3A_972 : i32 to vector<200x1xi32>
      %and3A_974 = arith.andi %broadcast_in_dim3A_971, %and3A_973 : vector<200x1xi32>
      %eq3A_975 = vector.broadcast %broadcast_in_dim3A_971 : vector<200x1xi32> to vector<200x10112xi32>
      %eq3A_976 = arith.cmpi eq, %select_n3A_968, %eq3A_975 : vector<200x10112xi32>
      %jit3A_977 = arith.constant 2147483647 : i32
      %broadcast_in_dim3A_978 = vector.broadcast %jit3A_977 : i32 to vector<200x10112xi32>
      %select_n3A_979 = arith.select %eq3A_976, %broadcast_in_dim3A_978, %select_n3A_968 : vector<200x10112xi1>, vector<200x10112xi32>
      %reduce_min3A_980 = arith.constant dense<2147483647> : vector<200xi32>
      %reduce_min3A_981 = vector.multi_reduction <minsi>, %select_n3A_979, %reduce_min3A_980 [1] : vector<200x10112xi32> to vector<200xi32>
      %broadcast_in_dim3A_982 = vector.shape_cast %reduce_min3A_981 : vector<200xi32> to vector<200x1xi32>
      %and3A_983 = arith.constant 16383 : i32
      %and3A_984 = vector.broadcast %and3A_983 : i32 to vector<200x1xi32>
      %and3A_985 = arith.andi %broadcast_in_dim3A_982, %and3A_984 : vector<200x1xi32>
      %eq3A_986 = vector.broadcast %broadcast_in_dim3A_982 : vector<200x1xi32> to vector<200x10112xi32>
      %eq3A_987 = arith.cmpi eq, %select_n3A_979, %eq3A_986 : vector<200x10112xi32>
      %jit3A_988 = arith.constant 2147483647 : i32
      %broadcast_in_dim3A_989 = vector.broadcast %jit3A_988 : i32 to vector<200x10112xi32>
      %select_n3A_990 = arith.select %eq3A_987, %broadcast_in_dim3A_989, %select_n3A_979 : vector<200x10112xi1>, vector<200x10112xi32>
      %reduce_min3A_991 = arith.constant dense<2147483647> : vector<200xi32>
      %reduce_min3A_992 = vector.multi_reduction <minsi>, %select_n3A_990, %reduce_min3A_991 [1] : vector<200x10112xi32> to vector<200xi32>
      %broadcast_in_dim3A_993 = vector.shape_cast %reduce_min3A_992 : vector<200xi32> to vector<200x1xi32>
      %and3A_994 = arith.constant 16383 : i32
      %and3A_995 = vector.broadcast %and3A_994 : i32 to vector<200x1xi32>
      %and3A_996 = arith.andi %broadcast_in_dim3A_993, %and3A_995 : vector<200x1xi32>
      %eq3A_997 = vector.broadcast %broadcast_in_dim3A_993 : vector<200x1xi32> to vector<200x10112xi32>
      %eq3A_998 = arith.cmpi eq, %select_n3A_990, %eq3A_997 : vector<200x10112xi32>
      %jit3A_999 = arith.constant 2147483647 : i32
      %broadcast_in_dim3A_1000 = vector.broadcast %jit3A_999 : i32 to vector<200x10112xi32>
      %select_n3A_1001 = arith.select %eq3A_998, %broadcast_in_dim3A_1000, %select_n3A_990 : vector<200x10112xi1>, vector<200x10112xi32>
      %reduce_min3A_1002 = arith.constant dense<2147483647> : vector<200xi32>
      %reduce_min3A_1003 = vector.multi_reduction <minsi>, %select_n3A_1001, %reduce_min3A_1002 [1] : vector<200x10112xi32> to vector<200xi32>
      %broadcast_in_dim3A_1004 = vector.shape_cast %reduce_min3A_1003 : vector<200xi32> to vector<200x1xi32>
      %and3A_1005 = arith.constant 16383 : i32
      %and3A_1006 = vector.broadcast %and3A_1005 : i32 to vector<200x1xi32>
      %and3A_1007 = arith.andi %broadcast_in_dim3A_1004, %and3A_1006 : vector<200x1xi32>
      %eq3A_1008 = vector.broadcast %broadcast_in_dim3A_1004 : vector<200x1xi32> to vector<200x10112xi32>
      %eq3A_1009 = arith.cmpi eq, %select_n3A_1001, %eq3A_1008 : vector<200x10112xi32>
      %jit3A_1010 = arith.constant 2147483647 : i32
      %broadcast_in_dim3A_1011 = vector.broadcast %jit3A_1010 : i32 to vector<200x10112xi32>
      %select_n3A_1012 = arith.select %eq3A_1009, %broadcast_in_dim3A_1011, %select_n3A_1001 : vector<200x10112xi1>, vector<200x10112xi32>
      %reduce_min3A_1013 = arith.constant dense<2147483647> : vector<200xi32>
      %reduce_min3A_1014 = vector.multi_reduction <minsi>, %select_n3A_1012, %reduce_min3A_1013 [1] : vector<200x10112xi32> to vector<200xi32>
      %broadcast_in_dim3A_1015 = vector.shape_cast %reduce_min3A_1014 : vector<200xi32> to vector<200x1xi32>
      %and3A_1016 = arith.constant 16383 : i32
      %and3A_1017 = vector.broadcast %and3A_1016 : i32 to vector<200x1xi32>
      %and3A_1018 = arith.andi %broadcast_in_dim3A_1015, %and3A_1017 : vector<200x1xi32>
      %eq3A_1019 = vector.broadcast %broadcast_in_dim3A_1015 : vector<200x1xi32> to vector<200x10112xi32>
      %eq3A_1020 = arith.cmpi eq, %select_n3A_1012, %eq3A_1019 : vector<200x10112xi32>
      %jit3A_1021 = arith.constant 2147483647 : i32
      %broadcast_in_dim3A_1022 = vector.broadcast %jit3A_1021 : i32 to vector<200x10112xi32>
      %select_n3A_1023 = arith.select %eq3A_1020, %broadcast_in_dim3A_1022, %select_n3A_1012 : vector<200x10112xi1>, vector<200x10112xi32>
      %reduce_min3A_1024 = arith.constant dense<2147483647> : vector<200xi32>
      %reduce_min3A_1025 = vector.multi_reduction <minsi>, %select_n3A_1023, %reduce_min3A_1024 [1] : vector<200x10112xi32> to vector<200xi32>
      %broadcast_in_dim3A_1026 = vector.shape_cast %reduce_min3A_1025 : vector<200xi32> to vector<200x1xi32>
      %and3A_1027 = arith.constant 16383 : i32
      %and3A_1028 = vector.broadcast %and3A_1027 : i32 to vector<200x1xi32>
      %and3A_1029 = arith.andi %broadcast_in_dim3A_1026, %and3A_1028 : vector<200x1xi32>
      %eq3A_1030 = vector.broadcast %broadcast_in_dim3A_1026 : vector<200x1xi32> to vector<200x10112xi32>
      %eq3A_1031 = arith.cmpi eq, %select_n3A_1023, %eq3A_1030 : vector<200x10112xi32>
      %jit3A_1032 = arith.constant 2147483647 : i32
      %broadcast_in_dim3A_1033 = vector.broadcast %jit3A_1032 : i32 to vector<200x10112xi32>
      %select_n3A_1034 = arith.select %eq3A_1031, %broadcast_in_dim3A_1033, %select_n3A_1023 : vector<200x10112xi1>, vector<200x10112xi32>
      %reduce_min3A_1035 = arith.constant dense<2147483647> : vector<200xi32>
      %reduce_min3A_1036 = vector.multi_reduction <minsi>, %select_n3A_1034, %reduce_min3A_1035 [1] : vector<200x10112xi32> to vector<200xi32>
      %broadcast_in_dim3A_1037 = vector.shape_cast %reduce_min3A_1036 : vector<200xi32> to vector<200x1xi32>
      %and3A_1038 = arith.constant 16383 : i32
      %and3A_1039 = vector.broadcast %and3A_1038 : i32 to vector<200x1xi32>
      %and3A_1040 = arith.andi %broadcast_in_dim3A_1037, %and3A_1039 : vector<200x1xi32>
      %concatenate3A_1041 = tpu.concatenate %and3A_875, %and3A_886, %and3A_897, %and3A_908, %and3A_919, %and3A_930, %and3A_941, %and3A_952, %and3A_963, %and3A_974, %and3A_985, %and3A_996, %and3A_1007, %and3A_1018, %and3A_1029, %and3A_1040 in 1 : vector<200x1xi32>, vector<200x1xi32>, vector<200x1xi32>, vector<200x1xi32>, vector<200x1xi32>, vector<200x1xi32>, vector<200x1xi32>, vector<200x1xi32>, vector<200x1xi32>, vector<200x1xi32>, vector<200x1xi32>, vector<200x1xi32>, vector<200x1xi32>, vector<200x1xi32>, vector<200x1xi32>, vector<200x1xi32> -> vector<200x16xi32>
      %swap3A_1042 = arith.constant 0 : index
      %swap3A_1043 = arith.constant 0 : index
      %swap3A_1044 = vector.load %arg3[%swap3A_1042, %swap3A_1043] : memref<200x16xi32, #tpu.memory_space<vmem>>, vector<200x16xi32>
      tpu.vector_store %arg3[%swap3A_1042, %swap3A_1043], %concatenate3A_1041 {strides = array<i32>} : memref<200x16xi32, #tpu.memory_space<vmem>>, vector<200x16xi32>,
    } else {
    }
    return
  }
  func.func @transform_0(%arg0: i32) -> (i32, i32) {
    %c0_i32 = arith.constant 0 : i32
    %c0_i32_0 = arith.constant 0 : i32
    return %arg0, %c0_i32 : i32, i32
  }
  func.func @transform_1(%arg0: i32) -> (i32, i32) {
    %c0_i32 = arith.constant 0 : i32
    %c0_i32_0 = arith.constant 0 : i32
    %c0_i32_1 = arith.constant 0 : i32
    return %c0_i32, %c0_i32_0 : i32, i32
  }
  func.func @transform_2(%arg0: i32) -> (i32, i32) {
    %c0_i32 = arith.constant 0 : i32
    %c0_i32_0 = arith.constant 0 : i32
    return %arg0, %c0_i32 : i32, i32
  }
}

module attributes {stable_mosaic.version = 14 : i64} {
  func.func @_tables_body(%arg0: i32, %arg1: memref<400x3xf32, #tpu.memory_space<vmem>>, %arg2: memref<6x256xf32, #tpu.memory_space<vmem>>, %arg3: memref<3x256xf32, #tpu.memory_space<vmem>>, %arg4: memref<3x256xf32, #tpu.memory_space<vmem>>, %arg5: memref<1x256xf32, #tpu.memory_space<vmem>>, %arg6: memref<1x256xf32, #tpu.memory_space<vmem>>, %arg7: memref<1x256xf32, #tpu.memory_space<vmem>>, %arg8: memref<400x128xi32, #tpu.memory_space<vmem>>, %arg9: memref<400x256xf32, #tpu.memory_space<vmem>>, %arg10: memref<400x256xf32, #tpu.memory_space<vmem>>, %arg11: memref<400x256xf32, #tpu.memory_space<vmem>>, %arg12: memref<400x256xf32, #tpu.memory_space<vmem>>, %arg13: memref<400x256xf32, #tpu.memory_space<vmem>>) attributes {dimension_semantics = [#tpu.dimension_semantics<arbitrary>], iteration_bounds = array<i64: 25>, scalar_prefetch = 0 : i64, scratch_operands = 0 : i64, tpu.core_type = #tpu.core_type<tc>, window_params = [{transform_indices = @transform_0, window_bounds = array<i64: 400, 3>}, {pipeline_mode = #tpu.pipeline_mode<synchronous>, transform_indices = @transform_1, window_bounds = array<i64: 6, 256>}, {pipeline_mode = #tpu.pipeline_mode<synchronous>, transform_indices = @transform_2, window_bounds = array<i64: 3, 256>}, {pipeline_mode = #tpu.pipeline_mode<synchronous>, transform_indices = @transform_3, window_bounds = array<i64: 3, 256>}, {pipeline_mode = #tpu.pipeline_mode<synchronous>, transform_indices = @transform_4, window_bounds = array<i64: 1, 256>}, {pipeline_mode = #tpu.pipeline_mode<synchronous>, transform_indices = @transform_5, window_bounds = array<i64: 1, 256>}, {pipeline_mode = #tpu.pipeline_mode<synchronous>, transform_indices = @transform_6, window_bounds = array<i64: 1, 256>}, {transform_indices = @transform_7, window_bounds = array<i64: 400, 128>}, {transform_indices = @transform_8, window_bounds = array<i64: 400, 256>}, {transform_indices = @transform_9, window_bounds = array<i64: 400, 256>}, {transform_indices = @transform_10, window_bounds = array<i64: 400, 256>}, {transform_indices = @transform_11, window_bounds = array<i64: 400, 256>}, {transform_indices = @transform_12, window_bounds = array<i64: 400, 256>}]} {
    %get3A = arith.constant 0 : index
    %get3A_0 = arith.constant 0 : index
    %get3A_1 = vector.load %arg1[%get3A, %get3A_0] : memref<400x3xf32, #tpu.memory_space<vmem>>, vector<400x3xf32>
    %get3A_2 = arith.constant 0 : index
    %get3A_3 = arith.constant 0 : index
    %get3A_4 = vector.load %arg2[%get3A_2, %get3A_3] : memref<6x256xf32, #tpu.memory_space<vmem>>, vector<6x256xf32>
    %slice3A = vector.extract_strided_slice %get3A_4 {offsets = [3, 0], sizes = [3, 256], strides = [1, 1]} : vector<6x256xf32> to vector<3x256xf32>
    %dot_general3A = arith.constant dense<0.000000e+00> : vector<400x256xf32>
    %dot_general3A_5 = tpu.matmul %get3A_1, %slice3A, %dot_general3A {dimension_numbers = #tpu.dot_dimension_numbers<[1], [0], [0], [1], [0, 0, 1, 1], [], []>, transpose_lhs_hint = false} : vector<400x3xf32>, vector<3x256xf32>, vector<400x256xf32> -> vector<400x256xf32>
    %slice3A_6 = vector.extract_strided_slice %get3A_4 {offsets = [0, 0], sizes = [3, 256], strides = [1, 1]} : vector<6x256xf32> to vector<3x256xf32>
    %dot_general3A_7 = arith.constant dense<0.000000e+00> : vector<400x256xf32>
    %dot_general3A_8 = tpu.matmul %get3A_1, %slice3A_6, %dot_general3A_7 {dimension_numbers = #tpu.dot_dimension_numbers<[1], [0], [0], [1], [0, 0, 1, 1], [], []>, transpose_lhs_hint = false} : vector<400x3xf32>, vector<3x256xf32>, vector<400x256xf32> -> vector<400x256xf32>
    %add3A = arith.addf %dot_general3A_8, %dot_general3A_5 : vector<400x256xf32>
    %slice3A_9 = vector.extract_strided_slice %add3A {offsets = [0, 0], sizes = [400, 128], strides = [1, 1]} : vector<400x256xf32> to vector<400x128xf32>
    %convert_element_type3A = arith.truncf %slice3A_9 : vector<400x128xf32> to vector<400x128xbf16>
    %convert_element_type3A_10 = arith.extf %convert_element_type3A : vector<400x128xbf16> to vector<400x128xf32>
    %slice3A_11 = vector.extract_strided_slice %add3A {offsets = [0, 128], sizes = [400, 128], strides = [1, 1]} : vector<400x256xf32> to vector<400x128xf32>
    %convert_element_type3A_12 = arith.truncf %slice3A_11 : vector<400x128xf32> to vector<400x128xbf16>
    %convert_element_type3A_13 = arith.extf %convert_element_type3A_12 : vector<400x128xbf16> to vector<400x128xf32>
    %bitcast_convert_type3A = tpu.bitcast %convert_element_type3A_10 : vector<400x128xf32> -> vector<400x128xi32>
    %bitcast_convert_type3A_14 = tpu.bitcast %convert_element_type3A_13 : vector<400x128xf32> -> vector<400x128xi32>
    %shift_right_logical3A = arith.constant 16 : i32
    %shift_right_logical3A_15 = vector.broadcast %shift_right_logical3A : i32 to vector<400x128xi32>
    %shift_right_logical3A_16 = arith.shrui %bitcast_convert_type3A, %shift_right_logical3A_15 : vector<400x128xi32>
    %and3A = arith.constant -65536 : i32
    %and3A_17 = vector.broadcast %and3A : i32 to vector<400x128xi32>
    %and3A_18 = arith.andi %bitcast_convert_type3A_14, %and3A_17 : vector<400x128xi32>
    %or3A = arith.ori %shift_right_logical3A_16, %and3A_18 : vector<400x128xi32>
    %swap3A = arith.constant 0 : index
    %swap3A_19 = arith.constant 0 : index
    %swap3A_20 = vector.load %arg8[%swap3A, %swap3A_19] : memref<400x128xi32, #tpu.memory_space<vmem>>, vector<400x128xi32>
    tpu.vector_store %arg8[%swap3A, %swap3A_19], %or3A {strides = array<i32>} : memref<400x128xi32, #tpu.memory_space<vmem>>, vector<400x128xi32>,
    %get3A_21 = arith.constant 0 : index
    %get3A_22 = arith.constant 0 : index
    %get3A_23 = vector.load %arg5[%get3A_21, %get3A_22] : memref<1x256xf32, #tpu.memory_space<vmem>>, vector<1x256xf32>
    %sub3A = vector.broadcast %get3A_23 : vector<1x256xf32> to vector<400x256xf32>
    %sub3A_24 = arith.subf %dot_general3A_5, %sub3A : vector<400x256xf32>
    %swap3A_25 = arith.constant 0 : index
    %swap3A_26 = arith.constant 0 : index
    %swap3A_27 = vector.load %arg9[%swap3A_25, %swap3A_26] : memref<400x256xf32, #tpu.memory_space<vmem>>, vector<400x256xf32>
    tpu.vector_store %arg9[%swap3A_25, %swap3A_26], %sub3A_24 {strides = array<i32>} : memref<400x256xf32, #tpu.memory_space<vmem>>, vector<400x256xf32>,
    %get3A_28 = arith.constant 0 : index
    %get3A_29 = arith.constant 0 : index
    %get3A_30 = vector.load %arg3[%get3A_28, %get3A_29] : memref<3x256xf32, #tpu.memory_space<vmem>>, vector<3x256xf32>
    %dot_general3A_31 = arith.constant dense<0.000000e+00> : vector<400x256xf32>
    %dot_general3A_32 = tpu.matmul %get3A_1, %get3A_30, %dot_general3A_31 {dimension_numbers = #tpu.dot_dimension_numbers<[1], [0], [0], [1], [0, 0, 1, 1], [], []>, transpose_lhs_hint = false} : vector<400x3xf32>, vector<3x256xf32>, vector<400x256xf32> -> vector<400x256xf32>
    %swap3A_33 = arith.constant 0 : index
    %swap3A_34 = arith.constant 0 : index
    %swap3A_35 = vector.load %arg10[%swap3A_33, %swap3A_34] : memref<400x256xf32, #tpu.memory_space<vmem>>, vector<400x256xf32>
    tpu.vector_store %arg10[%swap3A_33, %swap3A_34], %dot_general3A_32 {strides = array<i32>} : memref<400x256xf32, #tpu.memory_space<vmem>>, vector<400x256xf32>,
    %get3A_36 = arith.constant 0 : index
    %get3A_37 = arith.constant 0 : index
    %get3A_38 = vector.load %arg6[%get3A_36, %get3A_37] : memref<1x256xf32, #tpu.memory_space<vmem>>, vector<1x256xf32>
    %sub3A_39 = vector.broadcast %get3A_38 : vector<1x256xf32> to vector<400x256xf32>
    %sub3A_40 = arith.subf %dot_general3A_32, %sub3A_39 : vector<400x256xf32>
    %swap3A_41 = arith.constant 0 : index
    %swap3A_42 = arith.constant 0 : index
    %swap3A_43 = vector.load %arg11[%swap3A_41, %swap3A_42] : memref<400x256xf32, #tpu.memory_space<vmem>>, vector<400x256xf32>
    tpu.vector_store %arg11[%swap3A_41, %swap3A_42], %sub3A_40 {strides = array<i32>} : memref<400x256xf32, #tpu.memory_space<vmem>>, vector<400x256xf32>,
    %get3A_44 = arith.constant 0 : index
    %get3A_45 = arith.constant 0 : index
    %get3A_46 = vector.load %arg4[%get3A_44, %get3A_45] : memref<3x256xf32, #tpu.memory_space<vmem>>, vector<3x256xf32>
    %dot_general3A_47 = arith.constant dense<0.000000e+00> : vector<400x256xf32>
    %dot_general3A_48 = tpu.matmul %get3A_1, %get3A_46, %dot_general3A_47 {dimension_numbers = #tpu.dot_dimension_numbers<[1], [0], [0], [1], [0, 0, 1, 1], [], []>, transpose_lhs_hint = false} : vector<400x3xf32>, vector<3x256xf32>, vector<400x256xf32> -> vector<400x256xf32>
    %swap3A_49 = arith.constant 0 : index
    %swap3A_50 = arith.constant 0 : index
    %swap3A_51 = vector.load %arg12[%swap3A_49, %swap3A_50] : memref<400x256xf32, #tpu.memory_space<vmem>>, vector<400x256xf32>
    tpu.vector_store %arg12[%swap3A_49, %swap3A_50], %dot_general3A_48 {strides = array<i32>} : memref<400x256xf32, #tpu.memory_space<vmem>>, vector<400x256xf32>,
    %get3A_52 = arith.constant 0 : index
    %get3A_53 = arith.constant 0 : index
    %get3A_54 = vector.load %arg7[%get3A_52, %get3A_53] : memref<1x256xf32, #tpu.memory_space<vmem>>, vector<1x256xf32>
    %sub3A_55 = vector.broadcast %get3A_54 : vector<1x256xf32> to vector<400x256xf32>
    %sub3A_56 = arith.subf %dot_general3A_48, %sub3A_55 : vector<400x256xf32>
    %swap3A_57 = arith.constant 0 : index
    %swap3A_58 = arith.constant 0 : index
    %swap3A_59 = vector.load %arg13[%swap3A_57, %swap3A_58] : memref<400x256xf32, #tpu.memory_space<vmem>>, vector<400x256xf32>
    tpu.vector_store %arg13[%swap3A_57, %swap3A_58], %sub3A_56 {strides = array<i32>} : memref<400x256xf32, #tpu.memory_space<vmem>>, vector<400x256xf32>,
    return
  }
  func.func @transform_0(%arg0: i32) -> (i32, i32) {
    %c0_i32 = arith.constant 0 : i32
    %c0_i32_0 = arith.constant 0 : i32
    return %arg0, %c0_i32 : i32, i32
  }
  func.func @transform_1(%arg0: i32) -> (i32, i32) {
    %c0_i32 = arith.constant 0 : i32
    %c0_i32_0 = arith.constant 0 : i32
    %c0_i32_1 = arith.constant 0 : i32
    return %c0_i32, %c0_i32_0 : i32, i32
  }
  func.func @transform_2(%arg0: i32) -> (i32, i32) {
    %c0_i32 = arith.constant 0 : i32
    %c0_i32_0 = arith.constant 0 : i32
    %c0_i32_1 = arith.constant 0 : i32
    return %c0_i32, %c0_i32_0 : i32, i32
  }
  func.func @transform_3(%arg0: i32) -> (i32, i32) {
    %c0_i32 = arith.constant 0 : i32
    %c0_i32_0 = arith.constant 0 : i32
    %c0_i32_1 = arith.constant 0 : i32
    return %c0_i32, %c0_i32_0 : i32, i32
  }
  func.func @transform_4(%arg0: i32) -> (i32, i32) {
    %c0_i32 = arith.constant 0 : i32
    %c0_i32_0 = arith.constant 0 : i32
    %c0_i32_1 = arith.constant 0 : i32
    return %c0_i32, %c0_i32_0 : i32, i32
  }
  func.func @transform_5(%arg0: i32) -> (i32, i32) {
    %c0_i32 = arith.constant 0 : i32
    %c0_i32_0 = arith.constant 0 : i32
    %c0_i32_1 = arith.constant 0 : i32
    return %c0_i32, %c0_i32_0 : i32, i32
  }
  func.func @transform_6(%arg0: i32) -> (i32, i32) {
    %c0_i32 = arith.constant 0 : i32
    %c0_i32_0 = arith.constant 0 : i32
    %c0_i32_1 = arith.constant 0 : i32
    return %c0_i32, %c0_i32_0 : i32, i32
  }
  func.func @transform_7(%arg0: i32) -> (i32, i32) {
    %c0_i32 = arith.constant 0 : i32
    %c0_i32_0 = arith.constant 0 : i32
    return %arg0, %c0_i32 : i32, i32
  }
  func.func @transform_8(%arg0: i32) -> (i32, i32) {
    %c0_i32 = arith.constant 0 : i32
    %c0_i32_0 = arith.constant 0 : i32
    return %arg0, %c0_i32 : i32, i32
  }
  func.func @transform_9(%arg0: i32) -> (i32, i32) {
    %c0_i32 = arith.constant 0 : i32
    %c0_i32_0 = arith.constant 0 : i32
    return %arg0, %c0_i32 : i32, i32
  }
  func.func @transform_10(%arg0: i32) -> (i32, i32) {
    %c0_i32 = arith.constant 0 : i32
    %c0_i32_0 = arith.constant 0 : i32
    return %arg0, %c0_i32 : i32, i32
  }
  func.func @transform_11(%arg0: i32) -> (i32, i32) {
    %c0_i32 = arith.constant 0 : i32
    %c0_i32_0 = arith.constant 0 : i32
    return %arg0, %c0_i32 : i32, i32
  }
  func.func @transform_12(%arg0: i32) -> (i32, i32) {
    %c0_i32 = arith.constant 0 : i32
    %c0_i32_0 = arith.constant 0 : i32
    return %arg0, %c0_i32 : i32, i32
  }
}

module attributes {stable_mosaic.version = 14 : i64} {
  func.func @_conv_g_body(%arg0: i32, %arg1: memref<16x400x128xi32, #tpu.memory_space<vmem>>, %arg2: memref<400x256xf32, #tpu.memory_space<vmem>>, %arg3: memref<256x256xbf16, #tpu.memory_space<vmem>>, %arg4: memref<1x256xf32, #tpu.memory_space<vmem>>, %arg5: memref<256x256xbf16, #tpu.memory_space<vmem>>, %arg6: memref<400x256xf32, #tpu.memory_space<vmem>>, %arg7: memref<400x128xi32, #tpu.memory_space<vmem>>) attributes {dimension_semantics = [#tpu.dimension_semantics<arbitrary>], iteration_bounds = array<i64: 25>, scalar_prefetch = 0 : i64, scratch_operands = 0 : i64, tpu.core_type = #tpu.core_type<tc>, window_params = [{transform_indices = @transform_0, window_bounds = array<i64: 16, 400, 128>}, {transform_indices = @transform_1, window_bounds = array<i64: 400, 256>}, {pipeline_mode = #tpu.pipeline_mode<synchronous>, transform_indices = @transform_2, window_bounds = array<i64: 256, 256>}, {pipeline_mode = #tpu.pipeline_mode<synchronous>, transform_indices = @transform_3, window_bounds = array<i64: 1, 256>}, {pipeline_mode = #tpu.pipeline_mode<synchronous>, transform_indices = @transform_4, window_bounds = array<i64: 256, 256>}, {transform_indices = @transform_5, window_bounds = array<i64: 400, 256>}, {transform_indices = @transform_6, window_bounds = array<i64: 400, 128>}]} {
    %get3A = arith.constant 0 : index
    %get3A_0 = arith.constant 0 : index
    %get3A_1 = vector.load %arg2[%get3A, %get3A_0] : memref<400x256xf32, #tpu.memory_space<vmem>>, vector<400x256xf32>
    %get3A_2 = arith.constant 0 : index
    %get3A_3 = arith.constant 0 : index
    %get3A_4 = vector.load %arg3[%get3A_2, %get3A_3] : memref<256x256xbf16, #tpu.memory_space<vmem>>, vector<256x256xbf16>
    %broadcast_in_dim3A = arith.constant 0xFF800000 : f32
    %broadcast_in_dim3A_5 = vector.broadcast %broadcast_in_dim3A : f32 to vector<400x256xf32>
    %get3A_6 = arith.constant 0 : index
    %get3A_7 = arith.constant 0 : index
    %get3A_8 = arith.constant 0 : index
    %get3A_9 = vector.load %arg1[%get3A_6, %get3A_7, %get3A_8] : memref<16x400x128xi32, #tpu.memory_space<vmem>>, vector<1x400x128xi32>
    %get3A_10 = vector.shape_cast %get3A_9 : vector<1x400x128xi32> to vector<400x128xi32>
    %shift_left3A = arith.constant 16 : i32
    %shift_left3A_11 = vector.broadcast %shift_left3A : i32 to vector<400x128xi32>
    %shift_left3A_12 = arith.shli %get3A_10, %shift_left3A_11 : vector<400x128xi32>
    %bitcast_convert_type3A = tpu.bitcast %shift_left3A_12 : vector<400x128xi32> -> vector<400x128xf32>
    %and3A = arith.constant -65536 : i32
    %and3A_13 = vector.broadcast %and3A : i32 to vector<400x128xi32>
    %and3A_14 = arith.andi %get3A_10, %and3A_13 : vector<400x128xi32>
    %bitcast_convert_type3A_15 = tpu.bitcast %and3A_14 : vector<400x128xi32> -> vector<400x128xf32>
    %concatenate3A = tpu.concatenate %bitcast_convert_type3A, %bitcast_convert_type3A_15 in 1 : vector<400x128xf32>, vector<400x128xf32> -> vector<400x256xf32>
    %sub3A = arith.subf %concatenate3A, %get3A_1 : vector<400x256xf32>
    %max3A = arith.constant 0.000000e+00 : f32
    %max3A_16 = vector.broadcast %max3A : f32 to vector<400x256xf32>
    %max3A_17 = arith.maximumf %sub3A, %max3A_16 : vector<400x256xf32>
    %convert_element_type3A = arith.truncf %max3A_17 : vector<400x256xf32> to vector<400x256xbf16>
    %dot_general3A = arith.constant dense<0.000000e+00> : vector<400x256xf32>
    %dot_general3A_18 = tpu.matmul %convert_element_type3A, %get3A_4, %dot_general3A {dimension_numbers = #tpu.dot_dimension_numbers<[1], [0], [0], [1], [0, 0, 1, 1], [], []>, transpose_lhs_hint = false} : vector<400x256xbf16>, vector<256x256xbf16>, vector<400x256xf32> -> vector<400x256xf32>
    %max3A_19 = arith.maximumf %broadcast_in_dim3A_5, %dot_general3A_18 : vector<400x256xf32>
    %get3A_20 = arith.constant 1 : index
    %get3A_21 = arith.constant 0 : index
    %get3A_22 = arith.constant 0 : index
    %get3A_23 = vector.load %arg1[%get3A_20, %get3A_21, %get3A_22] : memref<16x400x128xi32, #tpu.memory_space<vmem>>, vector<1x400x128xi32>
    %get3A_24 = vector.shape_cast %get3A_23 : vector<1x400x128xi32> to vector<400x128xi32>
    %shift_left3A_25 = arith.constant 16 : i32
    %shift_left3A_26 = vector.broadcast %shift_left3A_25 : i32 to vector<400x128xi32>
    %shift_left3A_27 = arith.shli %get3A_24, %shift_left3A_26 : vector<400x128xi32>
    %bitcast_convert_type3A_28 = tpu.bitcast %shift_left3A_27 : vector<400x128xi32> -> vector<400x128xf32>
    %and3A_29 = arith.constant -65536 : i32
    %and3A_30 = vector.broadcast %and3A_29 : i32 to vector<400x128xi32>
    %and3A_31 = arith.andi %get3A_24, %and3A_30 : vector<400x128xi32>
    %bitcast_convert_type3A_32 = tpu.bitcast %and3A_31 : vector<400x128xi32> -> vector<400x128xf32>
    %concatenate3A_33 = tpu.concatenate %bitcast_convert_type3A_28, %bitcast_convert_type3A_32 in 1 : vector<400x128xf32>, vector<400x128xf32> -> vector<400x256xf32>
    %sub3A_34 = arith.subf %concatenate3A_33, %get3A_1 : vector<400x256xf32>
    %max3A_35 = arith.constant 0.000000e+00 : f32
    %max3A_36 = vector.broadcast %max3A_35 : f32 to vector<400x256xf32>
    %max3A_37 = arith.maximumf %sub3A_34, %max3A_36 : vector<400x256xf32>
    %convert_element_type3A_38 = arith.truncf %max3A_37 : vector<400x256xf32> to vector<400x256xbf16>
    %dot_general3A_39 = arith.constant dense<0.000000e+00> : vector<400x256xf32>
    %dot_general3A_40 = tpu.matmul %convert_element_type3A_38, %get3A_4, %dot_general3A_39 {dimension_numbers = #tpu.dot_dimension_numbers<[1], [0], [0], [1], [0, 0, 1, 1], [], []>, transpose_lhs_hint = false} : vector<400x256xbf16>, vector<256x256xbf16>, vector<400x256xf32> -> vector<400x256xf32>
    %max3A_41 = arith.maximumf %max3A_19, %dot_general3A_40 : vector<400x256xf32>
    %get3A_42 = arith.constant 2 : index
    %get3A_43 = arith.constant 0 : index
    %get3A_44 = arith.constant 0 : index
    %get3A_45 = vector.load %arg1[%get3A_42, %get3A_43, %get3A_44] : memref<16x400x128xi32, #tpu.memory_space<vmem>>, vector<1x400x128xi32>
    %get3A_46 = vector.shape_cast %get3A_45 : vector<1x400x128xi32> to vector<400x128xi32>
    %shift_left3A_47 = arith.constant 16 : i32
    %shift_left3A_48 = vector.broadcast %shift_left3A_47 : i32 to vector<400x128xi32>
    %shift_left3A_49 = arith.shli %get3A_46, %shift_left3A_48 : vector<400x128xi32>
    %bitcast_convert_type3A_50 = tpu.bitcast %shift_left3A_49 : vector<400x128xi32> -> vector<400x128xf32>
    %and3A_51 = arith.constant -65536 : i32
    %and3A_52 = vector.broadcast %and3A_51 : i32 to vector<400x128xi32>
    %and3A_53 = arith.andi %get3A_46, %and3A_52 : vector<400x128xi32>
    %bitcast_convert_type3A_54 = tpu.bitcast %and3A_53 : vector<400x128xi32> -> vector<400x128xf32>
    %concatenate3A_55 = tpu.concatenate %bitcast_convert_type3A_50, %bitcast_convert_type3A_54 in 1 : vector<400x128xf32>, vector<400x128xf32> -> vector<400x256xf32>
    %sub3A_56 = arith.subf %concatenate3A_55, %get3A_1 : vector<400x256xf32>
    %max3A_57 = arith.constant 0.000000e+00 : f32
    %max3A_58 = vector.broadcast %max3A_57 : f32 to vector<400x256xf32>
    %max3A_59 = arith.maximumf %sub3A_56, %max3A_58 : vector<400x256xf32>
    %convert_element_type3A_60 = arith.truncf %max3A_59 : vector<400x256xf32> to vector<400x256xbf16>
    %dot_general3A_61 = arith.constant dense<0.000000e+00> : vector<400x256xf32>
    %dot_general3A_62 = tpu.matmul %convert_element_type3A_60, %get3A_4, %dot_general3A_61 {dimension_numbers = #tpu.dot_dimension_numbers<[1], [0], [0], [1], [0, 0, 1, 1], [], []>, transpose_lhs_hint = false} : vector<400x256xbf16>, vector<256x256xbf16>, vector<400x256xf32> -> vector<400x256xf32>
    %max3A_63 = arith.maximumf %max3A_41, %dot_general3A_62 : vector<400x256xf32>
    %get3A_64 = arith.constant 3 : index
    %get3A_65 = arith.constant 0 : index
    %get3A_66 = arith.constant 0 : index
    %get3A_67 = vector.load %arg1[%get3A_64, %get3A_65, %get3A_66] : memref<16x400x128xi32, #tpu.memory_space<vmem>>, vector<1x400x128xi32>
    %get3A_68 = vector.shape_cast %get3A_67 : vector<1x400x128xi32> to vector<400x128xi32>
    %shift_left3A_69 = arith.constant 16 : i32
    %shift_left3A_70 = vector.broadcast %shift_left3A_69 : i32 to vector<400x128xi32>
    %shift_left3A_71 = arith.shli %get3A_68, %shift_left3A_70 : vector<400x128xi32>
    %bitcast_convert_type3A_72 = tpu.bitcast %shift_left3A_71 : vector<400x128xi32> -> vector<400x128xf32>
    %and3A_73 = arith.constant -65536 : i32
    %and3A_74 = vector.broadcast %and3A_73 : i32 to vector<400x128xi32>
    %and3A_75 = arith.andi %get3A_68, %and3A_74 : vector<400x128xi32>
    %bitcast_convert_type3A_76 = tpu.bitcast %and3A_75 : vector<400x128xi32> -> vector<400x128xf32>
    %concatenate3A_77 = tpu.concatenate %bitcast_convert_type3A_72, %bitcast_convert_type3A_76 in 1 : vector<400x128xf32>, vector<400x128xf32> -> vector<400x256xf32>
    %sub3A_78 = arith.subf %concatenate3A_77, %get3A_1 : vector<400x256xf32>
    %max3A_79 = arith.constant 0.000000e+00 : f32
    %max3A_80 = vector.broadcast %max3A_79 : f32 to vector<400x256xf32>
    %max3A_81 = arith.maximumf %sub3A_78, %max3A_80 : vector<400x256xf32>
    %convert_element_type3A_82 = arith.truncf %max3A_81 : vector<400x256xf32> to vector<400x256xbf16>
    %dot_general3A_83 = arith.constant dense<0.000000e+00> : vector<400x256xf32>
    %dot_general3A_84 = tpu.matmul %convert_element_type3A_82, %get3A_4, %dot_general3A_83 {dimension_numbers = #tpu.dot_dimension_numbers<[1], [0], [0], [1], [0, 0, 1, 1], [], []>, transpose_lhs_hint = false} : vector<400x256xbf16>, vector<256x256xbf16>, vector<400x256xf32> -> vector<400x256xf32>
    %max3A_85 = arith.maximumf %max3A_63, %dot_general3A_84 : vector<400x256xf32>
    %get3A_86 = arith.constant 4 : index
    %get3A_87 = arith.constant 0 : index
    %get3A_88 = arith.constant 0 : index
    %get3A_89 = vector.load %arg1[%get3A_86, %get3A_87, %get3A_88] : memref<16x400x128xi32, #tpu.memory_space<vmem>>, vector<1x400x128xi32>
    %get3A_90 = vector.shape_cast %get3A_89 : vector<1x400x128xi32> to vector<400x128xi32>
    %shift_left3A_91 = arith.constant 16 : i32
    %shift_left3A_92 = vector.broadcast %shift_left3A_91 : i32 to vector<400x128xi32>
    %shift_left3A_93 = arith.shli %get3A_90, %shift_left3A_92 : vector<400x128xi32>
    %bitcast_convert_type3A_94 = tpu.bitcast %shift_left3A_93 : vector<400x128xi32> -> vector<400x128xf32>
    %and3A_95 = arith.constant -65536 : i32
    %and3A_96 = vector.broadcast %and3A_95 : i32 to vector<400x128xi32>
    %and3A_97 = arith.andi %get3A_90, %and3A_96 : vector<400x128xi32>
    %bitcast_convert_type3A_98 = tpu.bitcast %and3A_97 : vector<400x128xi32> -> vector<400x128xf32>
    %concatenate3A_99 = tpu.concatenate %bitcast_convert_type3A_94, %bitcast_convert_type3A_98 in 1 : vector<400x128xf32>, vector<400x128xf32> -> vector<400x256xf32>
    %sub3A_100 = arith.subf %concatenate3A_99, %get3A_1 : vector<400x256xf32>
    %max3A_101 = arith.constant 0.000000e+00 : f32
    %max3A_102 = vector.broadcast %max3A_101 : f32 to vector<400x256xf32>
    %max3A_103 = arith.maximumf %sub3A_100, %max3A_102 : vector<400x256xf32>
    %convert_element_type3A_104 = arith.truncf %max3A_103 : vector<400x256xf32> to vector<400x256xbf16>
    %dot_general3A_105 = arith.constant dense<0.000000e+00> : vector<400x256xf32>
    %dot_general3A_106 = tpu.matmul %convert_element_type3A_104, %get3A_4, %dot_general3A_105 {dimension_numbers = #tpu.dot_dimension_numbers<[1], [0], [0], [1], [0, 0, 1, 1], [], []>, transpose_lhs_hint = false} : vector<400x256xbf16>, vector<256x256xbf16>, vector<400x256xf32> -> vector<400x256xf32>
    %max3A_107 = arith.maximumf %max3A_85, %dot_general3A_106 : vector<400x256xf32>
    %get3A_108 = arith.constant 5 : index
    %get3A_109 = arith.constant 0 : index
    %get3A_110 = arith.constant 0 : index
    %get3A_111 = vector.load %arg1[%get3A_108, %get3A_109, %get3A_110] : memref<16x400x128xi32, #tpu.memory_space<vmem>>, vector<1x400x128xi32>
    %get3A_112 = vector.shape_cast %get3A_111 : vector<1x400x128xi32> to vector<400x128xi32>
    %shift_left3A_113 = arith.constant 16 : i32
    %shift_left3A_114 = vector.broadcast %shift_left3A_113 : i32 to vector<400x128xi32>
    %shift_left3A_115 = arith.shli %get3A_112, %shift_left3A_114 : vector<400x128xi32>
    %bitcast_convert_type3A_116 = tpu.bitcast %shift_left3A_115 : vector<400x128xi32> -> vector<400x128xf32>
    %and3A_117 = arith.constant -65536 : i32
    %and3A_118 = vector.broadcast %and3A_117 : i32 to vector<400x128xi32>
    %and3A_119 = arith.andi %get3A_112, %and3A_118 : vector<400x128xi32>
    %bitcast_convert_type3A_120 = tpu.bitcast %and3A_119 : vector<400x128xi32> -> vector<400x128xf32>
    %concatenate3A_121 = tpu.concatenate %bitcast_convert_type3A_116, %bitcast_convert_type3A_120 in 1 : vector<400x128xf32>, vector<400x128xf32> -> vector<400x256xf32>
    %sub3A_122 = arith.subf %concatenate3A_121, %get3A_1 : vector<400x256xf32>
    %max3A_123 = arith.constant 0.000000e+00 : f32
    %max3A_124 = vector.broadcast %max3A_123 : f32 to vector<400x256xf32>
    %max3A_125 = arith.maximumf %sub3A_122, %max3A_124 : vector<400x256xf32>
    %convert_element_type3A_126 = arith.truncf %max3A_125 : vector<400x256xf32> to vector<400x256xbf16>
    %dot_general3A_127 = arith.constant dense<0.000000e+00> : vector<400x256xf32>
    %dot_general3A_128 = tpu.matmul %convert_element_type3A_126, %get3A_4, %dot_general3A_127 {dimension_numbers = #tpu.dot_dimension_numbers<[1], [0], [0], [1], [0, 0, 1, 1], [], []>, transpose_lhs_hint = false} : vector<400x256xbf16>, vector<256x256xbf16>, vector<400x256xf32> -> vector<400x256xf32>
    %max3A_129 = arith.maximumf %max3A_107, %dot_general3A_128 : vector<400x256xf32>
    %get3A_130 = arith.constant 6 : index
    %get3A_131 = arith.constant 0 : index
    %get3A_132 = arith.constant 0 : index
    %get3A_133 = vector.load %arg1[%get3A_130, %get3A_131, %get3A_132] : memref<16x400x128xi32, #tpu.memory_space<vmem>>, vector<1x400x128xi32>
    %get3A_134 = vector.shape_cast %get3A_133 : vector<1x400x128xi32> to vector<400x128xi32>
    %shift_left3A_135 = arith.constant 16 : i32
    %shift_left3A_136 = vector.broadcast %shift_left3A_135 : i32 to vector<400x128xi32>
    %shift_left3A_137 = arith.shli %get3A_134, %shift_left3A_136 : vector<400x128xi32>
    %bitcast_convert_type3A_138 = tpu.bitcast %shift_left3A_137 : vector<400x128xi32> -> vector<400x128xf32>
    %and3A_139 = arith.constant -65536 : i32
    %and3A_140 = vector.broadcast %and3A_139 : i32 to vector<400x128xi32>
    %and3A_141 = arith.andi %get3A_134, %and3A_140 : vector<400x128xi32>
    %bitcast_convert_type3A_142 = tpu.bitcast %and3A_141 : vector<400x128xi32> -> vector<400x128xf32>
    %concatenate3A_143 = tpu.concatenate %bitcast_convert_type3A_138, %bitcast_convert_type3A_142 in 1 : vector<400x128xf32>, vector<400x128xf32> -> vector<400x256xf32>
    %sub3A_144 = arith.subf %concatenate3A_143, %get3A_1 : vector<400x256xf32>
    %max3A_145 = arith.constant 0.000000e+00 : f32
    %max3A_146 = vector.broadcast %max3A_145 : f32 to vector<400x256xf32>
    %max3A_147 = arith.maximumf %sub3A_144, %max3A_146 : vector<400x256xf32>
    %convert_element_type3A_148 = arith.truncf %max3A_147 : vector<400x256xf32> to vector<400x256xbf16>
    %dot_general3A_149 = arith.constant dense<0.000000e+00> : vector<400x256xf32>
    %dot_general3A_150 = tpu.matmul %convert_element_type3A_148, %get3A_4, %dot_general3A_149 {dimension_numbers = #tpu.dot_dimension_numbers<[1], [0], [0], [1], [0, 0, 1, 1], [], []>, transpose_lhs_hint = false} : vector<400x256xbf16>, vector<256x256xbf16>, vector<400x256xf32> -> vector<400x256xf32>
    %max3A_151 = arith.maximumf %max3A_129, %dot_general3A_150 : vector<400x256xf32>
    %get3A_152 = arith.constant 7 : index
    %get3A_153 = arith.constant 0 : index
    %get3A_154 = arith.constant 0 : index
    %get3A_155 = vector.load %arg1[%get3A_152, %get3A_153, %get3A_154] : memref<16x400x128xi32, #tpu.memory_space<vmem>>, vector<1x400x128xi32>
    %get3A_156 = vector.shape_cast %get3A_155 : vector<1x400x128xi32> to vector<400x128xi32>
    %shift_left3A_157 = arith.constant 16 : i32
    %shift_left3A_158 = vector.broadcast %shift_left3A_157 : i32 to vector<400x128xi32>
    %shift_left3A_159 = arith.shli %get3A_156, %shift_left3A_158 : vector<400x128xi32>
    %bitcast_convert_type3A_160 = tpu.bitcast %shift_left3A_159 : vector<400x128xi32> -> vector<400x128xf32>
    %and3A_161 = arith.constant -65536 : i32
    %and3A_162 = vector.broadcast %and3A_161 : i32 to vector<400x128xi32>
    %and3A_163 = arith.andi %get3A_156, %and3A_162 : vector<400x128xi32>
    %bitcast_convert_type3A_164 = tpu.bitcast %and3A_163 : vector<400x128xi32> -> vector<400x128xf32>
    %concatenate3A_165 = tpu.concatenate %bitcast_convert_type3A_160, %bitcast_convert_type3A_164 in 1 : vector<400x128xf32>, vector<400x128xf32> -> vector<400x256xf32>
    %sub3A_166 = arith.subf %concatenate3A_165, %get3A_1 : vector<400x256xf32>
    %max3A_167 = arith.constant 0.000000e+00 : f32
    %max3A_168 = vector.broadcast %max3A_167 : f32 to vector<400x256xf32>
    %max3A_169 = arith.maximumf %sub3A_166, %max3A_168 : vector<400x256xf32>
    %convert_element_type3A_170 = arith.truncf %max3A_169 : vector<400x256xf32> to vector<400x256xbf16>
    %dot_general3A_171 = arith.constant dense<0.000000e+00> : vector<400x256xf32>
    %dot_general3A_172 = tpu.matmul %convert_element_type3A_170, %get3A_4, %dot_general3A_171 {dimension_numbers = #tpu.dot_dimension_numbers<[1], [0], [0], [1], [0, 0, 1, 1], [], []>, transpose_lhs_hint = false} : vector<400x256xbf16>, vector<256x256xbf16>, vector<400x256xf32> -> vector<400x256xf32>
    %max3A_173 = arith.maximumf %max3A_151, %dot_general3A_172 : vector<400x256xf32>
    %get3A_174 = arith.constant 8 : index
    %get3A_175 = arith.constant 0 : index
    %get3A_176 = arith.constant 0 : index
    %get3A_177 = vector.load %arg1[%get3A_174, %get3A_175, %get3A_176] : memref<16x400x128xi32, #tpu.memory_space<vmem>>, vector<1x400x128xi32>
    %get3A_178 = vector.shape_cast %get3A_177 : vector<1x400x128xi32> to vector<400x128xi32>
    %shift_left3A_179 = arith.constant 16 : i32
    %shift_left3A_180 = vector.broadcast %shift_left3A_179 : i32 to vector<400x128xi32>
    %shift_left3A_181 = arith.shli %get3A_178, %shift_left3A_180 : vector<400x128xi32>
    %bitcast_convert_type3A_182 = tpu.bitcast %shift_left3A_181 : vector<400x128xi32> -> vector<400x128xf32>
    %and3A_183 = arith.constant -65536 : i32
    %and3A_184 = vector.broadcast %and3A_183 : i32 to vector<400x128xi32>
    %and3A_185 = arith.andi %get3A_178, %and3A_184 : vector<400x128xi32>
    %bitcast_convert_type3A_186 = tpu.bitcast %and3A_185 : vector<400x128xi32> -> vector<400x128xf32>
    %concatenate3A_187 = tpu.concatenate %bitcast_convert_type3A_182, %bitcast_convert_type3A_186 in 1 : vector<400x128xf32>, vector<400x128xf32> -> vector<400x256xf32>
    %sub3A_188 = arith.subf %concatenate3A_187, %get3A_1 : vector<400x256xf32>
    %max3A_189 = arith.constant 0.000000e+00 : f32
    %max3A_190 = vector.broadcast %max3A_189 : f32 to vector<400x256xf32>
    %max3A_191 = arith.maximumf %sub3A_188, %max3A_190 : vector<400x256xf32>
    %convert_element_type3A_192 = arith.truncf %max3A_191 : vector<400x256xf32> to vector<400x256xbf16>
    %dot_general3A_193 = arith.constant dense<0.000000e+00> : vector<400x256xf32>
    %dot_general3A_194 = tpu.matmul %convert_element_type3A_192, %get3A_4, %dot_general3A_193 {dimension_numbers = #tpu.dot_dimension_numbers<[1], [0], [0], [1], [0, 0, 1, 1], [], []>, transpose_lhs_hint = false} : vector<400x256xbf16>, vector<256x256xbf16>, vector<400x256xf32> -> vector<400x256xf32>
    %max3A_195 = arith.maximumf %max3A_173, %dot_general3A_194 : vector<400x256xf32>
    %get3A_196 = arith.constant 9 : index
    %get3A_197 = arith.constant 0 : index
    %get3A_198 = arith.constant 0 : index
    %get3A_199 = vector.load %arg1[%get3A_196, %get3A_197, %get3A_198] : memref<16x400x128xi32, #tpu.memory_space<vmem>>, vector<1x400x128xi32>
    %get3A_200 = vector.shape_cast %get3A_199 : vector<1x400x128xi32> to vector<400x128xi32>
    %shift_left3A_201 = arith.constant 16 : i32
    %shift_left3A_202 = vector.broadcast %shift_left3A_201 : i32 to vector<400x128xi32>
    %shift_left3A_203 = arith.shli %get3A_200, %shift_left3A_202 : vector<400x128xi32>
    %bitcast_convert_type3A_204 = tpu.bitcast %shift_left3A_203 : vector<400x128xi32> -> vector<400x128xf32>
    %and3A_205 = arith.constant -65536 : i32
    %and3A_206 = vector.broadcast %and3A_205 : i32 to vector<400x128xi32>
    %and3A_207 = arith.andi %get3A_200, %and3A_206 : vector<400x128xi32>
    %bitcast_convert_type3A_208 = tpu.bitcast %and3A_207 : vector<400x128xi32> -> vector<400x128xf32>
    %concatenate3A_209 = tpu.concatenate %bitcast_convert_type3A_204, %bitcast_convert_type3A_208 in 1 : vector<400x128xf32>, vector<400x128xf32> -> vector<400x256xf32>
    %sub3A_210 = arith.subf %concatenate3A_209, %get3A_1 : vector<400x256xf32>
    %max3A_211 = arith.constant 0.000000e+00 : f32
    %max3A_212 = vector.broadcast %max3A_211 : f32 to vector<400x256xf32>
    %max3A_213 = arith.maximumf %sub3A_210, %max3A_212 : vector<400x256xf32>
    %convert_element_type3A_214 = arith.truncf %max3A_213 : vector<400x256xf32> to vector<400x256xbf16>
    %dot_general3A_215 = arith.constant dense<0.000000e+00> : vector<400x256xf32>
    %dot_general3A_216 = tpu.matmul %convert_element_type3A_214, %get3A_4, %dot_general3A_215 {dimension_numbers = #tpu.dot_dimension_numbers<[1], [0], [0], [1], [0, 0, 1, 1], [], []>, transpose_lhs_hint = false} : vector<400x256xbf16>, vector<256x256xbf16>, vector<400x256xf32> -> vector<400x256xf32>
    %max3A_217 = arith.maximumf %max3A_195, %dot_general3A_216 : vector<400x256xf32>
    %get3A_218 = arith.constant 10 : index
    %get3A_219 = arith.constant 0 : index
    %get3A_220 = arith.constant 0 : index
    %get3A_221 = vector.load %arg1[%get3A_218, %get3A_219, %get3A_220] : memref<16x400x128xi32, #tpu.memory_space<vmem>>, vector<1x400x128xi32>
    %get3A_222 = vector.shape_cast %get3A_221 : vector<1x400x128xi32> to vector<400x128xi32>
    %shift_left3A_223 = arith.constant 16 : i32
    %shift_left3A_224 = vector.broadcast %shift_left3A_223 : i32 to vector<400x128xi32>
    %shift_left3A_225 = arith.shli %get3A_222, %shift_left3A_224 : vector<400x128xi32>
    %bitcast_convert_type3A_226 = tpu.bitcast %shift_left3A_225 : vector<400x128xi32> -> vector<400x128xf32>
    %and3A_227 = arith.constant -65536 : i32
    %and3A_228 = vector.broadcast %and3A_227 : i32 to vector<400x128xi32>
    %and3A_229 = arith.andi %get3A_222, %and3A_228 : vector<400x128xi32>
    %bitcast_convert_type3A_230 = tpu.bitcast %and3A_229 : vector<400x128xi32> -> vector<400x128xf32>
    %concatenate3A_231 = tpu.concatenate %bitcast_convert_type3A_226, %bitcast_convert_type3A_230 in 1 : vector<400x128xf32>, vector<400x128xf32> -> vector<400x256xf32>
    %sub3A_232 = arith.subf %concatenate3A_231, %get3A_1 : vector<400x256xf32>
    %max3A_233 = arith.constant 0.000000e+00 : f32
    %max3A_234 = vector.broadcast %max3A_233 : f32 to vector<400x256xf32>
    %max3A_235 = arith.maximumf %sub3A_232, %max3A_234 : vector<400x256xf32>
    %convert_element_type3A_236 = arith.truncf %max3A_235 : vector<400x256xf32> to vector<400x256xbf16>
    %dot_general3A_237 = arith.constant dense<0.000000e+00> : vector<400x256xf32>
    %dot_general3A_238 = tpu.matmul %convert_element_type3A_236, %get3A_4, %dot_general3A_237 {dimension_numbers = #tpu.dot_dimension_numbers<[1], [0], [0], [1], [0, 0, 1, 1], [], []>, transpose_lhs_hint = false} : vector<400x256xbf16>, vector<256x256xbf16>, vector<400x256xf32> -> vector<400x256xf32>
    %max3A_239 = arith.maximumf %max3A_217, %dot_general3A_238 : vector<400x256xf32>
    %get3A_240 = arith.constant 11 : index
    %get3A_241 = arith.constant 0 : index
    %get3A_242 = arith.constant 0 : index
    %get3A_243 = vector.load %arg1[%get3A_240, %get3A_241, %get3A_242] : memref<16x400x128xi32, #tpu.memory_space<vmem>>, vector<1x400x128xi32>
    %get3A_244 = vector.shape_cast %get3A_243 : vector<1x400x128xi32> to vector<400x128xi32>
    %shift_left3A_245 = arith.constant 16 : i32
    %shift_left3A_246 = vector.broadcast %shift_left3A_245 : i32 to vector<400x128xi32>
    %shift_left3A_247 = arith.shli %get3A_244, %shift_left3A_246 : vector<400x128xi32>
    %bitcast_convert_type3A_248 = tpu.bitcast %shift_left3A_247 : vector<400x128xi32> -> vector<400x128xf32>
    %and3A_249 = arith.constant -65536 : i32
    %and3A_250 = vector.broadcast %and3A_249 : i32 to vector<400x128xi32>
    %and3A_251 = arith.andi %get3A_244, %and3A_250 : vector<400x128xi32>
    %bitcast_convert_type3A_252 = tpu.bitcast %and3A_251 : vector<400x128xi32> -> vector<400x128xf32>
    %concatenate3A_253 = tpu.concatenate %bitcast_convert_type3A_248, %bitcast_convert_type3A_252 in 1 : vector<400x128xf32>, vector<400x128xf32> -> vector<400x256xf32>
    %sub3A_254 = arith.subf %concatenate3A_253, %get3A_1 : vector<400x256xf32>
    %max3A_255 = arith.constant 0.000000e+00 : f32
    %max3A_256 = vector.broadcast %max3A_255 : f32 to vector<400x256xf32>
    %max3A_257 = arith.maximumf %sub3A_254, %max3A_256 : vector<400x256xf32>
    %convert_element_type3A_258 = arith.truncf %max3A_257 : vector<400x256xf32> to vector<400x256xbf16>
    %dot_general3A_259 = arith.constant dense<0.000000e+00> : vector<400x256xf32>
    %dot_general3A_260 = tpu.matmul %convert_element_type3A_258, %get3A_4, %dot_general3A_259 {dimension_numbers = #tpu.dot_dimension_numbers<[1], [0], [0], [1], [0, 0, 1, 1], [], []>, transpose_lhs_hint = false} : vector<400x256xbf16>, vector<256x256xbf16>, vector<400x256xf32> -> vector<400x256xf32>
    %max3A_261 = arith.maximumf %max3A_239, %dot_general3A_260 : vector<400x256xf32>
    %get3A_262 = arith.constant 12 : index
    %get3A_263 = arith.constant 0 : index
    %get3A_264 = arith.constant 0 : index
    %get3A_265 = vector.load %arg1[%get3A_262, %get3A_263, %get3A_264] : memref<16x400x128xi32, #tpu.memory_space<vmem>>, vector<1x400x128xi32>
    %get3A_266 = vector.shape_cast %get3A_265 : vector<1x400x128xi32> to vector<400x128xi32>
    %shift_left3A_267 = arith.constant 16 : i32
    %shift_left3A_268 = vector.broadcast %shift_left3A_267 : i32 to vector<400x128xi32>
    %shift_left3A_269 = arith.shli %get3A_266, %shift_left3A_268 : vector<400x128xi32>
    %bitcast_convert_type3A_270 = tpu.bitcast %shift_left3A_269 : vector<400x128xi32> -> vector<400x128xf32>
    %and3A_271 = arith.constant -65536 : i32
    %and3A_272 = vector.broadcast %and3A_271 : i32 to vector<400x128xi32>
    %and3A_273 = arith.andi %get3A_266, %and3A_272 : vector<400x128xi32>
    %bitcast_convert_type3A_274 = tpu.bitcast %and3A_273 : vector<400x128xi32> -> vector<400x128xf32>
    %concatenate3A_275 = tpu.concatenate %bitcast_convert_type3A_270, %bitcast_convert_type3A_274 in 1 : vector<400x128xf32>, vector<400x128xf32> -> vector<400x256xf32>
    %sub3A_276 = arith.subf %concatenate3A_275, %get3A_1 : vector<400x256xf32>
    %max3A_277 = arith.constant 0.000000e+00 : f32
    %max3A_278 = vector.broadcast %max3A_277 : f32 to vector<400x256xf32>
    %max3A_279 = arith.maximumf %sub3A_276, %max3A_278 : vector<400x256xf32>
    %convert_element_type3A_280 = arith.truncf %max3A_279 : vector<400x256xf32> to vector<400x256xbf16>
    %dot_general3A_281 = arith.constant dense<0.000000e+00> : vector<400x256xf32>
    %dot_general3A_282 = tpu.matmul %convert_element_type3A_280, %get3A_4, %dot_general3A_281 {dimension_numbers = #tpu.dot_dimension_numbers<[1], [0], [0], [1], [0, 0, 1, 1], [], []>, transpose_lhs_hint = false} : vector<400x256xbf16>, vector<256x256xbf16>, vector<400x256xf32> -> vector<400x256xf32>
    %max3A_283 = arith.maximumf %max3A_261, %dot_general3A_282 : vector<400x256xf32>
    %get3A_284 = arith.constant 13 : index
    %get3A_285 = arith.constant 0 : index
    %get3A_286 = arith.constant 0 : index
    %get3A_287 = vector.load %arg1[%get3A_284, %get3A_285, %get3A_286] : memref<16x400x128xi32, #tpu.memory_space<vmem>>, vector<1x400x128xi32>
    %get3A_288 = vector.shape_cast %get3A_287 : vector<1x400x128xi32> to vector<400x128xi32>
    %shift_left3A_289 = arith.constant 16 : i32
    %shift_left3A_290 = vector.broadcast %shift_left3A_289 : i32 to vector<400x128xi32>
    %shift_left3A_291 = arith.shli %get3A_288, %shift_left3A_290 : vector<400x128xi32>
    %bitcast_convert_type3A_292 = tpu.bitcast %shift_left3A_291 : vector<400x128xi32> -> vector<400x128xf32>
    %and3A_293 = arith.constant -65536 : i32
    %and3A_294 = vector.broadcast %and3A_293 : i32 to vector<400x128xi32>
    %and3A_295 = arith.andi %get3A_288, %and3A_294 : vector<400x128xi32>
    %bitcast_convert_type3A_296 = tpu.bitcast %and3A_295 : vector<400x128xi32> -> vector<400x128xf32>
    %concatenate3A_297 = tpu.concatenate %bitcast_convert_type3A_292, %bitcast_convert_type3A_296 in 1 : vector<400x128xf32>, vector<400x128xf32> -> vector<400x256xf32>
    %sub3A_298 = arith.subf %concatenate3A_297, %get3A_1 : vector<400x256xf32>
    %max3A_299 = arith.constant 0.000000e+00 : f32
    %max3A_300 = vector.broadcast %max3A_299 : f32 to vector<400x256xf32>
    %max3A_301 = arith.maximumf %sub3A_298, %max3A_300 : vector<400x256xf32>
    %convert_element_type3A_302 = arith.truncf %max3A_301 : vector<400x256xf32> to vector<400x256xbf16>
    %dot_general3A_303 = arith.constant dense<0.000000e+00> : vector<400x256xf32>
    %dot_general3A_304 = tpu.matmul %convert_element_type3A_302, %get3A_4, %dot_general3A_303 {dimension_numbers = #tpu.dot_dimension_numbers<[1], [0], [0], [1], [0, 0, 1, 1], [], []>, transpose_lhs_hint = false} : vector<400x256xbf16>, vector<256x256xbf16>, vector<400x256xf32> -> vector<400x256xf32>
    %max3A_305 = arith.maximumf %max3A_283, %dot_general3A_304 : vector<400x256xf32>
    %get3A_306 = arith.constant 14 : index
    %get3A_307 = arith.constant 0 : index
    %get3A_308 = arith.constant 0 : index
    %get3A_309 = vector.load %arg1[%get3A_306, %get3A_307, %get3A_308] : memref<16x400x128xi32, #tpu.memory_space<vmem>>, vector<1x400x128xi32>
    %get3A_310 = vector.shape_cast %get3A_309 : vector<1x400x128xi32> to vector<400x128xi32>
    %shift_left3A_311 = arith.constant 16 : i32
    %shift_left3A_312 = vector.broadcast %shift_left3A_311 : i32 to vector<400x128xi32>
    %shift_left3A_313 = arith.shli %get3A_310, %shift_left3A_312 : vector<400x128xi32>
    %bitcast_convert_type3A_314 = tpu.bitcast %shift_left3A_313 : vector<400x128xi32> -> vector<400x128xf32>
    %and3A_315 = arith.constant -65536 : i32
    %and3A_316 = vector.broadcast %and3A_315 : i32 to vector<400x128xi32>
    %and3A_317 = arith.andi %get3A_310, %and3A_316 : vector<400x128xi32>
    %bitcast_convert_type3A_318 = tpu.bitcast %and3A_317 : vector<400x128xi32> -> vector<400x128xf32>
    %concatenate3A_319 = tpu.concatenate %bitcast_convert_type3A_314, %bitcast_convert_type3A_318 in 1 : vector<400x128xf32>, vector<400x128xf32> -> vector<400x256xf32>
    %sub3A_320 = arith.subf %concatenate3A_319, %get3A_1 : vector<400x256xf32>
    %max3A_321 = arith.constant 0.000000e+00 : f32
    %max3A_322 = vector.broadcast %max3A_321 : f32 to vector<400x256xf32>
    %max3A_323 = arith.maximumf %sub3A_320, %max3A_322 : vector<400x256xf32>
    %convert_element_type3A_324 = arith.truncf %max3A_323 : vector<400x256xf32> to vector<400x256xbf16>
    %dot_general3A_325 = arith.constant dense<0.000000e+00> : vector<400x256xf32>
    %dot_general3A_326 = tpu.matmul %convert_element_type3A_324, %get3A_4, %dot_general3A_325 {dimension_numbers = #tpu.dot_dimension_numbers<[1], [0], [0], [1], [0, 0, 1, 1], [], []>, transpose_lhs_hint = false} : vector<400x256xbf16>, vector<256x256xbf16>, vector<400x256xf32> -> vector<400x256xf32>
    %max3A_327 = arith.maximumf %max3A_305, %dot_general3A_326 : vector<400x256xf32>
    %get3A_328 = arith.constant 15 : index
    %get3A_329 = arith.constant 0 : index
    %get3A_330 = arith.constant 0 : index
    %get3A_331 = vector.load %arg1[%get3A_328, %get3A_329, %get3A_330] : memref<16x400x128xi32, #tpu.memory_space<vmem>>, vector<1x400x128xi32>
    %get3A_332 = vector.shape_cast %get3A_331 : vector<1x400x128xi32> to vector<400x128xi32>
    %shift_left3A_333 = arith.constant 16 : i32
    %shift_left3A_334 = vector.broadcast %shift_left3A_333 : i32 to vector<400x128xi32>
    %shift_left3A_335 = arith.shli %get3A_332, %shift_left3A_334 : vector<400x128xi32>
    %bitcast_convert_type3A_336 = tpu.bitcast %shift_left3A_335 : vector<400x128xi32> -> vector<400x128xf32>
    %and3A_337 = arith.constant -65536 : i32
    %and3A_338 = vector.broadcast %and3A_337 : i32 to vector<400x128xi32>
    %and3A_339 = arith.andi %get3A_332, %and3A_338 : vector<400x128xi32>
    %bitcast_convert_type3A_340 = tpu.bitcast %and3A_339 : vector<400x128xi32> -> vector<400x128xf32>
    %concatenate3A_341 = tpu.concatenate %bitcast_convert_type3A_336, %bitcast_convert_type3A_340 in 1 : vector<400x128xf32>, vector<400x128xf32> -> vector<400x256xf32>
    %sub3A_342 = arith.subf %concatenate3A_341, %get3A_1 : vector<400x256xf32>
    %max3A_343 = arith.constant 0.000000e+00 : f32
    %max3A_344 = vector.broadcast %max3A_343 : f32 to vector<400x256xf32>
    %max3A_345 = arith.maximumf %sub3A_342, %max3A_344 : vector<400x256xf32>
    %convert_element_type3A_346 = arith.truncf %max3A_345 : vector<400x256xf32> to vector<400x256xbf16>
    %dot_general3A_347 = arith.constant dense<0.000000e+00> : vector<400x256xf32>
    %dot_general3A_348 = tpu.matmul %convert_element_type3A_346, %get3A_4, %dot_general3A_347 {dimension_numbers = #tpu.dot_dimension_numbers<[1], [0], [0], [1], [0, 0, 1, 1], [], []>, transpose_lhs_hint = false} : vector<400x256xbf16>, vector<256x256xbf16>, vector<400x256xf32> -> vector<400x256xf32>
    %max3A_349 = arith.maximumf %max3A_327, %dot_general3A_348 : vector<400x256xf32>
    %get3A_350 = arith.constant 0 : index
    %get3A_351 = arith.constant 0 : index
    %get3A_352 = vector.load %arg4[%get3A_350, %get3A_351] : memref<1x256xf32, #tpu.memory_space<vmem>>, vector<1x256xf32>
    %add3A = vector.broadcast %get3A_352 : vector<1x256xf32> to vector<400x256xf32>
    %add3A_353 = arith.addf %max3A_349, %add3A : vector<400x256xf32>
    %max3A_354 = arith.constant 0.000000e+00 : f32
    %max3A_355 = vector.broadcast %max3A_354 : f32 to vector<400x256xf32>
    %max3A_356 = arith.maximumf %add3A_353, %max3A_355 : vector<400x256xf32>
    %convert_element_type3A_357 = arith.truncf %max3A_356 : vector<400x256xf32> to vector<400x256xbf16>
    %get3A_358 = arith.constant 0 : index
    %get3A_359 = arith.constant 0 : index
    %get3A_360 = vector.load %arg5[%get3A_358, %get3A_359] : memref<256x256xbf16, #tpu.memory_space<vmem>>, vector<256x256xbf16>
    %dot_general3A_361 = arith.constant dense<0.000000e+00> : vector<400x256xf32>
    %dot_general3A_362 = tpu.matmul %convert_element_type3A_357, %get3A_360, %dot_general3A_361 {dimension_numbers = #tpu.dot_dimension_numbers<[1], [0], [0], [1], [0, 0, 1, 1], [], []>, transpose_lhs_hint = false} : vector<400x256xbf16>, vector<256x256xbf16>, vector<400x256xf32> -> vector<400x256xf32>
    %get3A_363 = arith.constant 0 : index
    %get3A_364 = arith.constant 0 : index
    %get3A_365 = vector.load %arg6[%get3A_363, %get3A_364] : memref<400x256xf32, #tpu.memory_space<vmem>>, vector<400x256xf32>
    %add3A_366 = arith.addf %dot_general3A_362, %get3A_365 : vector<400x256xf32>
    %slice3A = vector.extract_strided_slice %add3A_366 {offsets = [0, 0], sizes = [400, 128], strides = [1, 1]} : vector<400x256xf32> to vector<400x128xf32>
    %convert_element_type3A_367 = arith.truncf %slice3A : vector<400x128xf32> to vector<400x128xbf16>
    %convert_element_type3A_368 = arith.extf %convert_element_type3A_367 : vector<400x128xbf16> to vector<400x128xf32>
    %slice3A_369 = vector.extract_strided_slice %add3A_366 {offsets = [0, 128], sizes = [400, 128], strides = [1, 1]} : vector<400x256xf32> to vector<400x128xf32>
    %convert_element_type3A_370 = arith.truncf %slice3A_369 : vector<400x128xf32> to vector<400x128xbf16>
    %convert_element_type3A_371 = arith.extf %convert_element_type3A_370 : vector<400x128xbf16> to vector<400x128xf32>
    %bitcast_convert_type3A_372 = tpu.bitcast %convert_element_type3A_368 : vector<400x128xf32> -> vector<400x128xi32>
    %bitcast_convert_type3A_373 = tpu.bitcast %convert_element_type3A_371 : vector<400x128xf32> -> vector<400x128xi32>
    %shift_right_logical3A = arith.constant 16 : i32
    %shift_right_logical3A_374 = vector.broadcast %shift_right_logical3A : i32 to vector<400x128xi32>
    %shift_right_logical3A_375 = arith.shrui %bitcast_convert_type3A_372, %shift_right_logical3A_374 : vector<400x128xi32>
    %and3A_376 = arith.constant -65536 : i32
    %and3A_377 = vector.broadcast %and3A_376 : i32 to vector<400x128xi32>
    %and3A_378 = arith.andi %bitcast_convert_type3A_373, %and3A_377 : vector<400x128xi32>
    %or3A = arith.ori %shift_right_logical3A_375, %and3A_378 : vector<400x128xi32>
    %swap3A = arith.constant 0 : index
    %swap3A_379 = arith.constant 0 : index
    %swap3A_380 = vector.load %arg7[%swap3A, %swap3A_379] : memref<400x128xi32, #tpu.memory_space<vmem>>, vector<400x128xi32>
    tpu.vector_store %arg7[%swap3A, %swap3A_379], %or3A {strides = array<i32>} : memref<400x128xi32, #tpu.memory_space<vmem>>, vector<400x128xi32>,
    return
  }
  func.func @transform_0(%arg0: i32) -> (i32, i32, i32) {
    %c0_i32 = arith.constant 0 : i32
    %c0_i32_0 = arith.constant 0 : i32
    %c0_i32_1 = arith.constant 0 : i32
    return %c0_i32, %arg0, %c0_i32_0 : i32, i32, i32
  }
  func.func @transform_1(%arg0: i32) -> (i32, i32) {
    %c0_i32 = arith.constant 0 : i32
    %c0_i32_0 = arith.constant 0 : i32
    return %arg0, %c0_i32 : i32, i32
  }
  func.func @transform_2(%arg0: i32) -> (i32, i32) {
    %c0_i32 = arith.constant 0 : i32
    %c0_i32_0 = arith.constant 0 : i32
    %c0_i32_1 = arith.constant 0 : i32
    return %c0_i32, %c0_i32_0 : i32, i32
  }
  func.func @transform_3(%arg0: i32) -> (i32, i32) {
    %c0_i32 = arith.constant 0 : i32
    %c0_i32_0 = arith.constant 0 : i32
    %c0_i32_1 = arith.constant 0 : i32
    return %c0_i32, %c0_i32_0 : i32, i32
  }
  func.func @transform_4(%arg0: i32) -> (i32, i32) {
    %c0_i32 = arith.constant 0 : i32
    %c0_i32_0 = arith.constant 0 : i32
    %c0_i32_1 = arith.constant 0 : i32
    return %c0_i32, %c0_i32_0 : i32, i32
  }
  func.func @transform_5(%arg0: i32) -> (i32, i32) {
    %c0_i32 = arith.constant 0 : i32
    %c0_i32_0 = arith.constant 0 : i32
    return %arg0, %c0_i32 : i32, i32
  }
  func.func @transform_6(%arg0: i32) -> (i32, i32) {
    %c0_i32 = arith.constant 0 : i32
    %c0_i32_0 = arith.constant 0 : i32
    return %arg0, %c0_i32 : i32, i32
  }
}

module attributes {stable_mosaic.version = 14 : i64} {
  func.func @_conv_head_body(%arg0: i32, %arg1: memref<16x400x128xi32, #tpu.memory_space<vmem>>, %arg2: memref<400x256xf32, #tpu.memory_space<vmem>>, %arg3: memref<256x256xbf16, #tpu.memory_space<vmem>>, %arg4: memref<1x256xf32, #tpu.memory_space<vmem>>, %arg5: memref<256x128xf32, #tpu.memory_space<vmem>>, %arg6: memref<1x128xf32, #tpu.memory_space<vmem>>, %arg7: memref<128x128xf32, #tpu.memory_space<vmem>>, %arg8: memref<1x128xf32, #tpu.memory_space<vmem>>, %arg9: memref<128x1xf32, #tpu.memory_space<vmem>>, %arg10: memref<1x1xf32, #tpu.memory_space<vmem>>, %arg11: memref<400x1xf32, #tpu.memory_space<vmem>>) attributes {dimension_semantics = [#tpu.dimension_semantics<arbitrary>], iteration_bounds = array<i64: 25>, scalar_prefetch = 0 : i64, scratch_operands = 0 : i64, tpu.core_type = #tpu.core_type<tc>, window_params = [{transform_indices = @transform_0, window_bounds = array<i64: 16, 400, 128>}, {transform_indices = @transform_1, window_bounds = array<i64: 400, 256>}, {pipeline_mode = #tpu.pipeline_mode<synchronous>, transform_indices = @transform_2, window_bounds = array<i64: 256, 256>}, {pipeline_mode = #tpu.pipeline_mode<synchronous>, transform_indices = @transform_3, window_bounds = array<i64: 1, 256>}, {pipeline_mode = #tpu.pipeline_mode<synchronous>, transform_indices = @transform_4, window_bounds = array<i64: 256, 128>}, {pipeline_mode = #tpu.pipeline_mode<synchronous>, transform_indices = @transform_5, window_bounds = array<i64: 1, 128>}, {pipeline_mode = #tpu.pipeline_mode<synchronous>, transform_indices = @transform_6, window_bounds = array<i64: 128, 128>}, {pipeline_mode = #tpu.pipeline_mode<synchronous>, transform_indices = @transform_7, window_bounds = array<i64: 1, 128>}, {pipeline_mode = #tpu.pipeline_mode<synchronous>, transform_indices = @transform_8, window_bounds = array<i64: 128, 1>}, {pipeline_mode = #tpu.pipeline_mode<synchronous>, transform_indices = @transform_9, window_bounds = array<i64: 1, 1>}, {transform_indices = @transform_10, window_bounds = array<i64: 400, 1>}]} {
    %get3A = arith.constant 0 : index
    %get3A_0 = arith.constant 0 : index
    %get3A_1 = vector.load %arg2[%get3A, %get3A_0] : memref<400x256xf32, #tpu.memory_space<vmem>>, vector<400x256xf32>
    %get3A_2 = arith.constant 0 : index
    %get3A_3 = arith.constant 0 : index
    %get3A_4 = vector.load %arg3[%get3A_2, %get3A_3] : memref<256x256xbf16, #tpu.memory_space<vmem>>, vector<256x256xbf16>
    %broadcast_in_dim3A = arith.constant 0xFF800000 : f32
    %broadcast_in_dim3A_5 = vector.broadcast %broadcast_in_dim3A : f32 to vector<400x256xf32>
    %get3A_6 = arith.constant 0 : index
    %get3A_7 = arith.constant 0 : index
    %get3A_8 = arith.constant 0 : index
    %get3A_9 = vector.load %arg1[%get3A_6, %get3A_7, %get3A_8] : memref<16x400x128xi32, #tpu.memory_space<vmem>>, vector<1x400x128xi32>
    %get3A_10 = vector.shape_cast %get3A_9 : vector<1x400x128xi32> to vector<400x128xi32>
    %shift_left3A = arith.constant 16 : i32
    %shift_left3A_11 = vector.broadcast %shift_left3A : i32 to vector<400x128xi32>
    %shift_left3A_12 = arith.shli %get3A_10, %shift_left3A_11 : vector<400x128xi32>
    %bitcast_convert_type3A = tpu.bitcast %shift_left3A_12 : vector<400x128xi32> -> vector<400x128xf32>
    %and3A = arith.constant -65536 : i32
    %and3A_13 = vector.broadcast %and3A : i32 to vector<400x128xi32>
    %and3A_14 = arith.andi %get3A_10, %and3A_13 : vector<400x128xi32>
    %bitcast_convert_type3A_15 = tpu.bitcast %and3A_14 : vector<400x128xi32> -> vector<400x128xf32>
    %concatenate3A = tpu.concatenate %bitcast_convert_type3A, %bitcast_convert_type3A_15 in 1 : vector<400x128xf32>, vector<400x128xf32> -> vector<400x256xf32>
    %sub3A = arith.subf %concatenate3A, %get3A_1 : vector<400x256xf32>
    %max3A = arith.constant 0.000000e+00 : f32
    %max3A_16 = vector.broadcast %max3A : f32 to vector<400x256xf32>
    %max3A_17 = arith.maximumf %sub3A, %max3A_16 : vector<400x256xf32>
    %convert_element_type3A = arith.truncf %max3A_17 : vector<400x256xf32> to vector<400x256xbf16>
    %dot_general3A = arith.constant dense<0.000000e+00> : vector<400x256xf32>
    %dot_general3A_18 = tpu.matmul %convert_element_type3A, %get3A_4, %dot_general3A {dimension_numbers = #tpu.dot_dimension_numbers<[1], [0], [0], [1], [0, 0, 1, 1], [], []>, transpose_lhs_hint = false} : vector<400x256xbf16>, vector<256x256xbf16>, vector<400x256xf32> -> vector<400x256xf32>
    %max3A_19 = arith.maximumf %broadcast_in_dim3A_5, %dot_general3A_18 : vector<400x256xf32>
    %get3A_20 = arith.constant 1 : index
    %get3A_21 = arith.constant 0 : index
    %get3A_22 = arith.constant 0 : index
    %get3A_23 = vector.load %arg1[%get3A_20, %get3A_21, %get3A_22] : memref<16x400x128xi32, #tpu.memory_space<vmem>>, vector<1x400x128xi32>
    %get3A_24 = vector.shape_cast %get3A_23 : vector<1x400x128xi32> to vector<400x128xi32>
    %shift_left3A_25 = arith.constant 16 : i32
    %shift_left3A_26 = vector.broadcast %shift_left3A_25 : i32 to vector<400x128xi32>
    %shift_left3A_27 = arith.shli %get3A_24, %shift_left3A_26 : vector<400x128xi32>
    %bitcast_convert_type3A_28 = tpu.bitcast %shift_left3A_27 : vector<400x128xi32> -> vector<400x128xf32>
    %and3A_29 = arith.constant -65536 : i32
    %and3A_30 = vector.broadcast %and3A_29 : i32 to vector<400x128xi32>
    %and3A_31 = arith.andi %get3A_24, %and3A_30 : vector<400x128xi32>
    %bitcast_convert_type3A_32 = tpu.bitcast %and3A_31 : vector<400x128xi32> -> vector<400x128xf32>
    %concatenate3A_33 = tpu.concatenate %bitcast_convert_type3A_28, %bitcast_convert_type3A_32 in 1 : vector<400x128xf32>, vector<400x128xf32> -> vector<400x256xf32>
    %sub3A_34 = arith.subf %concatenate3A_33, %get3A_1 : vector<400x256xf32>
    %max3A_35 = arith.constant 0.000000e+00 : f32
    %max3A_36 = vector.broadcast %max3A_35 : f32 to vector<400x256xf32>
    %max3A_37 = arith.maximumf %sub3A_34, %max3A_36 : vector<400x256xf32>
    %convert_element_type3A_38 = arith.truncf %max3A_37 : vector<400x256xf32> to vector<400x256xbf16>
    %dot_general3A_39 = arith.constant dense<0.000000e+00> : vector<400x256xf32>
    %dot_general3A_40 = tpu.matmul %convert_element_type3A_38, %get3A_4, %dot_general3A_39 {dimension_numbers = #tpu.dot_dimension_numbers<[1], [0], [0], [1], [0, 0, 1, 1], [], []>, transpose_lhs_hint = false} : vector<400x256xbf16>, vector<256x256xbf16>, vector<400x256xf32> -> vector<400x256xf32>
    %max3A_41 = arith.maximumf %max3A_19, %dot_general3A_40 : vector<400x256xf32>
    %get3A_42 = arith.constant 2 : index
    %get3A_43 = arith.constant 0 : index
    %get3A_44 = arith.constant 0 : index
    %get3A_45 = vector.load %arg1[%get3A_42, %get3A_43, %get3A_44] : memref<16x400x128xi32, #tpu.memory_space<vmem>>, vector<1x400x128xi32>
    %get3A_46 = vector.shape_cast %get3A_45 : vector<1x400x128xi32> to vector<400x128xi32>
    %shift_left3A_47 = arith.constant 16 : i32
    %shift_left3A_48 = vector.broadcast %shift_left3A_47 : i32 to vector<400x128xi32>
    %shift_left3A_49 = arith.shli %get3A_46, %shift_left3A_48 : vector<400x128xi32>
    %bitcast_convert_type3A_50 = tpu.bitcast %shift_left3A_49 : vector<400x128xi32> -> vector<400x128xf32>
    %and3A_51 = arith.constant -65536 : i32
    %and3A_52 = vector.broadcast %and3A_51 : i32 to vector<400x128xi32>
    %and3A_53 = arith.andi %get3A_46, %and3A_52 : vector<400x128xi32>
    %bitcast_convert_type3A_54 = tpu.bitcast %and3A_53 : vector<400x128xi32> -> vector<400x128xf32>
    %concatenate3A_55 = tpu.concatenate %bitcast_convert_type3A_50, %bitcast_convert_type3A_54 in 1 : vector<400x128xf32>, vector<400x128xf32> -> vector<400x256xf32>
    %sub3A_56 = arith.subf %concatenate3A_55, %get3A_1 : vector<400x256xf32>
    %max3A_57 = arith.constant 0.000000e+00 : f32
    %max3A_58 = vector.broadcast %max3A_57 : f32 to vector<400x256xf32>
    %max3A_59 = arith.maximumf %sub3A_56, %max3A_58 : vector<400x256xf32>
    %convert_element_type3A_60 = arith.truncf %max3A_59 : vector<400x256xf32> to vector<400x256xbf16>
    %dot_general3A_61 = arith.constant dense<0.000000e+00> : vector<400x256xf32>
    %dot_general3A_62 = tpu.matmul %convert_element_type3A_60, %get3A_4, %dot_general3A_61 {dimension_numbers = #tpu.dot_dimension_numbers<[1], [0], [0], [1], [0, 0, 1, 1], [], []>, transpose_lhs_hint = false} : vector<400x256xbf16>, vector<256x256xbf16>, vector<400x256xf32> -> vector<400x256xf32>
    %max3A_63 = arith.maximumf %max3A_41, %dot_general3A_62 : vector<400x256xf32>
    %get3A_64 = arith.constant 3 : index
    %get3A_65 = arith.constant 0 : index
    %get3A_66 = arith.constant 0 : index
    %get3A_67 = vector.load %arg1[%get3A_64, %get3A_65, %get3A_66] : memref<16x400x128xi32, #tpu.memory_space<vmem>>, vector<1x400x128xi32>
    %get3A_68 = vector.shape_cast %get3A_67 : vector<1x400x128xi32> to vector<400x128xi32>
    %shift_left3A_69 = arith.constant 16 : i32
    %shift_left3A_70 = vector.broadcast %shift_left3A_69 : i32 to vector<400x128xi32>
    %shift_left3A_71 = arith.shli %get3A_68, %shift_left3A_70 : vector<400x128xi32>
    %bitcast_convert_type3A_72 = tpu.bitcast %shift_left3A_71 : vector<400x128xi32> -> vector<400x128xf32>
    %and3A_73 = arith.constant -65536 : i32
    %and3A_74 = vector.broadcast %and3A_73 : i32 to vector<400x128xi32>
    %and3A_75 = arith.andi %get3A_68, %and3A_74 : vector<400x128xi32>
    %bitcast_convert_type3A_76 = tpu.bitcast %and3A_75 : vector<400x128xi32> -> vector<400x128xf32>
    %concatenate3A_77 = tpu.concatenate %bitcast_convert_type3A_72, %bitcast_convert_type3A_76 in 1 : vector<400x128xf32>, vector<400x128xf32> -> vector<400x256xf32>
    %sub3A_78 = arith.subf %concatenate3A_77, %get3A_1 : vector<400x256xf32>
    %max3A_79 = arith.constant 0.000000e+00 : f32
    %max3A_80 = vector.broadcast %max3A_79 : f32 to vector<400x256xf32>
    %max3A_81 = arith.maximumf %sub3A_78, %max3A_80 : vector<400x256xf32>
    %convert_element_type3A_82 = arith.truncf %max3A_81 : vector<400x256xf32> to vector<400x256xbf16>
    %dot_general3A_83 = arith.constant dense<0.000000e+00> : vector<400x256xf32>
    %dot_general3A_84 = tpu.matmul %convert_element_type3A_82, %get3A_4, %dot_general3A_83 {dimension_numbers = #tpu.dot_dimension_numbers<[1], [0], [0], [1], [0, 0, 1, 1], [], []>, transpose_lhs_hint = false} : vector<400x256xbf16>, vector<256x256xbf16>, vector<400x256xf32> -> vector<400x256xf32>
    %max3A_85 = arith.maximumf %max3A_63, %dot_general3A_84 : vector<400x256xf32>
    %get3A_86 = arith.constant 4 : index
    %get3A_87 = arith.constant 0 : index
    %get3A_88 = arith.constant 0 : index
    %get3A_89 = vector.load %arg1[%get3A_86, %get3A_87, %get3A_88] : memref<16x400x128xi32, #tpu.memory_space<vmem>>, vector<1x400x128xi32>
    %get3A_90 = vector.shape_cast %get3A_89 : vector<1x400x128xi32> to vector<400x128xi32>
    %shift_left3A_91 = arith.constant 16 : i32
    %shift_left3A_92 = vector.broadcast %shift_left3A_91 : i32 to vector<400x128xi32>
    %shift_left3A_93 = arith.shli %get3A_90, %shift_left3A_92 : vector<400x128xi32>
    %bitcast_convert_type3A_94 = tpu.bitcast %shift_left3A_93 : vector<400x128xi32> -> vector<400x128xf32>
    %and3A_95 = arith.constant -65536 : i32
    %and3A_96 = vector.broadcast %and3A_95 : i32 to vector<400x128xi32>
    %and3A_97 = arith.andi %get3A_90, %and3A_96 : vector<400x128xi32>
    %bitcast_convert_type3A_98 = tpu.bitcast %and3A_97 : vector<400x128xi32> -> vector<400x128xf32>
    %concatenate3A_99 = tpu.concatenate %bitcast_convert_type3A_94, %bitcast_convert_type3A_98 in 1 : vector<400x128xf32>, vector<400x128xf32> -> vector<400x256xf32>
    %sub3A_100 = arith.subf %concatenate3A_99, %get3A_1 : vector<400x256xf32>
    %max3A_101 = arith.constant 0.000000e+00 : f32
    %max3A_102 = vector.broadcast %max3A_101 : f32 to vector<400x256xf32>
    %max3A_103 = arith.maximumf %sub3A_100, %max3A_102 : vector<400x256xf32>
    %convert_element_type3A_104 = arith.truncf %max3A_103 : vector<400x256xf32> to vector<400x256xbf16>
    %dot_general3A_105 = arith.constant dense<0.000000e+00> : vector<400x256xf32>
    %dot_general3A_106 = tpu.matmul %convert_element_type3A_104, %get3A_4, %dot_general3A_105 {dimension_numbers = #tpu.dot_dimension_numbers<[1], [0], [0], [1], [0, 0, 1, 1], [], []>, transpose_lhs_hint = false} : vector<400x256xbf16>, vector<256x256xbf16>, vector<400x256xf32> -> vector<400x256xf32>
    %max3A_107 = arith.maximumf %max3A_85, %dot_general3A_106 : vector<400x256xf32>
    %get3A_108 = arith.constant 5 : index
    %get3A_109 = arith.constant 0 : index
    %get3A_110 = arith.constant 0 : index
    %get3A_111 = vector.load %arg1[%get3A_108, %get3A_109, %get3A_110] : memref<16x400x128xi32, #tpu.memory_space<vmem>>, vector<1x400x128xi32>
    %get3A_112 = vector.shape_cast %get3A_111 : vector<1x400x128xi32> to vector<400x128xi32>
    %shift_left3A_113 = arith.constant 16 : i32
    %shift_left3A_114 = vector.broadcast %shift_left3A_113 : i32 to vector<400x128xi32>
    %shift_left3A_115 = arith.shli %get3A_112, %shift_left3A_114 : vector<400x128xi32>
    %bitcast_convert_type3A_116 = tpu.bitcast %shift_left3A_115 : vector<400x128xi32> -> vector<400x128xf32>
    %and3A_117 = arith.constant -65536 : i32
    %and3A_118 = vector.broadcast %and3A_117 : i32 to vector<400x128xi32>
    %and3A_119 = arith.andi %get3A_112, %and3A_118 : vector<400x128xi32>
    %bitcast_convert_type3A_120 = tpu.bitcast %and3A_119 : vector<400x128xi32> -> vector<400x128xf32>
    %concatenate3A_121 = tpu.concatenate %bitcast_convert_type3A_116, %bitcast_convert_type3A_120 in 1 : vector<400x128xf32>, vector<400x128xf32> -> vector<400x256xf32>
    %sub3A_122 = arith.subf %concatenate3A_121, %get3A_1 : vector<400x256xf32>
    %max3A_123 = arith.constant 0.000000e+00 : f32
    %max3A_124 = vector.broadcast %max3A_123 : f32 to vector<400x256xf32>
    %max3A_125 = arith.maximumf %sub3A_122, %max3A_124 : vector<400x256xf32>
    %convert_element_type3A_126 = arith.truncf %max3A_125 : vector<400x256xf32> to vector<400x256xbf16>
    %dot_general3A_127 = arith.constant dense<0.000000e+00> : vector<400x256xf32>
    %dot_general3A_128 = tpu.matmul %convert_element_type3A_126, %get3A_4, %dot_general3A_127 {dimension_numbers = #tpu.dot_dimension_numbers<[1], [0], [0], [1], [0, 0, 1, 1], [], []>, transpose_lhs_hint = false} : vector<400x256xbf16>, vector<256x256xbf16>, vector<400x256xf32> -> vector<400x256xf32>
    %max3A_129 = arith.maximumf %max3A_107, %dot_general3A_128 : vector<400x256xf32>
    %get3A_130 = arith.constant 6 : index
    %get3A_131 = arith.constant 0 : index
    %get3A_132 = arith.constant 0 : index
    %get3A_133 = vector.load %arg1[%get3A_130, %get3A_131, %get3A_132] : memref<16x400x128xi32, #tpu.memory_space<vmem>>, vector<1x400x128xi32>
    %get3A_134 = vector.shape_cast %get3A_133 : vector<1x400x128xi32> to vector<400x128xi32>
    %shift_left3A_135 = arith.constant 16 : i32
    %shift_left3A_136 = vector.broadcast %shift_left3A_135 : i32 to vector<400x128xi32>
    %shift_left3A_137 = arith.shli %get3A_134, %shift_left3A_136 : vector<400x128xi32>
    %bitcast_convert_type3A_138 = tpu.bitcast %shift_left3A_137 : vector<400x128xi32> -> vector<400x128xf32>
    %and3A_139 = arith.constant -65536 : i32
    %and3A_140 = vector.broadcast %and3A_139 : i32 to vector<400x128xi32>
    %and3A_141 = arith.andi %get3A_134, %and3A_140 : vector<400x128xi32>
    %bitcast_convert_type3A_142 = tpu.bitcast %and3A_141 : vector<400x128xi32> -> vector<400x128xf32>
    %concatenate3A_143 = tpu.concatenate %bitcast_convert_type3A_138, %bitcast_convert_type3A_142 in 1 : vector<400x128xf32>, vector<400x128xf32> -> vector<400x256xf32>
    %sub3A_144 = arith.subf %concatenate3A_143, %get3A_1 : vector<400x256xf32>
    %max3A_145 = arith.constant 0.000000e+00 : f32
    %max3A_146 = vector.broadcast %max3A_145 : f32 to vector<400x256xf32>
    %max3A_147 = arith.maximumf %sub3A_144, %max3A_146 : vector<400x256xf32>
    %convert_element_type3A_148 = arith.truncf %max3A_147 : vector<400x256xf32> to vector<400x256xbf16>
    %dot_general3A_149 = arith.constant dense<0.000000e+00> : vector<400x256xf32>
    %dot_general3A_150 = tpu.matmul %convert_element_type3A_148, %get3A_4, %dot_general3A_149 {dimension_numbers = #tpu.dot_dimension_numbers<[1], [0], [0], [1], [0, 0, 1, 1], [], []>, transpose_lhs_hint = false} : vector<400x256xbf16>, vector<256x256xbf16>, vector<400x256xf32> -> vector<400x256xf32>
    %max3A_151 = arith.maximumf %max3A_129, %dot_general3A_150 : vector<400x256xf32>
    %get3A_152 = arith.constant 7 : index
    %get3A_153 = arith.constant 0 : index
    %get3A_154 = arith.constant 0 : index
    %get3A_155 = vector.load %arg1[%get3A_152, %get3A_153, %get3A_154] : memref<16x400x128xi32, #tpu.memory_space<vmem>>, vector<1x400x128xi32>
    %get3A_156 = vector.shape_cast %get3A_155 : vector<1x400x128xi32> to vector<400x128xi32>
    %shift_left3A_157 = arith.constant 16 : i32
    %shift_left3A_158 = vector.broadcast %shift_left3A_157 : i32 to vector<400x128xi32>
    %shift_left3A_159 = arith.shli %get3A_156, %shift_left3A_158 : vector<400x128xi32>
    %bitcast_convert_type3A_160 = tpu.bitcast %shift_left3A_159 : vector<400x128xi32> -> vector<400x128xf32>
    %and3A_161 = arith.constant -65536 : i32
    %and3A_162 = vector.broadcast %and3A_161 : i32 to vector<400x128xi32>
    %and3A_163 = arith.andi %get3A_156, %and3A_162 : vector<400x128xi32>
    %bitcast_convert_type3A_164 = tpu.bitcast %and3A_163 : vector<400x128xi32> -> vector<400x128xf32>
    %concatenate3A_165 = tpu.concatenate %bitcast_convert_type3A_160, %bitcast_convert_type3A_164 in 1 : vector<400x128xf32>, vector<400x128xf32> -> vector<400x256xf32>
    %sub3A_166 = arith.subf %concatenate3A_165, %get3A_1 : vector<400x256xf32>
    %max3A_167 = arith.constant 0.000000e+00 : f32
    %max3A_168 = vector.broadcast %max3A_167 : f32 to vector<400x256xf32>
    %max3A_169 = arith.maximumf %sub3A_166, %max3A_168 : vector<400x256xf32>
    %convert_element_type3A_170 = arith.truncf %max3A_169 : vector<400x256xf32> to vector<400x256xbf16>
    %dot_general3A_171 = arith.constant dense<0.000000e+00> : vector<400x256xf32>
    %dot_general3A_172 = tpu.matmul %convert_element_type3A_170, %get3A_4, %dot_general3A_171 {dimension_numbers = #tpu.dot_dimension_numbers<[1], [0], [0], [1], [0, 0, 1, 1], [], []>, transpose_lhs_hint = false} : vector<400x256xbf16>, vector<256x256xbf16>, vector<400x256xf32> -> vector<400x256xf32>
    %max3A_173 = arith.maximumf %max3A_151, %dot_general3A_172 : vector<400x256xf32>
    %get3A_174 = arith.constant 8 : index
    %get3A_175 = arith.constant 0 : index
    %get3A_176 = arith.constant 0 : index
    %get3A_177 = vector.load %arg1[%get3A_174, %get3A_175, %get3A_176] : memref<16x400x128xi32, #tpu.memory_space<vmem>>, vector<1x400x128xi32>
    %get3A_178 = vector.shape_cast %get3A_177 : vector<1x400x128xi32> to vector<400x128xi32>
    %shift_left3A_179 = arith.constant 16 : i32
    %shift_left3A_180 = vector.broadcast %shift_left3A_179 : i32 to vector<400x128xi32>
    %shift_left3A_181 = arith.shli %get3A_178, %shift_left3A_180 : vector<400x128xi32>
    %bitcast_convert_type3A_182 = tpu.bitcast %shift_left3A_181 : vector<400x128xi32> -> vector<400x128xf32>
    %and3A_183 = arith.constant -65536 : i32
    %and3A_184 = vector.broadcast %and3A_183 : i32 to vector<400x128xi32>
    %and3A_185 = arith.andi %get3A_178, %and3A_184 : vector<400x128xi32>
    %bitcast_convert_type3A_186 = tpu.bitcast %and3A_185 : vector<400x128xi32> -> vector<400x128xf32>
    %concatenate3A_187 = tpu.concatenate %bitcast_convert_type3A_182, %bitcast_convert_type3A_186 in 1 : vector<400x128xf32>, vector<400x128xf32> -> vector<400x256xf32>
    %sub3A_188 = arith.subf %concatenate3A_187, %get3A_1 : vector<400x256xf32>
    %max3A_189 = arith.constant 0.000000e+00 : f32
    %max3A_190 = vector.broadcast %max3A_189 : f32 to vector<400x256xf32>
    %max3A_191 = arith.maximumf %sub3A_188, %max3A_190 : vector<400x256xf32>
    %convert_element_type3A_192 = arith.truncf %max3A_191 : vector<400x256xf32> to vector<400x256xbf16>
    %dot_general3A_193 = arith.constant dense<0.000000e+00> : vector<400x256xf32>
    %dot_general3A_194 = tpu.matmul %convert_element_type3A_192, %get3A_4, %dot_general3A_193 {dimension_numbers = #tpu.dot_dimension_numbers<[1], [0], [0], [1], [0, 0, 1, 1], [], []>, transpose_lhs_hint = false} : vector<400x256xbf16>, vector<256x256xbf16>, vector<400x256xf32> -> vector<400x256xf32>
    %max3A_195 = arith.maximumf %max3A_173, %dot_general3A_194 : vector<400x256xf32>
    %get3A_196 = arith.constant 9 : index
    %get3A_197 = arith.constant 0 : index
    %get3A_198 = arith.constant 0 : index
    %get3A_199 = vector.load %arg1[%get3A_196, %get3A_197, %get3A_198] : memref<16x400x128xi32, #tpu.memory_space<vmem>>, vector<1x400x128xi32>
    %get3A_200 = vector.shape_cast %get3A_199 : vector<1x400x128xi32> to vector<400x128xi32>
    %shift_left3A_201 = arith.constant 16 : i32
    %shift_left3A_202 = vector.broadcast %shift_left3A_201 : i32 to vector<400x128xi32>
    %shift_left3A_203 = arith.shli %get3A_200, %shift_left3A_202 : vector<400x128xi32>
    %bitcast_convert_type3A_204 = tpu.bitcast %shift_left3A_203 : vector<400x128xi32> -> vector<400x128xf32>
    %and3A_205 = arith.constant -65536 : i32
    %and3A_206 = vector.broadcast %and3A_205 : i32 to vector<400x128xi32>
    %and3A_207 = arith.andi %get3A_200, %and3A_206 : vector<400x128xi32>
    %bitcast_convert_type3A_208 = tpu.bitcast %and3A_207 : vector<400x128xi32> -> vector<400x128xf32>
    %concatenate3A_209 = tpu.concatenate %bitcast_convert_type3A_204, %bitcast_convert_type3A_208 in 1 : vector<400x128xf32>, vector<400x128xf32> -> vector<400x256xf32>
    %sub3A_210 = arith.subf %concatenate3A_209, %get3A_1 : vector<400x256xf32>
    %max3A_211 = arith.constant 0.000000e+00 : f32
    %max3A_212 = vector.broadcast %max3A_211 : f32 to vector<400x256xf32>
    %max3A_213 = arith.maximumf %sub3A_210, %max3A_212 : vector<400x256xf32>
    %convert_element_type3A_214 = arith.truncf %max3A_213 : vector<400x256xf32> to vector<400x256xbf16>
    %dot_general3A_215 = arith.constant dense<0.000000e+00> : vector<400x256xf32>
    %dot_general3A_216 = tpu.matmul %convert_element_type3A_214, %get3A_4, %dot_general3A_215 {dimension_numbers = #tpu.dot_dimension_numbers<[1], [0], [0], [1], [0, 0, 1, 1], [], []>, transpose_lhs_hint = false} : vector<400x256xbf16>, vector<256x256xbf16>, vector<400x256xf32> -> vector<400x256xf32>
    %max3A_217 = arith.maximumf %max3A_195, %dot_general3A_216 : vector<400x256xf32>
    %get3A_218 = arith.constant 10 : index
    %get3A_219 = arith.constant 0 : index
    %get3A_220 = arith.constant 0 : index
    %get3A_221 = vector.load %arg1[%get3A_218, %get3A_219, %get3A_220] : memref<16x400x128xi32, #tpu.memory_space<vmem>>, vector<1x400x128xi32>
    %get3A_222 = vector.shape_cast %get3A_221 : vector<1x400x128xi32> to vector<400x128xi32>
    %shift_left3A_223 = arith.constant 16 : i32
    %shift_left3A_224 = vector.broadcast %shift_left3A_223 : i32 to vector<400x128xi32>
    %shift_left3A_225 = arith.shli %get3A_222, %shift_left3A_224 : vector<400x128xi32>
    %bitcast_convert_type3A_226 = tpu.bitcast %shift_left3A_225 : vector<400x128xi32> -> vector<400x128xf32>
    %and3A_227 = arith.constant -65536 : i32
    %and3A_228 = vector.broadcast %and3A_227 : i32 to vector<400x128xi32>
    %and3A_229 = arith.andi %get3A_222, %and3A_228 : vector<400x128xi32>
    %bitcast_convert_type3A_230 = tpu.bitcast %and3A_229 : vector<400x128xi32> -> vector<400x128xf32>
    %concatenate3A_231 = tpu.concatenate %bitcast_convert_type3A_226, %bitcast_convert_type3A_230 in 1 : vector<400x128xf32>, vector<400x128xf32> -> vector<400x256xf32>
    %sub3A_232 = arith.subf %concatenate3A_231, %get3A_1 : vector<400x256xf32>
    %max3A_233 = arith.constant 0.000000e+00 : f32
    %max3A_234 = vector.broadcast %max3A_233 : f32 to vector<400x256xf32>
    %max3A_235 = arith.maximumf %sub3A_232, %max3A_234 : vector<400x256xf32>
    %convert_element_type3A_236 = arith.truncf %max3A_235 : vector<400x256xf32> to vector<400x256xbf16>
    %dot_general3A_237 = arith.constant dense<0.000000e+00> : vector<400x256xf32>
    %dot_general3A_238 = tpu.matmul %convert_element_type3A_236, %get3A_4, %dot_general3A_237 {dimension_numbers = #tpu.dot_dimension_numbers<[1], [0], [0], [1], [0, 0, 1, 1], [], []>, transpose_lhs_hint = false} : vector<400x256xbf16>, vector<256x256xbf16>, vector<400x256xf32> -> vector<400x256xf32>
    %max3A_239 = arith.maximumf %max3A_217, %dot_general3A_238 : vector<400x256xf32>
    %get3A_240 = arith.constant 11 : index
    %get3A_241 = arith.constant 0 : index
    %get3A_242 = arith.constant 0 : index
    %get3A_243 = vector.load %arg1[%get3A_240, %get3A_241, %get3A_242] : memref<16x400x128xi32, #tpu.memory_space<vmem>>, vector<1x400x128xi32>
    %get3A_244 = vector.shape_cast %get3A_243 : vector<1x400x128xi32> to vector<400x128xi32>
    %shift_left3A_245 = arith.constant 16 : i32
    %shift_left3A_246 = vector.broadcast %shift_left3A_245 : i32 to vector<400x128xi32>
    %shift_left3A_247 = arith.shli %get3A_244, %shift_left3A_246 : vector<400x128xi32>
    %bitcast_convert_type3A_248 = tpu.bitcast %shift_left3A_247 : vector<400x128xi32> -> vector<400x128xf32>
    %and3A_249 = arith.constant -65536 : i32
    %and3A_250 = vector.broadcast %and3A_249 : i32 to vector<400x128xi32>
    %and3A_251 = arith.andi %get3A_244, %and3A_250 : vector<400x128xi32>
    %bitcast_convert_type3A_252 = tpu.bitcast %and3A_251 : vector<400x128xi32> -> vector<400x128xf32>
    %concatenate3A_253 = tpu.concatenate %bitcast_convert_type3A_248, %bitcast_convert_type3A_252 in 1 : vector<400x128xf32>, vector<400x128xf32> -> vector<400x256xf32>
    %sub3A_254 = arith.subf %concatenate3A_253, %get3A_1 : vector<400x256xf32>
    %max3A_255 = arith.constant 0.000000e+00 : f32
    %max3A_256 = vector.broadcast %max3A_255 : f32 to vector<400x256xf32>
    %max3A_257 = arith.maximumf %sub3A_254, %max3A_256 : vector<400x256xf32>
    %convert_element_type3A_258 = arith.truncf %max3A_257 : vector<400x256xf32> to vector<400x256xbf16>
    %dot_general3A_259 = arith.constant dense<0.000000e+00> : vector<400x256xf32>
    %dot_general3A_260 = tpu.matmul %convert_element_type3A_258, %get3A_4, %dot_general3A_259 {dimension_numbers = #tpu.dot_dimension_numbers<[1], [0], [0], [1], [0, 0, 1, 1], [], []>, transpose_lhs_hint = false} : vector<400x256xbf16>, vector<256x256xbf16>, vector<400x256xf32> -> vector<400x256xf32>
    %max3A_261 = arith.maximumf %max3A_239, %dot_general3A_260 : vector<400x256xf32>
    %get3A_262 = arith.constant 12 : index
    %get3A_263 = arith.constant 0 : index
    %get3A_264 = arith.constant 0 : index
    %get3A_265 = vector.load %arg1[%get3A_262, %get3A_263, %get3A_264] : memref<16x400x128xi32, #tpu.memory_space<vmem>>, vector<1x400x128xi32>
    %get3A_266 = vector.shape_cast %get3A_265 : vector<1x400x128xi32> to vector<400x128xi32>
    %shift_left3A_267 = arith.constant 16 : i32
    %shift_left3A_268 = vector.broadcast %shift_left3A_267 : i32 to vector<400x128xi32>
    %shift_left3A_269 = arith.shli %get3A_266, %shift_left3A_268 : vector<400x128xi32>
    %bitcast_convert_type3A_270 = tpu.bitcast %shift_left3A_269 : vector<400x128xi32> -> vector<400x128xf32>
    %and3A_271 = arith.constant -65536 : i32
    %and3A_272 = vector.broadcast %and3A_271 : i32 to vector<400x128xi32>
    %and3A_273 = arith.andi %get3A_266, %and3A_272 : vector<400x128xi32>
    %bitcast_convert_type3A_274 = tpu.bitcast %and3A_273 : vector<400x128xi32> -> vector<400x128xf32>
    %concatenate3A_275 = tpu.concatenate %bitcast_convert_type3A_270, %bitcast_convert_type3A_274 in 1 : vector<400x128xf32>, vector<400x128xf32> -> vector<400x256xf32>
    %sub3A_276 = arith.subf %concatenate3A_275, %get3A_1 : vector<400x256xf32>
    %max3A_277 = arith.constant 0.000000e+00 : f32
    %max3A_278 = vector.broadcast %max3A_277 : f32 to vector<400x256xf32>
    %max3A_279 = arith.maximumf %sub3A_276, %max3A_278 : vector<400x256xf32>
    %convert_element_type3A_280 = arith.truncf %max3A_279 : vector<400x256xf32> to vector<400x256xbf16>
    %dot_general3A_281 = arith.constant dense<0.000000e+00> : vector<400x256xf32>
    %dot_general3A_282 = tpu.matmul %convert_element_type3A_280, %get3A_4, %dot_general3A_281 {dimension_numbers = #tpu.dot_dimension_numbers<[1], [0], [0], [1], [0, 0, 1, 1], [], []>, transpose_lhs_hint = false} : vector<400x256xbf16>, vector<256x256xbf16>, vector<400x256xf32> -> vector<400x256xf32>
    %max3A_283 = arith.maximumf %max3A_261, %dot_general3A_282 : vector<400x256xf32>
    %get3A_284 = arith.constant 13 : index
    %get3A_285 = arith.constant 0 : index
    %get3A_286 = arith.constant 0 : index
    %get3A_287 = vector.load %arg1[%get3A_284, %get3A_285, %get3A_286] : memref<16x400x128xi32, #tpu.memory_space<vmem>>, vector<1x400x128xi32>
    %get3A_288 = vector.shape_cast %get3A_287 : vector<1x400x128xi32> to vector<400x128xi32>
    %shift_left3A_289 = arith.constant 16 : i32
    %shift_left3A_290 = vector.broadcast %shift_left3A_289 : i32 to vector<400x128xi32>
    %shift_left3A_291 = arith.shli %get3A_288, %shift_left3A_290 : vector<400x128xi32>
    %bitcast_convert_type3A_292 = tpu.bitcast %shift_left3A_291 : vector<400x128xi32> -> vector<400x128xf32>
    %and3A_293 = arith.constant -65536 : i32
    %and3A_294 = vector.broadcast %and3A_293 : i32 to vector<400x128xi32>
    %and3A_295 = arith.andi %get3A_288, %and3A_294 : vector<400x128xi32>
    %bitcast_convert_type3A_296 = tpu.bitcast %and3A_295 : vector<400x128xi32> -> vector<400x128xf32>
    %concatenate3A_297 = tpu.concatenate %bitcast_convert_type3A_292, %bitcast_convert_type3A_296 in 1 : vector<400x128xf32>, vector<400x128xf32> -> vector<400x256xf32>
    %sub3A_298 = arith.subf %concatenate3A_297, %get3A_1 : vector<400x256xf32>
    %max3A_299 = arith.constant 0.000000e+00 : f32
    %max3A_300 = vector.broadcast %max3A_299 : f32 to vector<400x256xf32>
    %max3A_301 = arith.maximumf %sub3A_298, %max3A_300 : vector<400x256xf32>
    %convert_element_type3A_302 = arith.truncf %max3A_301 : vector<400x256xf32> to vector<400x256xbf16>
    %dot_general3A_303 = arith.constant dense<0.000000e+00> : vector<400x256xf32>
    %dot_general3A_304 = tpu.matmul %convert_element_type3A_302, %get3A_4, %dot_general3A_303 {dimension_numbers = #tpu.dot_dimension_numbers<[1], [0], [0], [1], [0, 0, 1, 1], [], []>, transpose_lhs_hint = false} : vector<400x256xbf16>, vector<256x256xbf16>, vector<400x256xf32> -> vector<400x256xf32>
    %max3A_305 = arith.maximumf %max3A_283, %dot_general3A_304 : vector<400x256xf32>
    %get3A_306 = arith.constant 14 : index
    %get3A_307 = arith.constant 0 : index
    %get3A_308 = arith.constant 0 : index
    %get3A_309 = vector.load %arg1[%get3A_306, %get3A_307, %get3A_308] : memref<16x400x128xi32, #tpu.memory_space<vmem>>, vector<1x400x128xi32>
    %get3A_310 = vector.shape_cast %get3A_309 : vector<1x400x128xi32> to vector<400x128xi32>
    %shift_left3A_311 = arith.constant 16 : i32
    %shift_left3A_312 = vector.broadcast %shift_left3A_311 : i32 to vector<400x128xi32>
    %shift_left3A_313 = arith.shli %get3A_310, %shift_left3A_312 : vector<400x128xi32>
    %bitcast_convert_type3A_314 = tpu.bitcast %shift_left3A_313 : vector<400x128xi32> -> vector<400x128xf32>
    %and3A_315 = arith.constant -65536 : i32
    %and3A_316 = vector.broadcast %and3A_315 : i32 to vector<400x128xi32>
    %and3A_317 = arith.andi %get3A_310, %and3A_316 : vector<400x128xi32>
    %bitcast_convert_type3A_318 = tpu.bitcast %and3A_317 : vector<400x128xi32> -> vector<400x128xf32>
    %concatenate3A_319 = tpu.concatenate %bitcast_convert_type3A_314, %bitcast_convert_type3A_318 in 1 : vector<400x128xf32>, vector<400x128xf32> -> vector<400x256xf32>
    %sub3A_320 = arith.subf %concatenate3A_319, %get3A_1 : vector<400x256xf32>
    %max3A_321 = arith.constant 0.000000e+00 : f32
    %max3A_322 = vector.broadcast %max3A_321 : f32 to vector<400x256xf32>
    %max3A_323 = arith.maximumf %sub3A_320, %max3A_322 : vector<400x256xf32>
    %convert_element_type3A_324 = arith.truncf %max3A_323 : vector<400x256xf32> to vector<400x256xbf16>
    %dot_general3A_325 = arith.constant dense<0.000000e+00> : vector<400x256xf32>
    %dot_general3A_326 = tpu.matmul %convert_element_type3A_324, %get3A_4, %dot_general3A_325 {dimension_numbers = #tpu.dot_dimension_numbers<[1], [0], [0], [1], [0, 0, 1, 1], [], []>, transpose_lhs_hint = false} : vector<400x256xbf16>, vector<256x256xbf16>, vector<400x256xf32> -> vector<400x256xf32>
    %max3A_327 = arith.maximumf %max3A_305, %dot_general3A_326 : vector<400x256xf32>
    %get3A_328 = arith.constant 15 : index
    %get3A_329 = arith.constant 0 : index
    %get3A_330 = arith.constant 0 : index
    %get3A_331 = vector.load %arg1[%get3A_328, %get3A_329, %get3A_330] : memref<16x400x128xi32, #tpu.memory_space<vmem>>, vector<1x400x128xi32>
    %get3A_332 = vector.shape_cast %get3A_331 : vector<1x400x128xi32> to vector<400x128xi32>
    %shift_left3A_333 = arith.constant 16 : i32
    %shift_left3A_334 = vector.broadcast %shift_left3A_333 : i32 to vector<400x128xi32>
    %shift_left3A_335 = arith.shli %get3A_332, %shift_left3A_334 : vector<400x128xi32>
    %bitcast_convert_type3A_336 = tpu.bitcast %shift_left3A_335 : vector<400x128xi32> -> vector<400x128xf32>
    %and3A_337 = arith.constant -65536 : i32
    %and3A_338 = vector.broadcast %and3A_337 : i32 to vector<400x128xi32>
    %and3A_339 = arith.andi %get3A_332, %and3A_338 : vector<400x128xi32>
    %bitcast_convert_type3A_340 = tpu.bitcast %and3A_339 : vector<400x128xi32> -> vector<400x128xf32>
    %concatenate3A_341 = tpu.concatenate %bitcast_convert_type3A_336, %bitcast_convert_type3A_340 in 1 : vector<400x128xf32>, vector<400x128xf32> -> vector<400x256xf32>
    %sub3A_342 = arith.subf %concatenate3A_341, %get3A_1 : vector<400x256xf32>
    %max3A_343 = arith.constant 0.000000e+00 : f32
    %max3A_344 = vector.broadcast %max3A_343 : f32 to vector<400x256xf32>
    %max3A_345 = arith.maximumf %sub3A_342, %max3A_344 : vector<400x256xf32>
    %convert_element_type3A_346 = arith.truncf %max3A_345 : vector<400x256xf32> to vector<400x256xbf16>
    %dot_general3A_347 = arith.constant dense<0.000000e+00> : vector<400x256xf32>
    %dot_general3A_348 = tpu.matmul %convert_element_type3A_346, %get3A_4, %dot_general3A_347 {dimension_numbers = #tpu.dot_dimension_numbers<[1], [0], [0], [1], [0, 0, 1, 1], [], []>, transpose_lhs_hint = false} : vector<400x256xbf16>, vector<256x256xbf16>, vector<400x256xf32> -> vector<400x256xf32>
    %max3A_349 = arith.maximumf %max3A_327, %dot_general3A_348 : vector<400x256xf32>
    %get3A_350 = arith.constant 0 : index
    %get3A_351 = arith.constant 0 : index
    %get3A_352 = vector.load %arg4[%get3A_350, %get3A_351] : memref<1x256xf32, #tpu.memory_space<vmem>>, vector<1x256xf32>
    %add3A = vector.broadcast %get3A_352 : vector<1x256xf32> to vector<400x256xf32>
    %add3A_353 = arith.addf %max3A_349, %add3A : vector<400x256xf32>
    %max3A_354 = arith.constant 0.000000e+00 : f32
    %max3A_355 = vector.broadcast %max3A_354 : f32 to vector<400x256xf32>
    %max3A_356 = arith.maximumf %add3A_353, %max3A_355 : vector<400x256xf32>
    %get3A_357 = arith.constant 0 : index
    %get3A_358 = arith.constant 0 : index
    %get3A_359 = vector.load %arg5[%get3A_357, %get3A_358] : memref<256x128xf32, #tpu.memory_space<vmem>>, vector<256x128xf32>
    %dot_general3A_360 = arith.constant dense<0.000000e+00> : vector<400x128xf32>
    %dot_general3A_361 = tpu.matmul %max3A_356, %get3A_359, %dot_general3A_360 {dimension_numbers = #tpu.dot_dimension_numbers<[1], [0], [0], [1], [0, 0, 1, 1], [], []>, transpose_lhs_hint = false} : vector<400x256xf32>, vector<256x128xf32>, vector<400x128xf32> -> vector<400x128xf32>
    %get3A_362 = arith.constant 0 : index
    %get3A_363 = arith.constant 0 : index
    %get3A_364 = vector.load %arg6[%get3A_362, %get3A_363] : memref<1x128xf32, #tpu.memory_space<vmem>>, vector<1x128xf32>
    %add3A_365 = vector.broadcast %get3A_364 : vector<1x128xf32> to vector<400x128xf32>
    %add3A_366 = arith.addf %dot_general3A_361, %add3A_365 : vector<400x128xf32>
    %max3A_367 = arith.constant 0.000000e+00 : f32
    %max3A_368 = vector.broadcast %max3A_367 : f32 to vector<400x128xf32>
    %max3A_369 = arith.maximumf %add3A_366, %max3A_368 : vector<400x128xf32>
    %get3A_370 = arith.constant 0 : index
    %get3A_371 = arith.constant 0 : index
    %get3A_372 = vector.load %arg7[%get3A_370, %get3A_371] : memref<128x128xf32, #tpu.memory_space<vmem>>, vector<128x128xf32>
    %dot_general3A_373 = arith.constant dense<0.000000e+00> : vector<400x128xf32>
    %dot_general3A_374 = tpu.matmul %max3A_369, %get3A_372, %dot_general3A_373 {dimension_numbers = #tpu.dot_dimension_numbers<[1], [0], [0], [1], [0, 0, 1, 1], [], []>, transpose_lhs_hint = false} : vector<400x128xf32>, vector<128x128xf32>, vector<400x128xf32> -> vector<400x128xf32>
    %get3A_375 = arith.constant 0 : index
    %get3A_376 = arith.constant 0 : index
    %get3A_377 = vector.load %arg8[%get3A_375, %get3A_376] : memref<1x128xf32, #tpu.memory_space<vmem>>, vector<1x128xf32>
    %add3A_378 = vector.broadcast %get3A_377 : vector<1x128xf32> to vector<400x128xf32>
    %add3A_379 = arith.addf %dot_general3A_374, %add3A_378 : vector<400x128xf32>
    %max3A_380 = arith.constant 0.000000e+00 : f32
    %max3A_381 = vector.broadcast %max3A_380 : f32 to vector<400x128xf32>
    %max3A_382 = arith.maximumf %add3A_379, %max3A_381 : vector<400x128xf32>
    %get3A_383 = arith.constant 0 : index
    %get3A_384 = arith.constant 0 : index
    %get3A_385 = vector.load %arg9[%get3A_383, %get3A_384] : memref<128x1xf32, #tpu.memory_space<vmem>>, vector<128x1xf32>
    %dot_general3A_386 = arith.constant dense<0.000000e+00> : vector<400x1xf32>
    %dot_general3A_387 = tpu.matmul %max3A_382, %get3A_385, %dot_general3A_386 {dimension_numbers = #tpu.dot_dimension_numbers<[1], [0], [0], [1], [0, 0, 1, 1], [], []>, transpose_lhs_hint = false} : vector<400x128xf32>, vector<128x1xf32>, vector<400x1xf32> -> vector<400x1xf32>
    %get3A_388 = arith.constant 0 : index
    %get3A_389 = arith.constant 0 : index
    %get3A_390 = vector.load %arg10[%get3A_388, %get3A_389] : memref<1x1xf32, #tpu.memory_space<vmem>>, vector<1x1xf32>
    %add3A_391 = vector.broadcast %get3A_390 : vector<1x1xf32> to vector<400x1xf32>
    %add3A_392 = arith.addf %dot_general3A_387, %add3A_391 : vector<400x1xf32>
    %neg3A = arith.constant 0.000000e+00 : f32
    %neg3A_393 = vector.broadcast %neg3A : f32 to vector<400x1xf32>
    %neg3A_394 = arith.subf %neg3A_393, %add3A_392 : vector<400x1xf32>
    %exp3A = math.exp %neg3A_394 : vector<400x1xf32>
    %add3A_395 = arith.constant 1.000000e+00 : f32
    %add3A_396 = vector.broadcast %add3A_395 : f32 to vector<400x1xf32>
    %add3A_397 = arith.addf %add3A_396, %exp3A : vector<400x1xf32>
    %div3A = arith.constant 1.000000e+00 : f32
    %div3A_398 = vector.broadcast %div3A : f32 to vector<400x1xf32>
    %div3A_399 = arith.divf %div3A_398, %add3A_397 : vector<400x1xf32>
    %swap3A = arith.constant 0 : index
    %swap3A_400 = arith.constant 0 : index
    %swap3A_401 = vector.load %arg11[%swap3A, %swap3A_400] : memref<400x1xf32, #tpu.memory_space<vmem>>, vector<400x1xf32>
    tpu.vector_store %arg11[%swap3A, %swap3A_400], %div3A_399 {strides = array<i32>} : memref<400x1xf32, #tpu.memory_space<vmem>>, vector<400x1xf32>,
    return
  }
  func.func @transform_0(%arg0: i32) -> (i32, i32, i32) {
    %c0_i32 = arith.constant 0 : i32
    %c0_i32_0 = arith.constant 0 : i32
    %c0_i32_1 = arith.constant 0 : i32
    return %c0_i32, %arg0, %c0_i32_0 : i32, i32, i32
  }
  func.func @transform_1(%arg0: i32) -> (i32, i32) {
    %c0_i32 = arith.constant 0 : i32
    %c0_i32_0 = arith.constant 0 : i32
    return %arg0, %c0_i32 : i32, i32
  }
  func.func @transform_2(%arg0: i32) -> (i32, i32) {
    %c0_i32 = arith.constant 0 : i32
    %c0_i32_0 = arith.constant 0 : i32
    %c0_i32_1 = arith.constant 0 : i32
    return %c0_i32, %c0_i32_0 : i32, i32
  }
  func.func @transform_3(%arg0: i32) -> (i32, i32) {
    %c0_i32 = arith.constant 0 : i32
    %c0_i32_0 = arith.constant 0 : i32
    %c0_i32_1 = arith.constant 0 : i32
    return %c0_i32, %c0_i32_0 : i32, i32
  }
  func.func @transform_4(%arg0: i32) -> (i32, i32) {
    %c0_i32 = arith.constant 0 : i32
    %c0_i32_0 = arith.constant 0 : i32
    %c0_i32_1 = arith.constant 0 : i32
    return %c0_i32, %c0_i32_0 : i32, i32
  }
  func.func @transform_5(%arg0: i32) -> (i32, i32) {
    %c0_i32 = arith.constant 0 : i32
    %c0_i32_0 = arith.constant 0 : i32
    %c0_i32_1 = arith.constant 0 : i32
    return %c0_i32, %c0_i32_0 : i32, i32
  }
  func.func @transform_6(%arg0: i32) -> (i32, i32) {
    %c0_i32 = arith.constant 0 : i32
    %c0_i32_0 = arith.constant 0 : i32
    %c0_i32_1 = arith.constant 0 : i32
    return %c0_i32, %c0_i32_0 : i32, i32
  }
  func.func @transform_7(%arg0: i32) -> (i32, i32) {
    %c0_i32 = arith.constant 0 : i32
    %c0_i32_0 = arith.constant 0 : i32
    %c0_i32_1 = arith.constant 0 : i32
    return %c0_i32, %c0_i32_0 : i32, i32
  }
  func.func @transform_8(%arg0: i32) -> (i32, i32) {
    %c0_i32 = arith.constant 0 : i32
    %c0_i32_0 = arith.constant 0 : i32
    %c0_i32_1 = arith.constant 0 : i32
    return %c0_i32, %c0_i32_0 : i32, i32
  }
  func.func @transform_9(%arg0: i32) -> (i32, i32) {
    %c0_i32 = arith.constant 0 : i32
    %c0_i32_0 = arith.constant 0 : i32
    %c0_i32_1 = arith.constant 0 : i32
    return %c0_i32, %c0_i32_0 : i32, i32
  }
  func.func @transform_10(%arg0: i32) -> (i32, i32) {
    %c0_i32 = arith.constant 0 : i32
    %c0_i32_0 = arith.constant 0 : i32
    return %arg0, %c0_i32 : i32, i32
  }
}

</mosaic_0001>

<sc_bundles>
// kernel: kernel.10.cloned.1.call-start
scs
__scs_entry_jumppad:
0x0: {  	(pc) =	sbr.rel $0x88, $3  }
0x1: {  	(tag) =	ssettag $0x0;
	lr =	simm.s32 $0x1  }
0x2: {  	[smem:$0x3F8E] =	sst lr;
	_ =	strace $0xD0000000  }
0x3: {  	_ = 	snop  }
0x4: {  	_ = 	snop  }
0x5: {  	_ = 	snop  }
0x6: {  	_ = 	snop  }
0x7: {  	_ = 	snop  }
__scs_overlays_trampoline_lowered:
0x8: {  	[smem:$0x3F9D] =	sst s0  }
0x9: {  	[smem:$0x3F9E] =	sst s1  }
0xa: {  	[smem:$0x3F9F] =	sst s2  }
0xb: {  	[smem:$0x3FA0] =	sst s3  }
0xc: {  	[smem:$0x3FA1] =	sst s4  }
0xd: {  	[smem:$0x3FA2] =	sst s5  }
0xe: {  	[smem:$0x3FA3] =	sst s6  }
0xf: {  	[smem:$0x3FA4] =	sst s7  }
0x10: {  	[smem:$0x3FA5] =	sst s8  }
0x11: {  	[smem:$0x3FA6] =	sst s9;
	s0 =	simm.s32 @!p0 $0x0  }
0x12: {  	s1 =	sld [smem:$0x3F8C];
	s0 =	simm.s32 @p0 $0x1  }
0x13: {  	[smem:$0x3FA7] =	sst s0;
	s0 =	simm.s32 @!p1 $0x0  }
0x14: {  	s2 =	sld [smem:$0x3F8B];
	s0 =	simm.s32 @p1 $0x1  }
0x15: {  	[smem:$0x3FA8] =	sst s0;
	s0 =	simm.s32 @!p2 $0x0  }
0x16: {  	s3 =	sld [smem:$0x3FDB];
	s0 =	simm.s32 @p2 $0x1  }
0x17: {  	s4 =	simm.s32 $0x1BF5;
	[smem:$0x3FAA] =	sst s0  }
0x18: {  	s0 =	sld [smem:$0x3F8D];
	_ =	swait.ge [sflag:s4], $0x0  }
0x19: {  	s7 =	sld [smem:$0x3F8E]  }
0x1a: {  	s8 =	sadd.s32 $0xFFFFE003, lr  }
0x1b: {  	s9 =	sadd.s32 $0xFFFFFEF7, lr;
	s5 =	simm.s32 $0xFFFFFFFF;
	p2 =	slt.u32 s8, $0xFFFFF086  }
0x1c: {  	p1 =	slt.u32 s9, $0xF7A;
	s5 =	simm.s32 @!p2 $0x0  }
0x1d: {  	s5 =	simm.s32 @p1 $0x1;
	p0 =	seq.s32 s7, s2  }
0x1e: {  	s7 =	smul.u32 @!p0 $0xF7A, s2;
	p2 =	seq.s32 @!p0 s5, $0x0  }
0x1f: {  	s9 =	smul.u32 $0xF7A, s1;
	s8 =	simm.s32 @!p0 $0x1BF5;
	p2 =	por !p2, p0  }
0x20: {  	[sflag:s8] =	ssyncset.s32 @!p0 $0xFFFFF086;
	s6 =	sadd.s32 @!p0 s3, s7;
	s7 =	simm.s32 @!p0 $0x108  }
0x21: {  	s3 =	sadd.s32 s3, s9;
	s6 =	sadd.s32 @!p0 $0x88, s6;
	s7 =	simm.s32 @p2 $0x1082  }
0x22: {  	[simem:s7], [sflag:s8] =	dma.local @!p0 [hbm:s6], $0xF7A  }
0x23: {  	s9 =	sor.u32 $0xD0000000, s2;
	s6 =	simm.s32 $0x108;
	_ =	swait.ge @!p0 [sflag:s8], $0x0  }
0x24: {  	s3 =	sadd.s32 $0x88, s3;
	s6 =	simm.s32 @!p1 $0x1082;
	[sflag:s4] =	ssyncset.s32 $0xFFFFF086  }
0x25: {  	[simem:s6], [sflag:s4] =	dma.local [hbm:s3], $0xF7A  }
0x26: {  	[smem:$0x3F8E] =	sst s1;
	(tag) =	ssettag s2;
	_ =	strace s9  }
0x27: {  	s1 =	sld [smem:$0x3F9E]  }
0x28: {  	s2 =	sld [smem:$0x3F9F]  }
0x29: {  	s4 =	sld [smem:$0x3FA1]  }
0x2a: {  	p0 =	seq.s32 s5, $0x0;
	s5 =	sld [smem:$0x3FA2]  }
0x2b: {  	s6 =	sld [smem:$0x3FA3]  }
0x2c: {  	s7 =	sld [smem:$0x3FA4]  }
0x2d: {  	s3 =	simm.s32 $0x108;
	s8 =	sld [smem:$0x3FA5]  }
0x2e: {  	s3 =	simm.s32 @!p0 $0x1082;
	s9 =	sld [smem:$0x3FA6]  }
0x2f: {  	lr =	sadd.s32 s0, s3;
	s0 =	sld [smem:$0x3F9D]  }
0x30: {  	s3 =	sld [smem:$0x3FA0]  }
0x31: {  	[smem:$0x3FA9] =	sst s10  }
0x32: {  	s10 =	sld [smem:$0x3FA7];
	_ =	sdelay $0x3  }
0x33: {  	p0 =	seq.s32 s10, $0x1;
	s10 =	sld [smem:$0x3FA9];
	_ =	sdelay $0x3  }
0x34: {  	[smem:$0x3FA9] =	sst s10  }
0x35: {  	s10 =	sld [smem:$0x3FA8];
	_ =	sdelay $0x3  }
0x36: {  	p1 =	seq.s32 s10, $0x1;
	s10 =	sld [smem:$0x3FA9];
	_ =	sdelay $0x3  }
0x37: {  	[smem:$0x3FA9] =	sst s10  }
0x38: {  	s10 =	sld [smem:$0x3FAA]  }
0x39: {  	_ = 	snop;
	(pc) =	sbr.ind lr, $3  }
0x3a: {  	_ = 	snop  }
0x3b: {  	_ = 	snop  }
0x3c: {  	p2 =	seq.s32 s10, $0x1;
	s10 =	sld [smem:$0x3FA9]  }
0x3d: {  	_ =	shalt  }
0x3e: {  	_ =	shalt  }
0x3f: {  	_ =	shalt  }
0x40: {  	_ =	shalt  }
0x41: {  	_ =	shalt  }
0x42: {  	_ =	shalt  }
0x43: {  	_ =	shalt  }
0x44: {  	_ =	shalt  }
0x45: {  	_ =	shalt  }
0x46: {  	_ =	shalt  }
0x47: {  	_ =	shalt  }
0x48: {  	_ =	shalt  }
0x49: {  	_ =	shalt  }
0x4a: {  	_ =	shalt  }
0x4b: {  	_ =	shalt  }
0x4c: {  	_ =	shalt  }
0x4d: {  	_ =	shalt  }
0x4e: {  	_ =	shalt  }
0x4f: {  	_ =	shalt  }
0x50: {  	_ =	shalt  }
0x51: {  	_ =	shalt  }
0x52: {  	_ =	shalt  }
0x53: {  	_ =	shalt  }
0x54: {  	_ =	shalt  }
0x55: {  	_ =	shalt  }
0x56: {  	_ =	shalt  }
0x57: {  	_ =	shalt  }
0x58: {  	_ =	shalt  }
0x59: {  	_ =	shalt  }
0x5a: {  	_ =	shalt  }
0x5b: {  	_ =	shalt  }
0x5c: {  	_ =	shalt  }
0x5d: {  	_ =	shalt  }
0x5e: {  	_ =	shalt  }
0x5f: {  	_ =	shalt  }
0x60: {  	_ =	shalt  }
0x61: {  	_ =	shalt  }
0x62: {  	_ =	shalt  }
0x63: {  	_ =	shalt  }
0x64: {  	_ =	shalt  }
0x65: {  	_ =	shalt  }
0x66: {  	_ =	shalt  }
0x67: {  	_ =	shalt  }
0x68: {  	_ =	shalt  }
0x69: {  	_ =	shalt  }
0x6a: {  	_ =	shalt  }
0x6b: {  	_ =	shalt  }
0x6c: {  	_ =	shalt  }
0x6d: {  	_ =	shalt  }
0x6e: {  	_ =	shalt  }
0x6f: {  	_ =	shalt  }
0x70: {  	_ =	shalt  }
0x71: {  	_ =	shalt  }
0x72: {  	_ =	shalt  }
0x73: {  	_ =	shalt  }
0x74: {  	_ =	shalt  }
0x75: {  	_ =	shalt  }
0x76: {  	_ =	shalt  }
0x77: {  	_ =	shalt  }
0x78: {  	_ =	shalt  }
0x79: {  	_ =	shalt  }
0x7a: {  	_ =	shalt  }
0x7b: {  	_ =	shalt  }
0x7c: {  	_ =	shalt  }
0x7d: {  	_ =	shalt  }
0x7e: {  	_ =	shalt  }
0x7f: {  	_ =	shalt  }
0x80: {  	_ =	shalt  }
0x81: {  	_ =	shalt  }
0x82: {  	_ =	shalt  }
0x83: {  	_ =	shalt  }
0x84: {  	_ =	shalt  }
0x85: {  	_ =	shalt  }
0x86: {  	_ =	shalt  }
0x87: {  	_ =	shalt  }
.Lfunc_end0:
.L_simem_size_0:
called_computation_lowered:
.L_overlay_start_0:
0x88: {  	s2 =	sld [smem:$0x3FD9]  }
0x89: {  	s3 =	sld [smem:$0x3FFE];
	_ =	sdelay $0x1  }
0x8a: {  	s1 =	srdreg.scid  }
0x8b: {  	s0 =	sand.u32 $0x1, s1  }
0x8c: {  	s16 =	sshll.u32 s0, $0xA;
	s2 =	sadd.s32 s3, s2  }
0x8d: {  	s2 =	sadd.s32 s2, s16  }
0x8e: {  	[smem:$0x3FB5] =	sst s2  }
0x8f: {  	_ = 	snop  }
0x90: {  	(tm) =	ssettm $0x1  }
0x91: {  	s17 =	sld [smem:$0x3FFB];
	_ =	sdelay $0x3  }
0x92: {  	_ =	strace s17  }
0x93: {  	s2 =	sld [smem:$0x3FFC];
	_ =	sdelay $0x3  }
0x94: {  	_ =	strace s2  }
0x95: {  	s2 =	sld [smem:$0x3FFD];
	_ =	sdelay $0x3  }
0x96: {  	_ =	strace s2  }
0x97: {  	_ =	strace $0x8FFFFFFF  }
0x98: {  	s18 =	sld [smem:$0x3FDB];
	_ =	sdelay $0x1  }
0x99: {  	s19 =	simm.s32 $_scs_section_size  }
0x9a: {  	s4 =	simm.s32 $_size__tile_overlayer_lowered;
	s5 =	simm.s32 $_tile_overlayer_lowered  }
0x9b: {  	s22 =	simm.s32 $0x1BFF;
	s21 =	sshll.u32 s5, $0x1;
	s2 =	sadd.s32 s19, s18  }
0x9c: {  	s6 =	simm.s32 $0x0;
	s20 =	sshll.u32 s4, $0x1;
	s4 =	sadd.s32 s21, s2  }
0x9d: {  	[timem:s6], [sflag:s22] =	dma.local [hbm:s4], s20  }
0x9e: {  	_ =	swait.ge [sflag:s22], s20  }
0x9f: {  	s3 =	ssub.s32 $0x0, s20;
	[sflag:s22] =	ssyncset.done $0x0  }
0xa0: {  	[sflag:s22] =	ssyncadd.s32 s3;
	_ =	sdelay $0x1  }
0xa1: {  	s23 =	simm.s32 $0x1B8B  }
0xa2: {  	_ =	swait.ge [sflag:s23], $0x1  }
0xa3: {  	[sflag:s23] =	ssyncset.done $0x0  }
0xa4: {  	s25 =	simm.s32 $0x1B8E;
	s24 =	sld [smem:$0x3FFE];
	[sflag:s23] =	ssyncadd.s32 $0xFFFFFFFF  }
0xa5: {  	s26 =	simm.s32 $execute0_lowered;
	[smem:$0x3FD2] =	sst s25  }
0xa6: {  	s4 =	sshll.u32 s26, $0x1;
	_ =	strace $0x80000046;
	[dreg:$0x1] =	wrdreg $0xFFFFFFFF  }
0xa7: {  	s28 =	simm.s32 $_size_execute0_lowered;
	s2 =	sadd.s32 s2, s4;
	[dreg:$0x0] =	wrdreg $0x0  }
0xa8: {  	s4 =	sshll.u32 s28, $0x1;
	[dreg:$0x2] =	wrdreg s2  }
0xa9: {  	[dreg:$0x3] =	wrdreg s4  }
0xaa: {  	[dreg:$0x4] =	wrdreg $0xC0  }
0xab: {  	_ =	task [dreg:s6], $0x5FFFF  }
0xac: {  	[dreg:$0x1] =	wrdreg $0xFFFFFFFF  }
0xad: {  	[dreg:$0x0] =	wrdreg $0x60  }
0xae: {  	[dreg:$0x2] =	wrdreg s24  }
0xaf: {  	[dreg:$0x3] =	wrdreg $0x9  }
0xb0: {  	_ =	task.clear_ibuf [dreg:s6], $0x4FFFF;
	_ =	strace $0x90000046  }
0xb1: {  	s29 =	simm.s32 $0x9;
	_ =	strace $0x80000048  }
0xb2: {  	_ =	swait.ge [sflag:s29], $0x1  }
0xb3: {  	[sflag:s29] =	ssyncadd.s32 $0xFFFFFFFF  }
0xb4: {  	_ =	strace $0x90000048  }
0xb5: {  	_ =	sfence  }
0xb6: {  	s30 =	sld [smem:$0x0];
	_ =	sdelay $0x2  }
0xb7: {  	s31 =	sshll.u32 s1, $0xD;
	s1 =	sshrl.u32 s1, $0x2  }
0xb8: {  	s3 =	sand.u32 $0x4000, s31;
	s1 =	sadd.s32 s1, s30  }
0xb9: {  	s0 =	sor.u32 s3, s0;
	s1 =	sshll.u32 s1, $0x11  }
0xba: {  	s0 =	sor.u32 s1, s0  }
0xbb: {  	s0 =	sadd.s32 $0x8F2B, s0  }
0xbc: {  	[sflag:s0] =	ssyncadd.remote.s32 $0x1  }
0xbd: {  	_ =	sfence.sel $0xFFFF  }
0xbe: {  	[dreg:$0x0] =	wrdreg $0xFFFFFFFF;
	(pc) =	sbr.abs _section_cstart, $3  }
0xbf: {  	[dreg:$0x1] =	wrdreg $0xFFFFFFFF  }
0xc0: {  	_ =	task.clear_ibuf [dreg:s6], $0x2FFFF;
	_ =	strace $0x9FFFFFFF  }
0xc1: {  	(tm) =	ssettm $0x7FFFFFFF  }
tec
execute0_lowered:
.L_overlay_start_1:
0x0: {  	(tag) =	ssettag $0x1  }
0x1: {  	s3 =	rddreg [dreg:$0x0]  }
0x2: {  	s0 =	rddreg [dreg:$0x1];
	s1 =	stileid.u32  }
0x3: {  	s4 =	srdreg.scid;
	s5 =	smul.u32 $0x2710, s1  }
0x4: {  	s2 =	simm.s32 $0x0;
	s4 =	sand.u32 $0x1, s4;
	s7 =	smul.u32 $0x27100, s1  }
0x5: {  	s10 =	simm.s32 $0x1;
	s11 =	simm.s32 $0x0;
	s6 =	smul.u32 $0x1388, s4  }
0x6: {  	[smem:$0x7FF] =	sst s2;
	s29 =	ssub.s32 $0x2, s4;
	s4 =	smul.u32 $0x13880, s4  }
0x7: {  	_ =	strace $0x80000047;
	s7 =	sadd.s32 s7, s3;
	s8 =	sshrl.u32 s29, $0x1  }
0x8: {  	s5 =	sadd.s32 s6, s5;
	s30 =	ssub.s32 s29, s8;
	s31 =	sadd.s32 s4, s7  }
0x9: {  	s7 =	simm.s32 $0x2;
	s8 =	simm.s32 $0xC8;
	s5 =	sshrl.u32 s5, $0x3  }
0xa: {  	s4 =	smax.u32 s30, $0x1;
	s9 =	sadd.s32 s5, s3;
	s3 =	sadd.s32 $0x142600, s3  }
0xb: {  	s5 =	sadd.s32 $0x1B7A00, s31;
	s6 =	sadd.s32 $0x4E00, s9;
	s9 =	simm.s32 $0x100  }
.LBB2_1:
0xc: {  	s12 =	sadd.s32 $0x0, s6  }
0xd: {  	[tilespmem:s2], [sflag:$0x2] =	stream.linear.gather [hbm4b:s12+s2], $0xC8, $0x38;
	[tilespmem:$0x6500] =	vst v63  }
0xe: {  	_ =	swait.ge [sflag:s7], $0xC8  }
0xf: {  	[sflag:s7] =	ssyncset.done $0x0  }
0x10: {  	[sflag:s7] =	ssyncadd.s32 $0xFFFFFF38  }
0x11: {  	[tilespmem:s9], [sflag:$0x1] =	stream.indirect.gather [hbm4b:s3+s8], $0x80, s2, s8, $0xb8;
	[tilespmem:$0x6500] =	vst v63  }
0x12: {  	_ =	swait.ge [sflag:s10], $0x6400  }
0x13: {  	[sflag:s10] =	ssyncset.done $0x0  }
0x14: {  	[sflag:s10] =	ssyncadd.s32 $0xFFFF9C00  }
0x15: {  	[hbm4b:s5+s2] =	stream.linear.scatter [tilespmem:s9], [sflag:$0x2], $0x6400, $0x38;
	[tilespmem:$0x6500] =	vst v63  }
0x16: {  	s13 =	simm.s32 $0x19;
	_ =	swait.ge [sflag:s7], $0x6400  }
0x17: {  	s14 =	simm.s32 $0x32;
	s12 =	sadd.s32 $0xC80, s5;
	[sflag:s7] =	ssyncset.done $0x0  }
.LBB2_2:
0x18: {  	s15 =	sadd.s32 s13, s6  }
0x19: {  	[sflag:s7] =	ssyncadd.s32 $0xFFFF9C00;
	s13 =	smov.u32 s14;
	s16 =	sadd.s32 $0x19, s14  }
0x1a: {  	[tilespmem:s2], [sflag:$0x2] =	stream.linear.gather [hbm4b:s15+s2], $0xC8, $0x38;
	[tilespmem:$0x6500] =	vst v63  }
0x1b: {  	p0 =	sne.s32 s14, $0x258;
	_ =	swait.ge [sflag:s7], $0xC8  }
0x1c: {  	[sflag:s7] =	ssyncset.done $0x0  }
0x1d: {  	[sflag:s7] =	ssyncadd.s32 $0xFFFFFF38  }
0x1e: {  	[tilespmem:s9], [sflag:$0x1] =	stream.indirect.gather [hbm4b:s3+s8], $0x80, s2, s8, $0xb8;
	[tilespmem:$0x6500] =	vst v63  }
0x1f: {  	_ =	swait.ge [sflag:s10], $0x6400  }
.Ltmp0:
0x20: {  	[sflag:s10] =	ssyncset.done $0x0;
	(pc) =	sbr.rel @p0 .LBB2_2-.Ltmp0, $4  }
0x21: {  	[sflag:s10] =	ssyncadd.s32 $0xFFFF9C00  }
0x22: {  	[hbm4b:s12+s2] =	stream.linear.scatter [tilespmem:s9], [sflag:$0x2], $0x6400, $0x38;
	[tilespmem:$0x6500] =	vst v63  }
0x23: {  	_ =	swait.ge [sflag:s7], $0x6400  }
0x24: {  	s14 =	smov.u32 s16;
	s12 =	sadd.s32 $0xC80, s12;
	[sflag:s7] =	ssyncset.done $0x0  }
0x25: {  	s13 =	sadd.s32 s13, s6;
	[sflag:s7] =	ssyncadd.s32 $0xFFFF9C00  }
0x26: {  	[tilespmem:s2], [sflag:$0x2] =	stream.linear.gather [hbm4b:s13+s2], $0xC8, $0x38;
	[tilespmem:$0x6500] =	vst v63  }
0x27: {  	_ =	swait.ge [sflag:s7], $0xC8  }
0x28: {  	[sflag:s7] =	ssyncset.done $0x0  }
0x29: {  	[sflag:s7] =	ssyncadd.s32 $0xFFFFFF38  }
0x2a: {  	[tilespmem:s9], [sflag:$0x1] =	stream.indirect.gather [hbm4b:s3+s8], $0x80, s2, s8, $0xb8;
	[tilespmem:$0x6500] =	vst v63  }
0x2b: {  	s11 =	sadd.s32 $0x1, s11;
	_ =	swait.ge [sflag:s10], $0x6400  }
0x2c: {  	p0 =	sne.s32 s11, s4;
	[sflag:s10] =	ssyncset.done $0x0  }
.Ltmp1:
0x2d: {  	[sflag:s10] =	ssyncadd.s32 $0xFFFF9C00;
	(pc) =	sbr.rel @p0 .LBB2_1-.Ltmp1, $4  }
0x2e: {  	[hbm4b:s12+s2] =	stream.linear.scatter [tilespmem:s9], [sflag:$0x2], $0x6400, $0x38;
	[tilespmem:$0x6500] =	vst v63  }
0x2f: {  	_ =	swait.ge [sflag:s7], $0x6400  }
0x30: {  	[sflag:s7] =	ssyncset.done $0x0  }
0x31: {  	[sflag:s7] =	ssyncadd.s32 $0xFFFF9C00  }
0x32: {  	_ =	sfence.sel $0x180000  }
0x33: {  	[bflag:$0x0] =	sbarrier.arrive $0xFFFF  }
0x34: {  	p0 =	sne.s32 s1, $0x0;
	_ =	strace $0x90000047  }
0x35: {  	s0 =	sadd.s32 @!p0 $0x100000, s0;
	[bflag:$0x2] =	sbarrier.arrive $0xFFFF  }
0x36: {  	[sflag:s0] =	ssyncadd.tile.s32 @!p0 $0x1;
	_ =	shalt  }
.Lfunc_end2:
_tile_overlayer_lowered:
.L_overlay_start_2:
0x37: {  	(tag) =	ssettag $0x2  }
0x38: {  	s0 =	rddreg [dreg:$0x0];
	s2 =	stileid.u32  }
0x39: {  	s1 =	rddreg [dreg:$0x1];
	p0 =	sne.s32 s2, $0x0  }
0x3a: {  	s3 =	rddreg [dreg:$0x2];
	[bflag:$0x3] =	sbarrier.arrive $0xFFFF;
	s2 =	simm.s32 @!p0 $0x1C02  }
0x3b: {  	[timem:s3], [sflag:s2] =	dma.local @!p0 [hbm:s0], s1  }
0x3c: {  	s0 =	simm.s32 @!p0 $0x2  }
0x3d: {  	_ =	swait.ge @!p0 [sflag:s0], s1  }
0x3e: {  	s1 =	ssub.s32 @!p0 $0x0, s1;
	[sflag:s0] =	ssyncset.done @!p0 $0x0  }
0x3f: {  	[sflag:s0] =	ssyncadd.s32 @!p0 s1  }
0x40: {  	[bflag:$0x3] =	sbarrier.arrive $0xFFFF  }
0x41: {  	_ =	shalt  }

// kernel: kernel.13.cloned.1.call-start
scs
__scs_entry_jumppad:
0x0: {  	(pc) =	sbr.rel $0x88, $3  }
0x1: {  	(tag) =	ssettag $0x0;
	lr =	simm.s32 $0x1  }
0x2: {  	[smem:$0x3F8E] =	sst lr;
	_ =	strace $0xD0000000  }
0x3: {  	_ = 	snop  }
0x4: {  	_ = 	snop  }
0x5: {  	_ = 	snop  }
0x6: {  	_ = 	snop  }
0x7: {  	_ = 	snop  }
__scs_overlays_trampoline_lowered:
0x8: {  	[smem:$0x3F9D] =	sst s0  }
0x9: {  	[smem:$0x3F9E] =	sst s1  }
0xa: {  	[smem:$0x3F9F] =	sst s2  }
0xb: {  	[smem:$0x3FA0] =	sst s3  }
0xc: {  	[smem:$0x3FA1] =	sst s4  }
0xd: {  	[smem:$0x3FA2] =	sst s5  }
0xe: {  	[smem:$0x3FA3] =	sst s6  }
0xf: {  	[smem:$0x3FA4] =	sst s7  }
0x10: {  	[smem:$0x3FA5] =	sst s8  }
0x11: {  	[smem:$0x3FA6] =	sst s9;
	s0 =	simm.s32 @!p0 $0x0  }
0x12: {  	s1 =	sld [smem:$0x3F8C];
	s0 =	simm.s32 @p0 $0x1  }
0x13: {  	[smem:$0x3FA7] =	sst s0;
	s0 =	simm.s32 @!p1 $0x0  }
0x14: {  	s2 =	sld [smem:$0x3F8B];
	s0 =	simm.s32 @p1 $0x1  }
0x15: {  	[smem:$0x3FA8] =	sst s0;
	s0 =	simm.s32 @!p2 $0x0  }
0x16: {  	s3 =	sld [smem:$0x3FDB];
	s0 =	simm.s32 @p2 $0x1  }
0x17: {  	s4 =	simm.s32 $0x1BF5;
	[smem:$0x3FAA] =	sst s0  }
0x18: {  	s0 =	sld [smem:$0x3F8D];
	_ =	swait.ge [sflag:s4], $0x0  }
0x19: {  	s7 =	sld [smem:$0x3F8E]  }
0x1a: {  	s8 =	sadd.s32 $0xFFFFE003, lr  }
0x1b: {  	s9 =	sadd.s32 $0xFFFFFEF7, lr;
	s5 =	simm.s32 $0xFFFFFFFF;
	p2 =	slt.u32 s8, $0xFFFFF086  }
0x1c: {  	p1 =	slt.u32 s9, $0xF7A;
	s5 =	simm.s32 @!p2 $0x0  }
0x1d: {  	s5 =	simm.s32 @p1 $0x1;
	p0 =	seq.s32 s7, s2  }
0x1e: {  	s7 =	smul.u32 @!p0 $0xF7A, s2;
	p2 =	seq.s32 @!p0 s5, $0x0  }
0x1f: {  	s9 =	smul.u32 $0xF7A, s1;
	s8 =	simm.s32 @!p0 $0x1BF5;
	p2 =	por !p2, p0  }
0x20: {  	[sflag:s8] =	ssyncset.s32 @!p0 $0xFFFFF086;
	s6 =	sadd.s32 @!p0 s3, s7;
	s7 =	simm.s32 @!p0 $0x108  }
0x21: {  	s3 =	sadd.s32 s3, s9;
	s6 =	sadd.s32 @!p0 $0x88, s6;
	s7 =	simm.s32 @p2 $0x1082  }
0x22: {  	[simem:s7], [sflag:s8] =	dma.local @!p0 [hbm:s6], $0xF7A  }
0x23: {  	s9 =	sor.u32 $0xD0000000, s2;
	s6 =	simm.s32 $0x108;
	_ =	swait.ge @!p0 [sflag:s8], $0x0  }
0x24: {  	s3 =	sadd.s32 $0x88, s3;
	s6 =	simm.s32 @!p1 $0x1082;
	[sflag:s4] =	ssyncset.s32 $0xFFFFF086  }
0x25: {  	[simem:s6], [sflag:s4] =	dma.local [hbm:s3], $0xF7A  }
0x26: {  	[smem:$0x3F8E] =	sst s1;
	(tag) =	ssettag s2;
	_ =	strace s9  }
0x27: {  	s1 =	sld [smem:$0x3F9E]  }
0x28: {  	s2 =	sld [smem:$0x3F9F]  }
0x29: {  	s4 =	sld [smem:$0x3FA1]  }
0x2a: {  	p0 =	seq.s32 s5, $0x0;
	s5 =	sld [smem:$0x3FA2]  }
0x2b: {  	s6 =	sld [smem:$0x3FA3]  }
0x2c: {  	s7 =	sld [smem:$0x3FA4]  }
0x2d: {  	s3 =	simm.s32 $0x108;
	s8 =	sld [smem:$0x3FA5]  }
0x2e: {  	s3 =	simm.s32 @!p0 $0x1082;
	s9 =	sld [smem:$0x3FA6]  }
0x2f: {  	lr =	sadd.s32 s0, s3;
	s0 =	sld [smem:$0x3F9D]  }
0x30: {  	s3 =	sld [smem:$0x3FA0]  }
0x31: {  	[smem:$0x3FA9] =	sst s10  }
0x32: {  	s10 =	sld [smem:$0x3FA7];
	_ =	sdelay $0x3  }
0x33: {  	p0 =	seq.s32 s10, $0x1;
	s10 =	sld [smem:$0x3FA9];
	_ =	sdelay $0x3  }
0x34: {  	[smem:$0x3FA9] =	sst s10  }
0x35: {  	s10 =	sld [smem:$0x3FA8];
	_ =	sdelay $0x3  }
0x36: {  	p1 =	seq.s32 s10, $0x1;
	s10 =	sld [smem:$0x3FA9];
	_ =	sdelay $0x3  }
0x37: {  	[smem:$0x3FA9] =	sst s10  }
0x38: {  	s10 =	sld [smem:$0x3FAA]  }
0x39: {  	_ = 	snop;
	(pc) =	sbr.ind lr, $3  }
0x3a: {  	_ = 	snop  }
0x3b: {  	_ = 	snop  }
0x3c: {  	p2 =	seq.s32 s10, $0x1;
	s10 =	sld [smem:$0x3FA9]  }
0x3d: {  	_ =	shalt  }
0x3e: {  	_ =	shalt  }
0x3f: {  	_ =	shalt  }
0x40: {  	_ =	shalt  }
0x41: {  	_ =	shalt  }
0x42: {  	_ =	shalt  }
0x43: {  	_ =	shalt  }
0x44: {  	_ =	shalt  }
0x45: {  	_ =	shalt  }
0x46: {  	_ =	shalt  }
0x47: {  	_ =	shalt  }
0x48: {  	_ =	shalt  }
0x49: {  	_ =	shalt  }
0x4a: {  	_ =	shalt  }
0x4b: {  	_ =	shalt  }
0x4c: {  	_ =	shalt  }
0x4d: {  	_ =	shalt  }
0x4e: {  	_ =	shalt  }
0x4f: {  	_ =	shalt  }
0x50: {  	_ =	shalt  }
0x51: {  	_ =	shalt  }
0x52: {  	_ =	shalt  }
0x53: {  	_ =	shalt  }
0x54: {  	_ =	shalt  }
0x55: {  	_ =	shalt  }
0x56: {  	_ =	shalt  }
0x57: {  	_ =	shalt  }
0x58: {  	_ =	shalt  }
0x59: {  	_ =	shalt  }
0x5a: {  	_ =	shalt  }
0x5b: {  	_ =	shalt  }
0x5c: {  	_ =	shalt  }
0x5d: {  	_ =	shalt  }
0x5e: {  	_ =	shalt  }
0x5f: {  	_ =	shalt  }
0x60: {  	_ =	shalt  }
0x61: {  	_ =	shalt  }
0x62: {  	_ =	shalt  }
0x63: {  	_ =	shalt  }
0x64: {  	_ =	shalt  }
0x65: {  	_ =	shalt  }
0x66: {  	_ =	shalt  }
0x67: {  	_ =	shalt  }
0x68: {  	_ =	shalt  }
0x69: {  	_ =	shalt  }
0x6a: {  	_ =	shalt  }
0x6b: {  	_ =	shalt  }
0x6c: {  	_ =	shalt  }
0x6d: {  	_ =	shalt  }
0x6e: {  	_ =	shalt  }
0x6f: {  	_ =	shalt  }
0x70: {  	_ =	shalt  }
0x71: {  	_ =	shalt  }
0x72: {  	_ =	shalt  }
0x73: {  	_ =	shalt  }
0x74: {  	_ =	shalt  }
0x75: {  	_ =	shalt  }
0x76: {  	_ =	shalt  }
0x77: {  	_ =	shalt  }
0x78: {  	_ =	shalt  }
0x79: {  	_ =	shalt  }
0x7a: {  	_ =	shalt  }
0x7b: {  	_ =	shalt  }
0x7c: {  	_ =	shalt  }
0x7d: {  	_ =	shalt  }
0x7e: {  	_ =	shalt  }
0x7f: {  	_ =	shalt  }
0x80: {  	_ =	shalt  }
0x81: {  	_ =	shalt  }
0x82: {  	_ =	shalt  }
0x83: {  	_ =	shalt  }
0x84: {  	_ =	shalt  }
0x85: {  	_ =	shalt  }
0x86: {  	_ =	shalt  }
0x87: {  	_ =	shalt  }
.Lfunc_end0:
.L_simem_size_0:
called_computation.1_lowered:
.L_overlay_start_0:
0x88: {  	s2 =	sld [smem:$0x3FD9]  }
0x89: {  	s3 =	sld [smem:$0x3FFE];
	_ =	sdelay $0x1  }
0x8a: {  	s1 =	srdreg.scid  }
0x8b: {  	s0 =	sand.u32 $0x1, s1  }
0x8c: {  	s16 =	sshll.u32 s0, $0xA;
	s2 =	sadd.s32 s3, s2  }
0x8d: {  	s2 =	sadd.s32 s2, s16  }
0x8e: {  	[smem:$0x3FB5] =	sst s2  }
0x8f: {  	_ = 	snop  }
0x90: {  	(tm) =	ssettm $0x1  }
0x91: {  	s17 =	sld [smem:$0x3FFB];
	_ =	sdelay $0x3  }
0x92: {  	_ =	strace s17  }
0x93: {  	s2 =	sld [smem:$0x3FFC];
	_ =	sdelay $0x3  }
0x94: {  	_ =	strace s2  }
0x95: {  	s2 =	sld [smem:$0x3FFD];
	_ =	sdelay $0x3  }
0x96: {  	_ =	strace s2  }
0x97: {  	_ =	strace $0x8FFFFFFF  }
0x98: {  	s18 =	sld [smem:$0x3FDB];
	_ =	sdelay $0x1  }
0x99: {  	s19 =	simm.s32 $_scs_section_size  }
0x9a: {  	s4 =	simm.s32 $_size__tile_overlayer_lowered;
	s5 =	simm.s32 $_tile_overlayer_lowered  }
0x9b: {  	s22 =	simm.s32 $0x1BFF;
	s21 =	sshll.u32 s5, $0x1;
	s2 =	sadd.s32 s19, s18  }
0x9c: {  	s6 =	simm.s32 $0x0;
	s20 =	sshll.u32 s4, $0x1;
	s4 =	sadd.s32 s21, s2  }
0x9d: {  	[timem:s6], [sflag:s22] =	dma.local [hbm:s4], s20  }
0x9e: {  	_ =	swait.ge [sflag:s22], s20  }
0x9f: {  	s3 =	ssub.s32 $0x0, s20;
	[sflag:s22] =	ssyncset.done $0x0  }
0xa0: {  	[sflag:s22] =	ssyncadd.s32 s3;
	_ =	sdelay $0x1  }
0xa1: {  	s23 =	simm.s32 $0x1B8B  }
0xa2: {  	_ =	swait.ge [sflag:s23], $0x1  }
0xa3: {  	[sflag:s23] =	ssyncset.done $0x0  }
0xa4: {  	s25 =	simm.s32 $0x1B8E;
	s24 =	sld [smem:$0x3FFE];
	[sflag:s23] =	ssyncadd.s32 $0xFFFFFFFF  }
0xa5: {  	s26 =	simm.s32 $execute0_lowered;
	[smem:$0x3FD2] =	sst s25  }
0xa6: {  	s4 =	sshll.u32 s26, $0x1;
	_ =	strace $0x80000049;
	[dreg:$0x1] =	wrdreg $0xFFFFFFFF  }
0xa7: {  	s28 =	simm.s32 $_size_execute0_lowered;
	s2 =	sadd.s32 s2, s4;
	[dreg:$0x0] =	wrdreg $0x0  }
0xa8: {  	s4 =	sshll.u32 s28, $0x1;
	[dreg:$0x2] =	wrdreg s2  }
0xa9: {  	[dreg:$0x3] =	wrdreg s4  }
0xaa: {  	[dreg:$0x4] =	wrdreg $0xC0  }
0xab: {  	_ =	task [dreg:s6], $0x5FFFF  }
0xac: {  	[dreg:$0x1] =	wrdreg $0xFFFFFFFF  }
0xad: {  	[dreg:$0x0] =	wrdreg $0x60  }
0xae: {  	[dreg:$0x2] =	wrdreg s24  }
0xaf: {  	[dreg:$0x3] =	wrdreg $0x9  }
0xb0: {  	_ =	task.clear_ibuf [dreg:s6], $0x4FFFF;
	_ =	strace $0x90000049  }
0xb1: {  	s29 =	simm.s32 $0x9;
	_ =	strace $0x8000004B  }
0xb2: {  	_ =	swait.ge [sflag:s29], $0x1  }
0xb3: {  	[sflag:s29] =	ssyncadd.s32 $0xFFFFFFFF  }
0xb4: {  	_ =	strace $0x9000004B  }
0xb5: {  	_ =	sfence  }
0xb6: {  	s30 =	sld [smem:$0x0];
	_ =	sdelay $0x2  }
0xb7: {  	s31 =	sshll.u32 s1, $0xD;
	s1 =	sshrl.u32 s1, $0x2  }
0xb8: {  	s3 =	sand.u32 $0x4000, s31;
	s1 =	sadd.s32 s1, s30  }
0xb9: {  	s0 =	sor.u32 s3, s0;
	s1 =	sshll.u32 s1, $0x11  }
0xba: {  	s0 =	sor.u32 s1, s0  }
0xbb: {  	s0 =	sadd.s32 $0x8F2B, s0  }
0xbc: {  	[sflag:s0] =	ssyncadd.remote.s32 $0x1  }
0xbd: {  	_ =	sfence.sel $0xFFFF  }
0xbe: {  	[dreg:$0x0] =	wrdreg $0xFFFFFFFF;
	(pc) =	sbr.abs _section_cstart, $3  }
0xbf: {  	[dreg:$0x1] =	wrdreg $0xFFFFFFFF  }
0xc0: {  	_ =	task.clear_ibuf [dreg:s6], $0x2FFFF;
	_ =	strace $0x9FFFFFFF  }
0xc1: {  	(tm) =	ssettm $0x7FFFFFFF  }
tec
execute0_lowered:
.L_overlay_start_1:
0x0: {  	(tag) =	ssettag $0x1  }
0x1: {  	s3 =	rddreg [dreg:$0x0]  }
0x2: {  	s0 =	rddreg [dreg:$0x1];
	s1 =	stileid.u32  }
0x3: {  	s4 =	srdreg.scid;
	s5 =	smul.u32 $0x2710, s1  }
0x4: {  	s2 =	simm.s32 $0x0;
	s4 =	sand.u32 $0x1, s4;
	s7 =	smul.u32 $0x27100, s1  }
0x5: {  	s10 =	simm.s32 $0x1;
	s11 =	simm.s32 $0x0;
	s6 =	smul.u32 $0x1388, s4  }
0x6: {  	[smem:$0x7FF] =	sst s2;
	s29 =	ssub.s32 $0x2, s4;
	s4 =	smul.u32 $0x13880, s4  }
0x7: {  	_ =	strace $0x8000004A;
	s7 =	sadd.s32 s7, s3;
	s8 =	sshrl.u32 s29, $0x1  }
0x8: {  	s5 =	sadd.s32 s6, s5;
	s30 =	ssub.s32 s29, s8;
	s31 =	sadd.s32 s4, s7  }
0x9: {  	s7 =	simm.s32 $0x2;
	s8 =	simm.s32 $0xC8;
	s5 =	sshrl.u32 s5, $0x3  }
0xa: {  	s4 =	smax.u32 s30, $0x1;
	s9 =	sadd.s32 s5, s3;
	s3 =	sadd.s32 $0x9E00, s3  }
0xb: {  	s5 =	sadd.s32 $0x142600, s31;
	s6 =	sadd.s32 $0x4E00, s9;
	s9 =	simm.s32 $0x100  }
.LBB2_1:
0xc: {  	s12 =	sadd.s32 $0x0, s6  }
0xd: {  	[tilespmem:s2], [sflag:$0x2] =	stream.linear.gather [hbm4b:s12+s2], $0xC8, $0x38;
	[tilespmem:$0x6500] =	vst v63  }
0xe: {  	_ =	swait.ge [sflag:s7], $0xC8  }
0xf: {  	[sflag:s7] =	ssyncset.done $0x0  }
0x10: {  	[sflag:s7] =	ssyncadd.s32 $0xFFFFFF38  }
0x11: {  	[tilespmem:s9], [sflag:$0x1] =	stream.indirect.gather [hbm4b:s3+s8], $0x80, s2, s8, $0xb8;
	[tilespmem:$0x6500] =	vst v63  }
0x12: {  	_ =	swait.ge [sflag:s10], $0x6400  }
0x13: {  	[sflag:s10] =	ssyncset.done $0x0  }
0x14: {  	[sflag:s10] =	ssyncadd.s32 $0xFFFF9C00  }
0x15: {  	[hbm4b:s5+s2] =	stream.linear.scatter [tilespmem:s9], [sflag:$0x2], $0x6400, $0x38;
	[tilespmem:$0x6500] =	vst v63  }
0x16: {  	s13 =	simm.s32 $0x19;
	_ =	swait.ge [sflag:s7], $0x6400  }
0x17: {  	s14 =	simm.s32 $0x32;
	s12 =	sadd.s32 $0xC80, s5;
	[sflag:s7] =	ssyncset.done $0x0  }
.LBB2_2:
0x18: {  	s15 =	sadd.s32 s13, s6  }
0x19: {  	[sflag:s7] =	ssyncadd.s32 $0xFFFF9C00;
	s13 =	smov.u32 s14;
	s16 =	sadd.s32 $0x19, s14  }
0x1a: {  	[tilespmem:s2], [sflag:$0x2] =	stream.linear.gather [hbm4b:s15+s2], $0xC8, $0x38;
	[tilespmem:$0x6500] =	vst v63  }
0x1b: {  	p0 =	sne.s32 s14, $0x258;
	_ =	swait.ge [sflag:s7], $0xC8  }
0x1c: {  	[sflag:s7] =	ssyncset.done $0x0  }
0x1d: {  	[sflag:s7] =	ssyncadd.s32 $0xFFFFFF38  }
0x1e: {  	[tilespmem:s9], [sflag:$0x1] =	stream.indirect.gather [hbm4b:s3+s8], $0x80, s2, s8, $0xb8;
	[tilespmem:$0x6500] =	vst v63  }
0x1f: {  	_ =	swait.ge [sflag:s10], $0x6400  }
.Ltmp0:
0x20: {  	[sflag:s10] =	ssyncset.done $0x0;
	(pc) =	sbr.rel @p0 .LBB2_2-.Ltmp0, $4  }
0x21: {  	[sflag:s10] =	ssyncadd.s32 $0xFFFF9C00  }
0x22: {  	[hbm4b:s12+s2] =	stream.linear.scatter [tilespmem:s9], [sflag:$0x2], $0x6400, $0x38;
	[tilespmem:$0x6500] =	vst v63  }
0x23: {  	_ =	swait.ge [sflag:s7], $0x6400  }
0x24: {  	s14 =	smov.u32 s16;
	s12 =	sadd.s32 $0xC80, s12;
	[sflag:s7] =	ssyncset.done $0x0  }
0x25: {  	s13 =	sadd.s32 s13, s6;
	[sflag:s7] =	ssyncadd.s32 $0xFFFF9C00  }
0x26: {  	[tilespmem:s2], [sflag:$0x2] =	stream.linear.gather [hbm4b:s13+s2], $0xC8, $0x38;
	[tilespmem:$0x6500] =	vst v63  }
0x27: {  	_ =	swait.ge [sflag:s7], $0xC8  }
0x28: {  	[sflag:s7] =	ssyncset.done $0x0  }
0x29: {  	[sflag:s7] =	ssyncadd.s32 $0xFFFFFF38  }
0x2a: {  	[tilespmem:s9], [sflag:$0x1] =	stream.indirect.gather [hbm4b:s3+s8], $0x80, s2, s8, $0xb8;
	[tilespmem:$0x6500] =	vst v63  }
0x2b: {  	s11 =	sadd.s32 $0x1, s11;
	_ =	swait.ge [sflag:s10], $0x6400  }
0x2c: {  	p0 =	sne.s32 s11, s4;
	[sflag:s10] =	ssyncset.done $0x0  }
.Ltmp1:
0x2d: {  	[sflag:s10] =	ssyncadd.s32 $0xFFFF9C00;
	(pc) =	sbr.rel @p0 .LBB2_1-.Ltmp1, $4  }
0x2e: {  	[hbm4b:s12+s2] =	stream.linear.scatter [tilespmem:s9], [sflag:$0x2], $0x6400, $0x38;
	[tilespmem:$0x6500] =	vst v63  }
0x2f: {  	_ =	swait.ge [sflag:s7], $0x6400  }
0x30: {  	[sflag:s7] =	ssyncset.done $0x0  }
0x31: {  	[sflag:s7] =	ssyncadd.s32 $0xFFFF9C00  }
0x32: {  	_ =	sfence.sel $0x180000  }
0x33: {  	[bflag:$0x0] =	sbarrier.arrive $0xFFFF  }
0x34: {  	p0 =	sne.s32 s1, $0x0;
	_ =	strace $0x9000004A  }
0x35: {  	s0 =	sadd.s32 @!p0 $0x100000, s0;
	[bflag:$0x2] =	sbarrier.arrive $0xFFFF  }
0x36: {  	[sflag:s0] =	ssyncadd.tile.s32 @!p0 $0x1;
	_ =	shalt  }
.Lfunc_end2:
_tile_overlayer_lowered:
.L_overlay_start_2:
0x37: {  	(tag) =	ssettag $0x2  }
0x38: {  	s0 =	rddreg [dreg:$0x0];
	s2 =	stileid.u32  }
0x39: {  	s1 =	rddreg [dreg:$0x1];
	p0 =	sne.s32 s2, $0x0  }
0x3a: {  	s3 =	rddreg [dreg:$0x2];
	[bflag:$0x3] =	sbarrier.arrive $0xFFFF;
	s2 =	simm.s32 @!p0 $0x1C02  }
0x3b: {  	[timem:s3], [sflag:s2] =	dma.local @!p0 [hbm:s0], s1  }
0x3c: {  	s0 =	simm.s32 @!p0 $0x2  }
0x3d: {  	_ =	swait.ge @!p0 [sflag:s0], s1  }
0x3e: {  	s1 =	ssub.s32 @!p0 $0x0, s1;
	[sflag:s0] =	ssyncset.done @!p0 $0x0  }
0x3f: {  	[sflag:s0] =	ssyncadd.s32 @!p0 s1  }
0x40: {  	[bflag:$0x3] =	sbarrier.arrive $0xFFFF  }
0x41: {  	_ =	shalt  }

// kernel: kernel.16.cloned.1.call-start
scs
__scs_entry_jumppad:
0x0: {  	(pc) =	sbr.rel $0x88, $3  }
0x1: {  	(tag) =	ssettag $0x0;
	lr =	simm.s32 $0x1  }
0x2: {  	[smem:$0x3F8E] =	sst lr;
	_ =	strace $0xD0000000  }
0x3: {  	_ = 	snop  }
0x4: {  	_ = 	snop  }
0x5: {  	_ = 	snop  }
0x6: {  	_ = 	snop  }
0x7: {  	_ = 	snop  }
__scs_overlays_trampoline_lowered:
0x8: {  	[smem:$0x3F9D] =	sst s0  }
0x9: {  	[smem:$0x3F9E] =	sst s1  }
0xa: {  	[smem:$0x3F9F] =	sst s2  }
0xb: {  	[smem:$0x3FA0] =	sst s3  }
0xc: {  	[smem:$0x3FA1] =	sst s4  }
0xd: {  	[smem:$0x3FA2] =	sst s5  }
0xe: {  	[smem:$0x3FA3] =	sst s6  }
0xf: {  	[smem:$0x3FA4] =	sst s7  }
0x10: {  	[smem:$0x3FA5] =	sst s8  }
0x11: {  	[smem:$0x3FA6] =	sst s9;
	s0 =	simm.s32 @!p0 $0x0  }
0x12: {  	s1 =	sld [smem:$0x3F8C];
	s0 =	simm.s32 @p0 $0x1  }
0x13: {  	[smem:$0x3FA7] =	sst s0;
	s0 =	simm.s32 @!p1 $0x0  }
0x14: {  	s2 =	sld [smem:$0x3F8B];
	s0 =	simm.s32 @p1 $0x1  }
0x15: {  	[smem:$0x3FA8] =	sst s0;
	s0 =	simm.s32 @!p2 $0x0  }
0x16: {  	s3 =	sld [smem:$0x3FDB];
	s0 =	simm.s32 @p2 $0x1  }
0x17: {  	s4 =	simm.s32 $0x1BF5;
	[smem:$0x3FAA] =	sst s0  }
0x18: {  	s0 =	sld [smem:$0x3F8D];
	_ =	swait.ge [sflag:s4], $0x0  }
0x19: {  	s7 =	sld [smem:$0x3F8E]  }
0x1a: {  	s8 =	sadd.s32 $0xFFFFE003, lr  }
0x1b: {  	s9 =	sadd.s32 $0xFFFFFEF7, lr;
	s5 =	simm.s32 $0xFFFFFFFF;
	p2 =	slt.u32 s8, $0xFFFFF086  }
0x1c: {  	p1 =	slt.u32 s9, $0xF7A;
	s5 =	simm.s32 @!p2 $0x0  }
0x1d: {  	s5 =	simm.s32 @p1 $0x1;
	p0 =	seq.s32 s7, s2  }
0x1e: {  	s7 =	smul.u32 @!p0 $0xF7A, s2;
	p2 =	seq.s32 @!p0 s5, $0x0  }
0x1f: {  	s9 =	smul.u32 $0xF7A, s1;
	s8 =	simm.s32 @!p0 $0x1BF5;
	p2 =	por !p2, p0  }
0x20: {  	[sflag:s8] =	ssyncset.s32 @!p0 $0xFFFFF086;
	s6 =	sadd.s32 @!p0 s3, s7;
	s7 =	simm.s32 @!p0 $0x108  }
0x21: {  	s3 =	sadd.s32 s3, s9;
	s6 =	sadd.s32 @!p0 $0x88, s6;
	s7 =	simm.s32 @p2 $0x1082  }
0x22: {  	[simem:s7], [sflag:s8] =	dma.local @!p0 [hbm:s6], $0xF7A  }
0x23: {  	s9 =	sor.u32 $0xD0000000, s2;
	s6 =	simm.s32 $0x108;
	_ =	swait.ge @!p0 [sflag:s8], $0x0  }
0x24: {  	s3 =	sadd.s32 $0x88, s3;
	s6 =	simm.s32 @!p1 $0x1082;
	[sflag:s4] =	ssyncset.s32 $0xFFFFF086  }
0x25: {  	[simem:s6], [sflag:s4] =	dma.local [hbm:s3], $0xF7A  }
0x26: {  	[smem:$0x3F8E] =	sst s1;
	(tag) =	ssettag s2;
	_ =	strace s9  }
0x27: {  	s1 =	sld [smem:$0x3F9E]  }
0x28: {  	s2 =	sld [smem:$0x3F9F]  }
0x29: {  	s4 =	sld [smem:$0x3FA1]  }
0x2a: {  	p0 =	seq.s32 s5, $0x0;
	s5 =	sld [smem:$0x3FA2]  }
0x2b: {  	s6 =	sld [smem:$0x3FA3]  }
0x2c: {  	s7 =	sld [smem:$0x3FA4]  }
0x2d: {  	s3 =	simm.s32 $0x108;
	s8 =	sld [smem:$0x3FA5]  }
0x2e: {  	s3 =	simm.s32 @!p0 $0x1082;
	s9 =	sld [smem:$0x3FA6]  }
0x2f: {  	lr =	sadd.s32 s0, s3;
	s0 =	sld [smem:$0x3F9D]  }
0x30: {  	s3 =	sld [smem:$0x3FA0]  }
0x31: {  	[smem:$0x3FA9] =	sst s10  }
0x32: {  	s10 =	sld [smem:$0x3FA7];
	_ =	sdelay $0x3  }
0x33: {  	p0 =	seq.s32 s10, $0x1;
	s10 =	sld [smem:$0x3FA9];
	_ =	sdelay $0x3  }
0x34: {  	[smem:$0x3FA9] =	sst s10  }
0x35: {  	s10 =	sld [smem:$0x3FA8];
	_ =	sdelay $0x3  }
0x36: {  	p1 =	seq.s32 s10, $0x1;
	s10 =	sld [smem:$0x3FA9];
	_ =	sdelay $0x3  }
0x37: {  	[smem:$0x3FA9] =	sst s10  }
0x38: {  	s10 =	sld [smem:$0x3FAA]  }
0x39: {  	_ = 	snop;
	(pc) =	sbr.ind lr, $3  }
0x3a: {  	_ = 	snop  }
0x3b: {  	_ = 	snop  }
0x3c: {  	p2 =	seq.s32 s10, $0x1;
	s10 =	sld [smem:$0x3FA9]  }
0x3d: {  	_ =	shalt  }
0x3e: {  	_ =	shalt  }
0x3f: {  	_ =	shalt  }
0x40: {  	_ =	shalt  }
0x41: {  	_ =	shalt  }
0x42: {  	_ =	shalt  }
0x43: {  	_ =	shalt  }
0x44: {  	_ =	shalt  }
0x45: {  	_ =	shalt  }
0x46: {  	_ =	shalt  }
0x47: {  	_ =	shalt  }
0x48: {  	_ =	shalt  }
0x49: {  	_ =	shalt  }
0x4a: {  	_ =	shalt  }
0x4b: {  	_ =	shalt  }
0x4c: {  	_ =	shalt  }
0x4d: {  	_ =	shalt  }
0x4e: {  	_ =	shalt  }
0x4f: {  	_ =	shalt  }
0x50: {  	_ =	shalt  }
0x51: {  	_ =	shalt  }
0x52: {  	_ =	shalt  }
0x53: {  	_ =	shalt  }
0x54: {  	_ =	shalt  }
0x55: {  	_ =	shalt  }
0x56: {  	_ =	shalt  }
0x57: {  	_ =	shalt  }
0x58: {  	_ =	shalt  }
0x59: {  	_ =	shalt  }
0x5a: {  	_ =	shalt  }
0x5b: {  	_ =	shalt  }
0x5c: {  	_ =	shalt  }
0x5d: {  	_ =	shalt  }
0x5e: {  	_ =	shalt  }
0x5f: {  	_ =	shalt  }
0x60: {  	_ =	shalt  }
0x61: {  	_ =	shalt  }
0x62: {  	_ =	shalt  }
0x63: {  	_ =	shalt  }
0x64: {  	_ =	shalt  }
0x65: {  	_ =	shalt  }
0x66: {  	_ =	shalt  }
0x67: {  	_ =	shalt  }
0x68: {  	_ =	shalt  }
0x69: {  	_ =	shalt  }
0x6a: {  	_ =	shalt  }
0x6b: {  	_ =	shalt  }
0x6c: {  	_ =	shalt  }
0x6d: {  	_ =	shalt  }
0x6e: {  	_ =	shalt  }
0x6f: {  	_ =	shalt  }
0x70: {  	_ =	shalt  }
0x71: {  	_ =	shalt  }
0x72: {  	_ =	shalt  }
0x73: {  	_ =	shalt  }
0x74: {  	_ =	shalt  }
0x75: {  	_ =	shalt  }
0x76: {  	_ =	shalt  }
0x77: {  	_ =	shalt  }
0x78: {  	_ =	shalt  }
0x79: {  	_ =	shalt  }
0x7a: {  	_ =	shalt  }
0x7b: {  	_ =	shalt  }
0x7c: {  	_ =	shalt  }
0x7d: {  	_ =	shalt  }
0x7e: {  	_ =	shalt  }
0x7f: {  	_ =	shalt  }
0x80: {  	_ =	shalt  }
0x81: {  	_ =	shalt  }
0x82: {  	_ =	shalt  }
0x83: {  	_ =	shalt  }
0x84: {  	_ =	shalt  }
0x85: {  	_ =	shalt  }
0x86: {  	_ =	shalt  }
0x87: {  	_ =	shalt  }
.Lfunc_end0:
.L_simem_size_0:
called_computation.2_lowered:
.L_overlay_start_0:
0x88: {  	s2 =	sld [smem:$0x3FD9]  }
0x89: {  	s3 =	sld [smem:$0x3FFE];
	_ =	sdelay $0x1  }
0x8a: {  	s1 =	srdreg.scid  }
0x8b: {  	s0 =	sand.u32 $0x1, s1  }
0x8c: {  	s16 =	sshll.u32 s0, $0xA;
	s2 =	sadd.s32 s3, s2  }
0x8d: {  	s2 =	sadd.s32 s2, s16  }
0x8e: {  	[smem:$0x3FB5] =	sst s2  }
0x8f: {  	_ = 	snop  }
0x90: {  	(tm) =	ssettm $0x1  }
0x91: {  	s17 =	sld [smem:$0x3FFB];
	_ =	sdelay $0x3  }
0x92: {  	_ =	strace s17  }
0x93: {  	s2 =	sld [smem:$0x3FFC];
	_ =	sdelay $0x3  }
0x94: {  	_ =	strace s2  }
0x95: {  	s2 =	sld [smem:$0x3FFD];
	_ =	sdelay $0x3  }
0x96: {  	_ =	strace s2  }
0x97: {  	_ =	strace $0x8FFFFFFF  }
0x98: {  	s18 =	sld [smem:$0x3FDB];
	_ =	sdelay $0x1  }
0x99: {  	s19 =	simm.s32 $_scs_section_size  }
0x9a: {  	s4 =	simm.s32 $_size__tile_overlayer_lowered;
	s5 =	simm.s32 $_tile_overlayer_lowered  }
0x9b: {  	s22 =	simm.s32 $0x1BFF;
	s21 =	sshll.u32 s5, $0x1;
	s2 =	sadd.s32 s19, s18  }
0x9c: {  	s6 =	simm.s32 $0x0;
	s20 =	sshll.u32 s4, $0x1;
	s4 =	sadd.s32 s21, s2  }
0x9d: {  	[timem:s6], [sflag:s22] =	dma.local [hbm:s4], s20  }
0x9e: {  	_ =	swait.ge [sflag:s22], s20  }
0x9f: {  	s3 =	ssub.s32 $0x0, s20;
	[sflag:s22] =	ssyncset.done $0x0  }
0xa0: {  	[sflag:s22] =	ssyncadd.s32 s3;
	_ =	sdelay $0x1  }
0xa1: {  	s23 =	simm.s32 $0x1B8B  }
0xa2: {  	_ =	swait.ge [sflag:s23], $0x1  }
0xa3: {  	[sflag:s23] =	ssyncset.done $0x0  }
0xa4: {  	s25 =	simm.s32 $0x1B8E;
	s24 =	sld [smem:$0x3FFE];
	[sflag:s23] =	ssyncadd.s32 $0xFFFFFFFF  }
0xa5: {  	s26 =	simm.s32 $execute0_lowered;
	[smem:$0x3FD2] =	sst s25  }
0xa6: {  	s4 =	sshll.u32 s26, $0x1;
	_ =	strace $0x8000004C;
	[dreg:$0x1] =	wrdreg $0xFFFFFFFF  }
0xa7: {  	s28 =	simm.s32 $_size_execute0_lowered;
	s2 =	sadd.s32 s2, s4;
	[dreg:$0x0] =	wrdreg $0x0  }
0xa8: {  	s4 =	sshll.u32 s28, $0x1;
	[dreg:$0x2] =	wrdreg s2  }
0xa9: {  	[dreg:$0x3] =	wrdreg s4  }
0xaa: {  	[dreg:$0x4] =	wrdreg $0xC0  }
0xab: {  	_ =	task [dreg:s6], $0x5FFFF  }
0xac: {  	[dreg:$0x1] =	wrdreg $0xFFFFFFFF  }
0xad: {  	[dreg:$0x0] =	wrdreg $0x60  }
0xae: {  	[dreg:$0x2] =	wrdreg s24  }
0xaf: {  	[dreg:$0x3] =	wrdreg $0x9  }
0xb0: {  	_ =	task.clear_ibuf [dreg:s6], $0x4FFFF;
	_ =	strace $0x9000004C  }
0xb1: {  	s29 =	simm.s32 $0x9;
	_ =	strace $0x8000004E  }
0xb2: {  	_ =	swait.ge [sflag:s29], $0x1  }
0xb3: {  	[sflag:s29] =	ssyncadd.s32 $0xFFFFFFFF  }
0xb4: {  	_ =	strace $0x9000004E  }
0xb5: {  	_ =	sfence  }
0xb6: {  	s30 =	sld [smem:$0x0];
	_ =	sdelay $0x2  }
0xb7: {  	s31 =	sshll.u32 s1, $0xD;
	s1 =	sshrl.u32 s1, $0x2  }
0xb8: {  	s3 =	sand.u32 $0x4000, s31;
	s1 =	sadd.s32 s1, s30  }
0xb9: {  	s0 =	sor.u32 s3, s0;
	s1 =	sshll.u32 s1, $0x11  }
0xba: {  	s0 =	sor.u32 s1, s0  }
0xbb: {  	s0 =	sadd.s32 $0x8F2B, s0  }
0xbc: {  	[sflag:s0] =	ssyncadd.remote.s32 $0x1  }
0xbd: {  	_ =	sfence.sel $0xFFFF  }
0xbe: {  	[dreg:$0x0] =	wrdreg $0xFFFFFFFF;
	(pc) =	sbr.abs _section_cstart, $3  }
0xbf: {  	[dreg:$0x1] =	wrdreg $0xFFFFFFFF  }
0xc0: {  	_ =	task.clear_ibuf [dreg:s6], $0x2FFFF;
	_ =	strace $0x9FFFFFFF  }
0xc1: {  	(tm) =	ssettm $0x7FFFFFFF  }
tec
execute0_lowered:
.L_overlay_start_1:
0x0: {  	(tag) =	ssettag $0x1  }
0x1: {  	s3 =	rddreg [dreg:$0x0]  }
0x2: {  	s0 =	rddreg [dreg:$0x1];
	s1 =	stileid.u32  }
0x3: {  	s4 =	srdreg.scid;
	s5 =	smul.u32 $0x2710, s1  }
0x4: {  	s2 =	simm.s32 $0x0;
	s4 =	sand.u32 $0x1, s4;
	s7 =	smul.u32 $0x27100, s1  }
0x5: {  	s10 =	simm.s32 $0x1;
	s11 =	simm.s32 $0x0;
	s6 =	smul.u32 $0x1388, s4  }
0x6: {  	[smem:$0x7FF] =	sst s2;
	s29 =	ssub.s32 $0x2, s4;
	s4 =	smul.u32 $0x13880, s4  }
0x7: {  	_ =	strace $0x8000004D;
	s7 =	sadd.s32 s7, s3;
	s8 =	sshrl.u32 s29, $0x1  }
0x8: {  	s5 =	sadd.s32 s6, s5;
	s30 =	ssub.s32 s29, s8;
	s31 =	sadd.s32 s4, s7  }
0x9: {  	s7 =	simm.s32 $0x2;
	s8 =	simm.s32 $0xC8;
	s5 =	sshrl.u32 s5, $0x3  }
0xa: {  	s4 =	smax.u32 s30, $0x1;
	s9 =	sadd.s32 s5, s3;
	s3 =	sadd.s32 $0x9E00, s3  }
0xb: {  	s5 =	sadd.s32 $0x142600, s31;
	s6 =	sadd.s32 $0x4E00, s9;
	s9 =	simm.s32 $0x100  }
.LBB2_1:
0xc: {  	s12 =	sadd.s32 $0x0, s6  }
0xd: {  	[tilespmem:s2], [sflag:$0x2] =	stream.linear.gather [hbm4b:s12+s2], $0xC8, $0x38;
	[tilespmem:$0x6500] =	vst v63  }
0xe: {  	_ =	swait.ge [sflag:s7], $0xC8  }
0xf: {  	[sflag:s7] =	ssyncset.done $0x0  }
0x10: {  	[sflag:s7] =	ssyncadd.s32 $0xFFFFFF38  }
0x11: {  	[tilespmem:s9], [sflag:$0x1] =	stream.indirect.gather [hbm4b:s3+s8], $0x80, s2, s8, $0xb8;
	[tilespmem:$0x6500] =	vst v63  }
0x12: {  	_ =	swait.ge [sflag:s10], $0x6400  }
0x13: {  	[sflag:s10] =	ssyncset.done $0x0  }
0x14: {  	[sflag:s10] =	ssyncadd.s32 $0xFFFF9C00  }
0x15: {  	[hbm4b:s5+s2] =	stream.linear.scatter [tilespmem:s9], [sflag:$0x2], $0x6400, $0x38;
	[tilespmem:$0x6500] =	vst v63  }
0x16: {  	s13 =	simm.s32 $0x19;
	_ =	swait.ge [sflag:s7], $0x6400  }
0x17: {  	s14 =	simm.s32 $0x32;
	s12 =	sadd.s32 $0xC80, s5;
	[sflag:s7] =	ssyncset.done $0x0  }
.LBB2_2:
0x18: {  	s15 =	sadd.s32 s13, s6  }
0x19: {  	[sflag:s7] =	ssyncadd.s32 $0xFFFF9C00;
	s13 =	smov.u32 s14;
	s16 =	sadd.s32 $0x19, s14  }
0x1a: {  	[tilespmem:s2], [sflag:$0x2] =	stream.linear.gather [hbm4b:s15+s2], $0xC8, $0x38;
	[tilespmem:$0x6500] =	vst v63  }
0x1b: {  	p0 =	sne.s32 s14, $0x258;
	_ =	swait.ge [sflag:s7], $0xC8  }
0x1c: {  	[sflag:s7] =	ssyncset.done $0x0  }
0x1d: {  	[sflag:s7] =	ssyncadd.s32 $0xFFFFFF38  }
0x1e: {  	[tilespmem:s9], [sflag:$0x1] =	stream.indirect.gather [hbm4b:s3+s8], $0x80, s2, s8, $0xb8;
	[tilespmem:$0x6500] =	vst v63  }
0x1f: {  	_ =	swait.ge [sflag:s10], $0x6400  }
.Ltmp0:
0x20: {  	[sflag:s10] =	ssyncset.done $0x0;
	(pc) =	sbr.rel @p0 .LBB2_2-.Ltmp0, $4  }
0x21: {  	[sflag:s10] =	ssyncadd.s32 $0xFFFF9C00  }
0x22: {  	[hbm4b:s12+s2] =	stream.linear.scatter [tilespmem:s9], [sflag:$0x2], $0x6400, $0x38;
	[tilespmem:$0x6500] =	vst v63  }
0x23: {  	_ =	swait.ge [sflag:s7], $0x6400  }
0x24: {  	s14 =	smov.u32 s16;
	s12 =	sadd.s32 $0xC80, s12;
	[sflag:s7] =	ssyncset.done $0x0  }
0x25: {  	s13 =	sadd.s32 s13, s6;
	[sflag:s7] =	ssyncadd.s32 $0xFFFF9C00  }
0x26: {  	[tilespmem:s2], [sflag:$0x2] =	stream.linear.gather [hbm4b:s13+s2], $0xC8, $0x38;
	[tilespmem:$0x6500] =	vst v63  }
0x27: {  	_ =	swait.ge [sflag:s7], $0xC8  }
0x28: {  	[sflag:s7] =	ssyncset.done $0x0  }
0x29: {  	[sflag:s7] =	ssyncadd.s32 $0xFFFFFF38  }
0x2a: {  	[tilespmem:s9], [sflag:$0x1] =	stream.indirect.gather [hbm4b:s3+s8], $0x80, s2, s8, $0xb8;
	[tilespmem:$0x6500] =	vst v63  }
0x2b: {  	s11 =	sadd.s32 $0x1, s11;
	_ =	swait.ge [sflag:s10], $0x6400  }
0x2c: {  	p0 =	sne.s32 s11, s4;
	[sflag:s10] =	ssyncset.done $0x0  }
.Ltmp1:
0x2d: {  	[sflag:s10] =	ssyncadd.s32 $0xFFFF9C00;
	(pc) =	sbr.rel @p0 .LBB2_1-.Ltmp1, $4  }
0x2e: {  	[hbm4b:s12+s2] =	stream.linear.scatter [tilespmem:s9], [sflag:$0x2], $0x6400, $0x38;
	[tilespmem:$0x6500] =	vst v63  }
0x2f: {  	_ =	swait.ge [sflag:s7], $0x6400  }
0x30: {  	[sflag:s7] =	ssyncset.done $0x0  }
0x31: {  	[sflag:s7] =	ssyncadd.s32 $0xFFFF9C00  }
0x32: {  	_ =	sfence.sel $0x180000  }
0x33: {  	[bflag:$0x0] =	sbarrier.arrive $0xFFFF  }
0x34: {  	p0 =	sne.s32 s1, $0x0;
	_ =	strace $0x9000004D  }
0x35: {  	s0 =	sadd.s32 @!p0 $0x100000, s0;
	[bflag:$0x2] =	sbarrier.arrive $0xFFFF  }
0x36: {  	[sflag:s0] =	ssyncadd.tile.s32 @!p0 $0x1;
	_ =	shalt  }
.Lfunc_end2:
_tile_overlayer_lowered:
.L_overlay_start_2:
0x37: {  	(tag) =	ssettag $0x2  }
0x38: {  	s0 =	rddreg [dreg:$0x0];
	s2 =	stileid.u32  }
0x39: {  	s1 =	rddreg [dreg:$0x1];
	p0 =	sne.s32 s2, $0x0  }
0x3a: {  	s3 =	rddreg [dreg:$0x2];
	[bflag:$0x3] =	sbarrier.arrive $0xFFFF;
	s2 =	simm.s32 @!p0 $0x1C02  }
0x3b: {  	[timem:s3], [sflag:s2] =	dma.local @!p0 [hbm:s0], s1  }
0x3c: {  	s0 =	simm.s32 @!p0 $0x2  }
0x3d: {  	_ =	swait.ge @!p0 [sflag:s0], s1  }
0x3e: {  	s1 =	ssub.s32 @!p0 $0x0, s1;
	[sflag:s0] =	ssyncset.done @!p0 $0x0  }
0x3f: {  	[sflag:s0] =	ssyncadd.s32 @!p0 s1  }
0x40: {  	[bflag:$0x3] =	sbarrier.arrive $0xFFFF  }
0x41: {  	_ =	shalt  }

</sc_bundles>
